<compile_context>
chip_gen: v7x
topology: tpu7x:2x2x1
jax: 0.10.2.dev20260603
libtpu: 0.0.44.dev20260713+nightly
codegen_flags: <defaults>
</compile_context>

<pallas_src>
import jax
import jax.numpy as jnp
from jax import lax
from jax.experimental import pallas as pl
from jax.experimental.pallas import tpu as pltpu
from jax.experimental.pallas import tpu_sc as plsc

EPS = 1e-05
LANES = 16
NUM_CORES = 2
NUM_SUBCORES = 16
NUM_WORKERS = NUM_CORES * NUM_SUBCORES
BLK = 8
PASS_ROWS = 16


def _sc_stage(theta, u2, v2, batch, dim, b_per_w):
    n_pass = b_per_w // PASS_ROWS
    mesh = plsc.VectorSubcoreMesh(core_axis_name="c", subcore_axis_name="s")

    def body(theta_hbm, u_hbm, v_hbm, d2_hbm, prod_hbm,
             iv_u, iv_v, su0, sv0, su1, sv1, d2_v, prod_v, sem0, sem1):
        cid = lax.axis_index("c")
        sid = lax.axis_index("s")
        wid = sid * NUM_CORES + cid
        base = wid * b_per_w
        pltpu.sync_copy(u_hbm.at[wid], iv_u)
        pltpu.sync_copy(v_hbm.at[wid], iv_v)
        iota = lax.iota(jnp.int32, LANES)

        def fire(p, stage_u, stage_v, sem):
            iu = iv_u[pl.ds(p * PASS_ROWS, LANES)]
            ivv = iv_v[pl.ds(p * PASS_ROWS, LANES)]
            bu_v = lax.shift_right_logical(iu, 3) * BLK
            bv_v = lax.shift_right_logical(ivv, 3) * BLK
            for l in range(LANES):
                dst = l * BLK
                pltpu.async_copy(
                    theta_hbm.at[pl.ds(pl.multiple_of(bu_v[l], BLK), BLK)],
                    stage_u.at[pl.ds(dst, BLK)], sem)
                pltpu.async_copy(
                    theta_hbm.at[pl.ds(pl.multiple_of(bv_v[l], BLK), BLK)],
                    stage_v.at[pl.ds(dst, BLK)], sem)

        def wait(stage_u, stage_v, sem):
            pltpu.make_async_copy(
                theta_hbm.at[pl.ds(0, PASS_ROWS * BLK)], stage_u, sem).wait()
            pltpu.make_async_copy(
                theta_hbm.at[pl.ds(0, PASS_ROWS * BLK)], stage_v, sem).wait()

        def compute(p, stage_u, stage_v):
            goff = p * PASS_ROWS
            iu = iv_u[pl.ds(goff, LANES)]
            ivv = iv_v[pl.ds(goff, LANES)]
            srow_u = iota * BLK + (iu & (BLK - 1))
            srow_v = iota * BLK + (ivv & (BLK - 1))
            nu = jnp.zeros((LANES,), jnp.float32)
            nv = jnp.zeros((LANES,), jnp.float32)
            d2 = jnp.zeros((LANES,), jnp.float32)
            for d in range(dim):
                col = jnp.full((LANES,), d, jnp.int32)
                a = plsc.load_gather(stage_u, [srow_u, col])
                b = plsc.load_gather(stage_v, [srow_v, col])
                nu = nu + a * a
                nv = nv + b * b
                df = a - b
                d2 = d2 + df * df
            one_mu = 1.0 - jnp.minimum(nu, 1.0 - EPS)
            one_mv = 1.0 - jnp.minimum(nv, 1.0 - EPS)
            d2_v[pl.ds(goff, LANES)] = d2
            prod_v[pl.ds(goff, LANES)] = one_mu * one_mv

        fire(0, su0, sv0, sem0)

        def pair(k, carry):
            fire(2 * k + 1, su1, sv1, sem1)
            wait(su0, sv0, sem0)
            compute(2 * k, su0, sv0)

            @pl.when(k < n_pass // 2 - 1)
            def _():
                fire(2 * k + 2, su0, sv0, sem0)

            wait(su1, sv1, sem1)
            compute(2 * k + 1, su1, sv1)
            return carry

        lax.fori_loop(0, n_pass // 2, pair, 0)
        pltpu.sync_copy(d2_v, d2_hbm.at[pl.ds(base, b_per_w)])
        pltpu.sync_copy(prod_v, prod_hbm.at[pl.ds(base, b_per_w)])

    f = pl.kernel(
        body,
        mesh=mesh,
        compiler_params=pltpu.CompilerParams(
            needs_layout_passes=False, use_tc_tiling_on_sc=True),
        out_type=(
            jax.ShapeDtypeStruct((batch,), jnp.float32),
            jax.ShapeDtypeStruct((batch,), jnp.float32),
        ),
        scratch_types=[
            pltpu.VMEM((b_per_w,), jnp.int32),
            pltpu.VMEM((b_per_w,), jnp.int32),
            pltpu.VMEM((PASS_ROWS * BLK, dim), jnp.float32),
            pltpu.VMEM((PASS_ROWS * BLK, dim), jnp.float32),
            pltpu.VMEM((PASS_ROWS * BLK, dim), jnp.float32),
            pltpu.VMEM((PASS_ROWS * BLK, dim), jnp.float32),
            pltpu.VMEM((b_per_w,), jnp.float32),
            pltpu.VMEM((b_per_w,), jnp.float32),
            pltpu.SemaphoreType.DMA,
            pltpu.SemaphoreType.DMA,
        ],
    )
    return f(theta, u2, v2)


def _tc_body(r_ref, t_ref, d2_ref, prod_ref, o_ref):
    rr = r_ref[0]
    tt = t_ref[0]
    d2 = d2_ref[...]
    pr = prod_ref[...]
    s = 2.0 * jnp.sqrt(d2 + EPS) / pr
    duv = jnp.log(1.0 + s + jnp.sqrt(s * (s + 2.0)))
    o_ref[...] = 1.0 / (jnp.exp((duv - rr) / tt) + 1.0)


def kernel(u, v, theta, r, t):
    batch = u.shape[0]
    dim = theta.shape[1]
    b_per_w = batch // NUM_WORKERS
    u2 = u.reshape(NUM_WORKERS, b_per_w)
    v2 = v.reshape(NUM_WORKERS, b_per_w)
    d2, prod = _sc_stage(theta, u2, v2, batch, dim, b_per_w)

    rows = batch // 128
    out = pl.pallas_call(
        _tc_body,
        out_shape=jax.ShapeDtypeStruct((rows, 128), jnp.float32),
        in_specs=[
            pl.BlockSpec(memory_space=pltpu.SMEM),
            pl.BlockSpec(memory_space=pltpu.SMEM),
            pl.BlockSpec(memory_space=pltpu.VMEM),
            pl.BlockSpec(memory_space=pltpu.VMEM),
        ],
    )(r.reshape(1), t.reshape(1), d2.reshape(rows, 128), prod.reshape(rows, 128))
    return out.reshape(batch)

# --- scband reference (transcript-rebuilt; emitter-appended) ---
"""Pipeline reference for scband-poincare-embedding-16355235463644 (READ-ONLY COPY).

The authoritative reference and input builder live on the scoring server;
editing this copy changes nothing except your own understanding.
"""

import jax, jax.numpy as jnp
import numpy as np

NUM_ITEMS = 1000000
LATENT_DIM = 32
BATCH = 16384
EPS = 1e-05


def setup_inputs(seed: int = 0) -> dict:
    key = jax.random.key(seed)
    k1, k2, k3 = jax.random.split(key, 3)
    u = jax.random.randint(k1, (BATCH,), 0, NUM_ITEMS, dtype=jnp.int64 if jax.config.jax_enable_x64 else jnp.int32).astype(jnp.int32)
    v = jax.random.randint(k2, (BATCH,), 0, NUM_ITEMS, dtype=jnp.int64 if jax.config.jax_enable_x64 else jnp.int32).astype(jnp.int32)
    theta = jax.random.uniform(k3, (NUM_ITEMS, LATENT_DIM), minval=-0.001, maxval=0.001, dtype=jnp.float32)
    r = jnp.asarray(0.1, dtype=jnp.float32)
    t = jnp.asarray(0.1, dtype=jnp.float32)
    return {"u": u, "v": v, "theta": theta, "r": r, "t": t}


def _distance(eu, ev, eps=EPS):
    one_minus_u_norm_sq = 1.0 - jnp.clip(jnp.sum(eu * eu, axis=-1), 0.0, 1.0 - eps)
    one_minus_v_norm_sq = 1.0 - jnp.clip(jnp.sum(ev * ev, axis=-1), 0.0, 1.0 - eps)
    u_minus_v_norm_sq = jnp.sqrt(jnp.sum(jnp.power(eu - ev, 2), axis=-1) + eps)
    return jnp.arccosh(1.0 + 2.0 * u_minus_v_norm_sq / (one_minus_u_norm_sq * one_minus_v_norm_sq))


def reference(u, v, theta, r, t):
    # embedding lookup (gather)
    eu = jnp.take(theta, u, axis=0)
    ev = jnp.take(theta, v, axis=0)
    duv = _distance(eu, ev)
    # fermi_dirac
    return 1.0 / (jnp.exp((duv - r) / t) + 1.0)

if __name__ == "__main__":
    import jax
    _d = setup_inputs()
    print(jax.jit(kernel)(*tuple(_d.values())))

</pallas_src>

<mosaic_0001>
#map = affine_map<(d0, d1) -> (0, 0)>
#map1 = affine_map<(d0, d1) -> (0)>
module attributes {stable_mosaic.version = 14 : i64} {
  func.func @body(%arg0: i32, %arg1: i32, %arg2: memref<1000000x32xf32, #tpu.memory_space<hbm>>, %arg3: memref<32x512xi32, #tpu.memory_space<hbm>>, %arg4: memref<32x512xi32, #tpu.memory_space<hbm>>, %arg5: memref<16384xf32, #tpu.memory_space<hbm>>, %arg6: memref<16384xf32, #tpu.memory_space<hbm>>, %arg7: memref<512xi32, #tpu.memory_space<vmem>>, %arg8: memref<512xi32, #tpu.memory_space<vmem>>, %arg9: memref<128x32xf32, #tpu.memory_space<vmem>>, %arg10: memref<128x32xf32, #tpu.memory_space<vmem>>, %arg11: memref<128x32xf32, #tpu.memory_space<vmem>>, %arg12: memref<128x32xf32, #tpu.memory_space<vmem>>, %arg13: memref<512xf32, #tpu.memory_space<vmem>>, %arg14: memref<512xf32, #tpu.memory_space<vmem>>, %arg15: memref<!tpu.dma_semaphore, #tpu.memory_space<semaphore_mem>>, %arg16: memref<!tpu.dma_semaphore, #tpu.memory_space<semaphore_mem>>) attributes {dimension_semantics = [#tpu.dimension_semantics<core_parallel>, #tpu.dimension_semantics<subcore_parallel>], iteration_bounds = array<i64: 2, 16>, scalar_prefetch = 0 : i64, scratch_operands = 10 : i64, tpu.core_type = #tpu.core_type<sc_vector_subcore>, window_params = [{transform_indices = #map}, {transform_indices = #map}, {transform_indices = #map}, {transform_indices = #map1}, {transform_indices = #map1}]} {
    %mul3A = arith.constant 2 : i32
    %mul3A_0 = arith.muli %arg1, %mul3A : i32
    %add3A = arith.addi %mul3A_0, %arg0 : i32
    %mul3A_1 = arith.constant 512 : i32
    %mul3A_2 = arith.muli %add3A, %mul3A_1 : i32
    "tpu.region"() ({
      %run_scoped3A = tpu.sem_alloc : memref<!tpu.dma_semaphore, #tpu.memory_space<semaphore_mem>>
      %dma_start3A_434 = arith.constant 0 : i32
      %dma_start3A_435 = tpu.memref_slice %arg3[%add3A, %dma_start3A_434] : memref<32x512xi32, #tpu.memory_space<hbm>> -> memref<1x512xi32, #tpu.memory_space<hbm>>
      %dma_start3A_436 = tpu.memref_squeeze %dma_start3A_435 : memref<1x512xi32, #tpu.memory_space<hbm>> -> memref<512xi32, #tpu.memory_space<hbm>>
      %dma_start3A_437 = arith.constant 0 : i32
      %dma_start3A_438 = tpu.memref_slice %arg3[%add3A, %dma_start3A_437] : memref<32x512xi32, #tpu.memory_space<hbm>> -> memref<1x512xi32, #tpu.memory_space<hbm>>
      %dma_start3A_439 = tpu.memref_squeeze %dma_start3A_438 : memref<1x512xi32, #tpu.memory_space<hbm>> -> memref<512xi32, #tpu.memory_space<hbm>>
      tpu.enqueue_dma source(%dma_start3A_439 : memref<512xi32, #tpu.memory_space<hbm>>) target(%arg7 : memref<512xi32, #tpu.memory_space<vmem>>) target_semaphore(%run_scoped3A : memref<!tpu.dma_semaphore, #tpu.memory_space<semaphore_mem>>)
      %dma_wait3A = arith.constant 0 : i32
      %dma_wait3A_440 = tpu.memref_slice %arg3[%add3A, %dma_wait3A] : memref<32x512xi32, #tpu.memory_space<hbm>> -> memref<1x512xi32, #tpu.memory_space<hbm>>
      %dma_wait3A_441 = tpu.memref_squeeze %dma_wait3A_440 : memref<1x512xi32, #tpu.memory_space<hbm>> -> memref<512xi32, #tpu.memory_space<hbm>>
      %dma_wait3A_442 = arith.constant 0 : i32
      %dma_wait3A_443 = tpu.memref_slice %arg3[%add3A, %dma_wait3A_442] : memref<32x512xi32, #tpu.memory_space<hbm>> -> memref<1x512xi32, #tpu.memory_space<hbm>>
      %dma_wait3A_444 = tpu.memref_squeeze %dma_wait3A_443 : memref<1x512xi32, #tpu.memory_space<hbm>> -> memref<512xi32, #tpu.memory_space<hbm>>
      tpu.wait_dma2 semaphore(%run_scoped3A : memref<!tpu.dma_semaphore, #tpu.memory_space<semaphore_mem>>) src(%dma_wait3A_444 : memref<512xi32, #tpu.memory_space<hbm>>) dst(%arg7 : memref<512xi32, #tpu.memory_space<vmem>>)
      tpu.yield
    }) : () -> ()
    "tpu.region"() ({
      %run_scoped3A = tpu.sem_alloc : memref<!tpu.dma_semaphore, #tpu.memory_space<semaphore_mem>>
      %dma_start3A_434 = arith.constant 0 : i32
      %dma_start3A_435 = tpu.memref_slice %arg4[%add3A, %dma_start3A_434] : memref<32x512xi32, #tpu.memory_space<hbm>> -> memref<1x512xi32, #tpu.memory_space<hbm>>
      %dma_start3A_436 = tpu.memref_squeeze %dma_start3A_435 : memref<1x512xi32, #tpu.memory_space<hbm>> -> memref<512xi32, #tpu.memory_space<hbm>>
      %dma_start3A_437 = arith.constant 0 : i32
      %dma_start3A_438 = tpu.memref_slice %arg4[%add3A, %dma_start3A_437] : memref<32x512xi32, #tpu.memory_space<hbm>> -> memref<1x512xi32, #tpu.memory_space<hbm>>
      %dma_start3A_439 = tpu.memref_squeeze %dma_start3A_438 : memref<1x512xi32, #tpu.memory_space<hbm>> -> memref<512xi32, #tpu.memory_space<hbm>>
      tpu.enqueue_dma source(%dma_start3A_439 : memref<512xi32, #tpu.memory_space<hbm>>) target(%arg8 : memref<512xi32, #tpu.memory_space<vmem>>) target_semaphore(%run_scoped3A : memref<!tpu.dma_semaphore, #tpu.memory_space<semaphore_mem>>)
      %dma_wait3A = arith.constant 0 : i32
      %dma_wait3A_440 = tpu.memref_slice %arg4[%add3A, %dma_wait3A] : memref<32x512xi32, #tpu.memory_space<hbm>> -> memref<1x512xi32, #tpu.memory_space<hbm>>
      %dma_wait3A_441 = tpu.memref_squeeze %dma_wait3A_440 : memref<1x512xi32, #tpu.memory_space<hbm>> -> memref<512xi32, #tpu.memory_space<hbm>>
      %dma_wait3A_442 = arith.constant 0 : i32
      %dma_wait3A_443 = tpu.memref_slice %arg4[%add3A, %dma_wait3A_442] : memref<32x512xi32, #tpu.memory_space<hbm>> -> memref<1x512xi32, #tpu.memory_space<hbm>>
      %dma_wait3A_444 = tpu.memref_squeeze %dma_wait3A_443 : memref<1x512xi32, #tpu.memory_space<hbm>> -> memref<512xi32, #tpu.memory_space<hbm>>
      tpu.wait_dma2 semaphore(%run_scoped3A : memref<!tpu.dma_semaphore, #tpu.memory_space<semaphore_mem>>) src(%dma_wait3A_444 : memref<512xi32, #tpu.memory_space<hbm>>) dst(%arg8 : memref<512xi32, #tpu.memory_space<vmem>>)
      tpu.yield
    }) : () -> ()
    %iota3A = tpu.iota {dimensions = array<i32: 0>} : vector<16xi32>
    %get3A = arith.constant 0 : index
    %get3A_3 = tpu.vector_load %arg7[%get3A] {strides = array<i32>} : memref<512xi32, #tpu.memory_space<vmem>>, vector<16xi32>,
    %get3A_4 = arith.constant 0 : index
    %get3A_5 = tpu.vector_load %arg8[%get3A_4] {strides = array<i32>} : memref<512xi32, #tpu.memory_space<vmem>>, vector<16xi32>,
    %shift_right_logical3A = arith.constant 3 : i32
    %shift_right_logical3A_6 = vector.broadcast %shift_right_logical3A : i32 to vector<16xi32>
    %shift_right_logical3A_7 = arith.shrui %get3A_3, %shift_right_logical3A_6 : vector<16xi32>
    %mul3A_8 = arith.constant 8 : i32
    %mul3A_9 = vector.broadcast %mul3A_8 : i32 to vector<16xi32>
    %mul3A_10 = arith.muli %shift_right_logical3A_7, %mul3A_9 : vector<16xi32>
    %shift_right_logical3A_11 = arith.constant 3 : i32
    %shift_right_logical3A_12 = vector.broadcast %shift_right_logical3A_11 : i32 to vector<16xi32>
    %shift_right_logical3A_13 = arith.shrui %get3A_5, %shift_right_logical3A_12 : vector<16xi32>
    %mul3A_14 = arith.constant 8 : i32
    %mul3A_15 = vector.broadcast %mul3A_14 : i32 to vector<16xi32>
    %mul3A_16 = arith.muli %shift_right_logical3A_13, %mul3A_15 : vector<16xi32>
    %slice3A = vector.extract_strided_slice %mul3A_10 {offsets = [0], sizes = [1], strides = [1]} : vector<16xi32> to vector<1xi32>
    %squeeze3A = vector.extract %slice3A[0] : i32 from vector<1xi32>
    %multiple_of3A = tpu.assume_multiple %squeeze3A, 8 : i32
    %dma_start3A = arith.constant 0 : i32
    %dma_start3A_17 = arith.constant 0 : i32
    %dma_start3A_18 = tpu.memref_slice %arg9[%dma_start3A, %dma_start3A_17] : memref<128x32xf32, #tpu.memory_space<vmem>> -> memref<8x32xf32, #tpu.memory_space<vmem>>
    %dma_start3A_19 = arith.constant 0 : i32
    %dma_start3A_20 = tpu.memref_slice %arg2[%multiple_of3A, %dma_start3A_19] : memref<1000000x32xf32, #tpu.memory_space<hbm>> -> memref<8x32xf32, #tpu.memory_space<hbm>>
    %dma_start3A_21 = arith.constant 0 : i32
    %dma_start3A_22 = arith.constant 0 : i32
    %dma_start3A_23 = tpu.memref_slice %arg9[%dma_start3A_21, %dma_start3A_22] : memref<128x32xf32, #tpu.memory_space<vmem>> -> memref<8x32xf32, #tpu.memory_space<vmem>>
    %dma_start3A_24 = arith.constant 0 : i32
    %dma_start3A_25 = tpu.memref_slice %arg2[%multiple_of3A, %dma_start3A_24] : memref<1000000x32xf32, #tpu.memory_space<hbm>> -> memref<8x32xf32, #tpu.memory_space<hbm>>
    tpu.enqueue_dma source(%dma_start3A_25 : memref<8x32xf32, #tpu.memory_space<hbm>>) target(%dma_start3A_23 : memref<8x32xf32, #tpu.memory_space<vmem>>) target_semaphore(%arg15 : memref<!tpu.dma_semaphore, #tpu.memory_space<semaphore_mem>>)
    %slice3A_26 = vector.extract_strided_slice %mul3A_16 {offsets = [0], sizes = [1], strides = [1]} : vector<16xi32> to vector<1xi32>
    %squeeze3A_27 = vector.extract %slice3A_26[0] : i32 from vector<1xi32>
    %multiple_of3A_28 = tpu.assume_multiple %squeeze3A_27, 8 : i32
    %dma_start3A_29 = arith.constant 0 : i32
    %dma_start3A_30 = arith.constant 0 : i32
    %dma_start3A_31 = tpu.memref_slice %arg10[%dma_start3A_29, %dma_start3A_30] : memref<128x32xf32, #tpu.memory_space<vmem>> -> memref<8x32xf32, #tpu.memory_space<vmem>>
    %dma_start3A_32 = arith.constant 0 : i32
    %dma_start3A_33 = tpu.memref_slice %arg2[%multiple_of3A_28, %dma_start3A_32] : memref<1000000x32xf32, #tpu.memory_space<hbm>> -> memref<8x32xf32, #tpu.memory_space<hbm>>
    %dma_start3A_34 = arith.constant 0 : i32
    %dma_start3A_35 = arith.constant 0 : i32
    %dma_start3A_36 = tpu.memref_slice %arg10[%dma_start3A_34, %dma_start3A_35] : memref<128x32xf32, #tpu.memory_space<vmem>> -> memref<8x32xf32, #tpu.memory_space<vmem>>
    %dma_start3A_37 = arith.constant 0 : i32
    %dma_start3A_38 = tpu.memref_slice %arg2[%multiple_of3A_28, %dma_start3A_37] : memref<1000000x32xf32, #tpu.memory_space<hbm>> -> memref<8x32xf32, #tpu.memory_space<hbm>>
    tpu.enqueue_dma source(%dma_start3A_38 : memref<8x32xf32, #tpu.memory_space<hbm>>) target(%dma_start3A_36 : memref<8x32xf32, #tpu.memory_space<vmem>>) target_semaphore(%arg15 : memref<!tpu.dma_semaphore, #tpu.memory_space<semaphore_mem>>)
    %slice3A_39 = vector.extract_strided_slice %mul3A_10 {offsets = [1], sizes = [1], strides = [1]} : vector<16xi32> to vector<1xi32>
    %squeeze3A_40 = vector.extract %slice3A_39[0] : i32 from vector<1xi32>
    %multiple_of3A_41 = tpu.assume_multiple %squeeze3A_40, 8 : i32
    %dma_start3A_42 = arith.constant 8 : i32
    %dma_start3A_43 = arith.constant 0 : i32
    %dma_start3A_44 = tpu.memref_slice %arg9[%dma_start3A_42, %dma_start3A_43] : memref<128x32xf32, #tpu.memory_space<vmem>> -> memref<8x32xf32, #tpu.memory_space<vmem>>
    %dma_start3A_45 = arith.constant 0 : i32
    %dma_start3A_46 = tpu.memref_slice %arg2[%multiple_of3A_41, %dma_start3A_45] : memref<1000000x32xf32, #tpu.memory_space<hbm>> -> memref<8x32xf32, #tpu.memory_space<hbm>>
    %dma_start3A_47 = arith.constant 8 : i32
    %dma_start3A_48 = arith.constant 0 : i32
    %dma_start3A_49 = tpu.memref_slice %arg9[%dma_start3A_47, %dma_start3A_48] : memref<128x32xf32, #tpu.memory_space<vmem>> -> memref<8x32xf32, #tpu.memory_space<vmem>>
    %dma_start3A_50 = arith.constant 0 : i32
    %dma_start3A_51 = tpu.memref_slice %arg2[%multiple_of3A_41, %dma_start3A_50] : memref<1000000x32xf32, #tpu.memory_space<hbm>> -> memref<8x32xf32, #tpu.memory_space<hbm>>
    tpu.enqueue_dma source(%dma_start3A_51 : memref<8x32xf32, #tpu.memory_space<hbm>>) target(%dma_start3A_49 : memref<8x32xf32, #tpu.memory_space<vmem>>) target_semaphore(%arg15 : memref<!tpu.dma_semaphore, #tpu.memory_space<semaphore_mem>>)
    %slice3A_52 = vector.extract_strided_slice %mul3A_16 {offsets = [1], sizes = [1], strides = [1]} : vector<16xi32> to vector<1xi32>
    %squeeze3A_53 = vector.extract %slice3A_52[0] : i32 from vector<1xi32>
    %multiple_of3A_54 = tpu.assume_multiple %squeeze3A_53, 8 : i32
    %dma_start3A_55 = arith.constant 8 : i32
    %dma_start3A_56 = arith.constant 0 : i32
    %dma_start3A_57 = tpu.memref_slice %arg10[%dma_start3A_55, %dma_start3A_56] : memref<128x32xf32, #tpu.memory_space<vmem>> -> memref<8x32xf32, #tpu.memory_space<vmem>>
    %dma_start3A_58 = arith.constant 0 : i32
    %dma_start3A_59 = tpu.memref_slice %arg2[%multiple_of3A_54, %dma_start3A_58] : memref<1000000x32xf32, #tpu.memory_space<hbm>> -> memref<8x32xf32, #tpu.memory_space<hbm>>
    %dma_start3A_60 = arith.constant 8 : i32
    %dma_start3A_61 = arith.constant 0 : i32
    %dma_start3A_62 = tpu.memref_slice %arg10[%dma_start3A_60, %dma_start3A_61] : memref<128x32xf32, #tpu.memory_space<vmem>> -> memref<8x32xf32, #tpu.memory_space<vmem>>
    %dma_start3A_63 = arith.constant 0 : i32
    %dma_start3A_64 = tpu.memref_slice %arg2[%multiple_of3A_54, %dma_start3A_63] : memref<1000000x32xf32, #tpu.memory_space<hbm>> -> memref<8x32xf32, #tpu.memory_space<hbm>>
    tpu.enqueue_dma source(%dma_start3A_64 : memref<8x32xf32, #tpu.memory_space<hbm>>) target(%dma_start3A_62 : memref<8x32xf32, #tpu.memory_space<vmem>>) target_semaphore(%arg15 : memref<!tpu.dma_semaphore, #tpu.memory_space<semaphore_mem>>)
    %slice3A_65 = vector.extract_strided_slice %mul3A_10 {offsets = [2], sizes = [1], strides = [1]} : vector<16xi32> to vector<1xi32>
    %squeeze3A_66 = vector.extract %slice3A_65[0] : i32 from vector<1xi32>
    %multiple_of3A_67 = tpu.assume_multiple %squeeze3A_66, 8 : i32
    %dma_start3A_68 = arith.constant 16 : i32
    %dma_start3A_69 = arith.constant 0 : i32
    %dma_start3A_70 = tpu.memref_slice %arg9[%dma_start3A_68, %dma_start3A_69] : memref<128x32xf32, #tpu.memory_space<vmem>> -> memref<8x32xf32, #tpu.memory_space<vmem>>
    %dma_start3A_71 = arith.constant 0 : i32
    %dma_start3A_72 = tpu.memref_slice %arg2[%multiple_of3A_67, %dma_start3A_71] : memref<1000000x32xf32, #tpu.memory_space<hbm>> -> memref<8x32xf32, #tpu.memory_space<hbm>>
    %dma_start3A_73 = arith.constant 16 : i32
    %dma_start3A_74 = arith.constant 0 : i32
    %dma_start3A_75 = tpu.memref_slice %arg9[%dma_start3A_73, %dma_start3A_74] : memref<128x32xf32, #tpu.memory_space<vmem>> -> memref<8x32xf32, #tpu.memory_space<vmem>>
    %dma_start3A_76 = arith.constant 0 : i32
    %dma_start3A_77 = tpu.memref_slice %arg2[%multiple_of3A_67, %dma_start3A_76] : memref<1000000x32xf32, #tpu.memory_space<hbm>> -> memref<8x32xf32, #tpu.memory_space<hbm>>
    tpu.enqueue_dma source(%dma_start3A_77 : memref<8x32xf32, #tpu.memory_space<hbm>>) target(%dma_start3A_75 : memref<8x32xf32, #tpu.memory_space<vmem>>) target_semaphore(%arg15 : memref<!tpu.dma_semaphore, #tpu.memory_space<semaphore_mem>>)
    %slice3A_78 = vector.extract_strided_slice %mul3A_16 {offsets = [2], sizes = [1], strides = [1]} : vector<16xi32> to vector<1xi32>
    %squeeze3A_79 = vector.extract %slice3A_78[0] : i32 from vector<1xi32>
    %multiple_of3A_80 = tpu.assume_multiple %squeeze3A_79, 8 : i32
    %dma_start3A_81 = arith.constant 16 : i32
    %dma_start3A_82 = arith.constant 0 : i32
    %dma_start3A_83 = tpu.memref_slice %arg10[%dma_start3A_81, %dma_start3A_82] : memref<128x32xf32, #tpu.memory_space<vmem>> -> memref<8x32xf32, #tpu.memory_space<vmem>>
    %dma_start3A_84 = arith.constant 0 : i32
    %dma_start3A_85 = tpu.memref_slice %arg2[%multiple_of3A_80, %dma_start3A_84] : memref<1000000x32xf32, #tpu.memory_space<hbm>> -> memref<8x32xf32, #tpu.memory_space<hbm>>
    %dma_start3A_86 = arith.constant 16 : i32
    %dma_start3A_87 = arith.constant 0 : i32
    %dma_start3A_88 = tpu.memref_slice %arg10[%dma_start3A_86, %dma_start3A_87] : memref<128x32xf32, #tpu.memory_space<vmem>> -> memref<8x32xf32, #tpu.memory_space<vmem>>
    %dma_start3A_89 = arith.constant 0 : i32
    %dma_start3A_90 = tpu.memref_slice %arg2[%multiple_of3A_80, %dma_start3A_89] : memref<1000000x32xf32, #tpu.memory_space<hbm>> -> memref<8x32xf32, #tpu.memory_space<hbm>>
    tpu.enqueue_dma source(%dma_start3A_90 : memref<8x32xf32, #tpu.memory_space<hbm>>) target(%dma_start3A_88 : memref<8x32xf32, #tpu.memory_space<vmem>>) target_semaphore(%arg15 : memref<!tpu.dma_semaphore, #tpu.memory_space<semaphore_mem>>)
    %slice3A_91 = vector.extract_strided_slice %mul3A_10 {offsets = [3], sizes = [1], strides = [1]} : vector<16xi32> to vector<1xi32>
    %squeeze3A_92 = vector.extract %slice3A_91[0] : i32 from vector<1xi32>
    %multiple_of3A_93 = tpu.assume_multiple %squeeze3A_92, 8 : i32
    %dma_start3A_94 = arith.constant 24 : i32
    %dma_start3A_95 = arith.constant 0 : i32
    %dma_start3A_96 = tpu.memref_slice %arg9[%dma_start3A_94, %dma_start3A_95] : memref<128x32xf32, #tpu.memory_space<vmem>> -> memref<8x32xf32, #tpu.memory_space<vmem>>
    %dma_start3A_97 = arith.constant 0 : i32
    %dma_start3A_98 = tpu.memref_slice %arg2[%multiple_of3A_93, %dma_start3A_97] : memref<1000000x32xf32, #tpu.memory_space<hbm>> -> memref<8x32xf32, #tpu.memory_space<hbm>>
    %dma_start3A_99 = arith.constant 24 : i32
    %dma_start3A_100 = arith.constant 0 : i32
    %dma_start3A_101 = tpu.memref_slice %arg9[%dma_start3A_99, %dma_start3A_100] : memref<128x32xf32, #tpu.memory_space<vmem>> -> memref<8x32xf32, #tpu.memory_space<vmem>>
    %dma_start3A_102 = arith.constant 0 : i32
    %dma_start3A_103 = tpu.memref_slice %arg2[%multiple_of3A_93, %dma_start3A_102] : memref<1000000x32xf32, #tpu.memory_space<hbm>> -> memref<8x32xf32, #tpu.memory_space<hbm>>
    tpu.enqueue_dma source(%dma_start3A_103 : memref<8x32xf32, #tpu.memory_space<hbm>>) target(%dma_start3A_101 : memref<8x32xf32, #tpu.memory_space<vmem>>) target_semaphore(%arg15 : memref<!tpu.dma_semaphore, #tpu.memory_space<semaphore_mem>>)
    %slice3A_104 = vector.extract_strided_slice %mul3A_16 {offsets = [3], sizes = [1], strides = [1]} : vector<16xi32> to vector<1xi32>
    %squeeze3A_105 = vector.extract %slice3A_104[0] : i32 from vector<1xi32>
    %multiple_of3A_106 = tpu.assume_multiple %squeeze3A_105, 8 : i32
    %dma_start3A_107 = arith.constant 24 : i32
    %dma_start3A_108 = arith.constant 0 : i32
    %dma_start3A_109 = tpu.memref_slice %arg10[%dma_start3A_107, %dma_start3A_108] : memref<128x32xf32, #tpu.memory_space<vmem>> -> memref<8x32xf32, #tpu.memory_space<vmem>>
    %dma_start3A_110 = arith.constant 0 : i32
    %dma_start3A_111 = tpu.memref_slice %arg2[%multiple_of3A_106, %dma_start3A_110] : memref<1000000x32xf32, #tpu.memory_space<hbm>> -> memref<8x32xf32, #tpu.memory_space<hbm>>
    %dma_start3A_112 = arith.constant 24 : i32
    %dma_start3A_113 = arith.constant 0 : i32
    %dma_start3A_114 = tpu.memref_slice %arg10[%dma_start3A_112, %dma_start3A_113] : memref<128x32xf32, #tpu.memory_space<vmem>> -> memref<8x32xf32, #tpu.memory_space<vmem>>
    %dma_start3A_115 = arith.constant 0 : i32
    %dma_start3A_116 = tpu.memref_slice %arg2[%multiple_of3A_106, %dma_start3A_115] : memref<1000000x32xf32, #tpu.memory_space<hbm>> -> memref<8x32xf32, #tpu.memory_space<hbm>>
    tpu.enqueue_dma source(%dma_start3A_116 : memref<8x32xf32, #tpu.memory_space<hbm>>) target(%dma_start3A_114 : memref<8x32xf32, #tpu.memory_space<vmem>>) target_semaphore(%arg15 : memref<!tpu.dma_semaphore, #tpu.memory_space<semaphore_mem>>)
    %slice3A_117 = vector.extract_strided_slice %mul3A_10 {offsets = [4], sizes = [1], strides = [1]} : vector<16xi32> to vector<1xi32>
    %squeeze3A_118 = vector.extract %slice3A_117[0] : i32 from vector<1xi32>
    %multiple_of3A_119 = tpu.assume_multiple %squeeze3A_118, 8 : i32
    %dma_start3A_120 = arith.constant 32 : i32
    %dma_start3A_121 = arith.constant 0 : i32
    %dma_start3A_122 = tpu.memref_slice %arg9[%dma_start3A_120, %dma_start3A_121] : memref<128x32xf32, #tpu.memory_space<vmem>> -> memref<8x32xf32, #tpu.memory_space<vmem>>
    %dma_start3A_123 = arith.constant 0 : i32
    %dma_start3A_124 = tpu.memref_slice %arg2[%multiple_of3A_119, %dma_start3A_123] : memref<1000000x32xf32, #tpu.memory_space<hbm>> -> memref<8x32xf32, #tpu.memory_space<hbm>>
    %dma_start3A_125 = arith.constant 32 : i32
    %dma_start3A_126 = arith.constant 0 : i32
    %dma_start3A_127 = tpu.memref_slice %arg9[%dma_start3A_125, %dma_start3A_126] : memref<128x32xf32, #tpu.memory_space<vmem>> -> memref<8x32xf32, #tpu.memory_space<vmem>>
    %dma_start3A_128 = arith.constant 0 : i32
    %dma_start3A_129 = tpu.memref_slice %arg2[%multiple_of3A_119, %dma_start3A_128] : memref<1000000x32xf32, #tpu.memory_space<hbm>> -> memref<8x32xf32, #tpu.memory_space<hbm>>
    tpu.enqueue_dma source(%dma_start3A_129 : memref<8x32xf32, #tpu.memory_space<hbm>>) target(%dma_start3A_127 : memref<8x32xf32, #tpu.memory_space<vmem>>) target_semaphore(%arg15 : memref<!tpu.dma_semaphore, #tpu.memory_space<semaphore_mem>>)
    %slice3A_130 = vector.extract_strided_slice %mul3A_16 {offsets = [4], sizes = [1], strides = [1]} : vector<16xi32> to vector<1xi32>
    %squeeze3A_131 = vector.extract %slice3A_130[0] : i32 from vector<1xi32>
    %multiple_of3A_132 = tpu.assume_multiple %squeeze3A_131, 8 : i32
    %dma_start3A_133 = arith.constant 32 : i32
    %dma_start3A_134 = arith.constant 0 : i32
    %dma_start3A_135 = tpu.memref_slice %arg10[%dma_start3A_133, %dma_start3A_134] : memref<128x32xf32, #tpu.memory_space<vmem>> -> memref<8x32xf32, #tpu.memory_space<vmem>>
    %dma_start3A_136 = arith.constant 0 : i32
    %dma_start3A_137 = tpu.memref_slice %arg2[%multiple_of3A_132, %dma_start3A_136] : memref<1000000x32xf32, #tpu.memory_space<hbm>> -> memref<8x32xf32, #tpu.memory_space<hbm>>
    %dma_start3A_138 = arith.constant 32 : i32
    %dma_start3A_139 = arith.constant 0 : i32
    %dma_start3A_140 = tpu.memref_slice %arg10[%dma_start3A_138, %dma_start3A_139] : memref<128x32xf32, #tpu.memory_space<vmem>> -> memref<8x32xf32, #tpu.memory_space<vmem>>
    %dma_start3A_141 = arith.constant 0 : i32
    %dma_start3A_142 = tpu.memref_slice %arg2[%multiple_of3A_132, %dma_start3A_141] : memref<1000000x32xf32, #tpu.memory_space<hbm>> -> memref<8x32xf32, #tpu.memory_space<hbm>>
    tpu.enqueue_dma source(%dma_start3A_142 : memref<8x32xf32, #tpu.memory_space<hbm>>) target(%dma_start3A_140 : memref<8x32xf32, #tpu.memory_space<vmem>>) target_semaphore(%arg15 : memref<!tpu.dma_semaphore, #tpu.memory_space<semaphore_mem>>)
    %slice3A_143 = vector.extract_strided_slice %mul3A_10 {offsets = [5], sizes = [1], strides = [1]} : vector<16xi32> to vector<1xi32>
    %squeeze3A_144 = vector.extract %slice3A_143[0] : i32 from vector<1xi32>
    %multiple_of3A_145 = tpu.assume_multiple %squeeze3A_144, 8 : i32
    %dma_start3A_146 = arith.constant 40 : i32
    %dma_start3A_147 = arith.constant 0 : i32
    %dma_start3A_148 = tpu.memref_slice %arg9[%dma_start3A_146, %dma_start3A_147] : memref<128x32xf32, #tpu.memory_space<vmem>> -> memref<8x32xf32, #tpu.memory_space<vmem>>
    %dma_start3A_149 = arith.constant 0 : i32
    %dma_start3A_150 = tpu.memref_slice %arg2[%multiple_of3A_145, %dma_start3A_149] : memref<1000000x32xf32, #tpu.memory_space<hbm>> -> memref<8x32xf32, #tpu.memory_space<hbm>>
    %dma_start3A_151 = arith.constant 40 : i32
    %dma_start3A_152 = arith.constant 0 : i32
    %dma_start3A_153 = tpu.memref_slice %arg9[%dma_start3A_151, %dma_start3A_152] : memref<128x32xf32, #tpu.memory_space<vmem>> -> memref<8x32xf32, #tpu.memory_space<vmem>>
    %dma_start3A_154 = arith.constant 0 : i32
    %dma_start3A_155 = tpu.memref_slice %arg2[%multiple_of3A_145, %dma_start3A_154] : memref<1000000x32xf32, #tpu.memory_space<hbm>> -> memref<8x32xf32, #tpu.memory_space<hbm>>
    tpu.enqueue_dma source(%dma_start3A_155 : memref<8x32xf32, #tpu.memory_space<hbm>>) target(%dma_start3A_153 : memref<8x32xf32, #tpu.memory_space<vmem>>) target_semaphore(%arg15 : memref<!tpu.dma_semaphore, #tpu.memory_space<semaphore_mem>>)
    %slice3A_156 = vector.extract_strided_slice %mul3A_16 {offsets = [5], sizes = [1], strides = [1]} : vector<16xi32> to vector<1xi32>
    %squeeze3A_157 = vector.extract %slice3A_156[0] : i32 from vector<1xi32>
    %multiple_of3A_158 = tpu.assume_multiple %squeeze3A_157, 8 : i32
    %dma_start3A_159 = arith.constant 40 : i32
    %dma_start3A_160 = arith.constant 0 : i32
    %dma_start3A_161 = tpu.memref_slice %arg10[%dma_start3A_159, %dma_start3A_160] : memref<128x32xf32, #tpu.memory_space<vmem>> -> memref<8x32xf32, #tpu.memory_space<vmem>>
    %dma_start3A_162 = arith.constant 0 : i32
    %dma_start3A_163 = tpu.memref_slice %arg2[%multiple_of3A_158, %dma_start3A_162] : memref<1000000x32xf32, #tpu.memory_space<hbm>> -> memref<8x32xf32, #tpu.memory_space<hbm>>
    %dma_start3A_164 = arith.constant 40 : i32
    %dma_start3A_165 = arith.constant 0 : i32
    %dma_start3A_166 = tpu.memref_slice %arg10[%dma_start3A_164, %dma_start3A_165] : memref<128x32xf32, #tpu.memory_space<vmem>> -> memref<8x32xf32, #tpu.memory_space<vmem>>
    %dma_start3A_167 = arith.constant 0 : i32
    %dma_start3A_168 = tpu.memref_slice %arg2[%multiple_of3A_158, %dma_start3A_167] : memref<1000000x32xf32, #tpu.memory_space<hbm>> -> memref<8x32xf32, #tpu.memory_space<hbm>>
    tpu.enqueue_dma source(%dma_start3A_168 : memref<8x32xf32, #tpu.memory_space<hbm>>) target(%dma_start3A_166 : memref<8x32xf32, #tpu.memory_space<vmem>>) target_semaphore(%arg15 : memref<!tpu.dma_semaphore, #tpu.memory_space<semaphore_mem>>)
    %slice3A_169 = vector.extract_strided_slice %mul3A_10 {offsets = [6], sizes = [1], strides = [1]} : vector<16xi32> to vector<1xi32>
    %squeeze3A_170 = vector.extract %slice3A_169[0] : i32 from vector<1xi32>
    %multiple_of3A_171 = tpu.assume_multiple %squeeze3A_170, 8 : i32
    %dma_start3A_172 = arith.constant 48 : i32
    %dma_start3A_173 = arith.constant 0 : i32
    %dma_start3A_174 = tpu.memref_slice %arg9[%dma_start3A_172, %dma_start3A_173] : memref<128x32xf32, #tpu.memory_space<vmem>> -> memref<8x32xf32, #tpu.memory_space<vmem>>
    %dma_start3A_175 = arith.constant 0 : i32
    %dma_start3A_176 = tpu.memref_slice %arg2[%multiple_of3A_171, %dma_start3A_175] : memref<1000000x32xf32, #tpu.memory_space<hbm>> -> memref<8x32xf32, #tpu.memory_space<hbm>>
    %dma_start3A_177 = arith.constant 48 : i32
    %dma_start3A_178 = arith.constant 0 : i32
    %dma_start3A_179 = tpu.memref_slice %arg9[%dma_start3A_177, %dma_start3A_178] : memref<128x32xf32, #tpu.memory_space<vmem>> -> memref<8x32xf32, #tpu.memory_space<vmem>>
    %dma_start3A_180 = arith.constant 0 : i32
    %dma_start3A_181 = tpu.memref_slice %arg2[%multiple_of3A_171, %dma_start3A_180] : memref<1000000x32xf32, #tpu.memory_space<hbm>> -> memref<8x32xf32, #tpu.memory_space<hbm>>
    tpu.enqueue_dma source(%dma_start3A_181 : memref<8x32xf32, #tpu.memory_space<hbm>>) target(%dma_start3A_179 : memref<8x32xf32, #tpu.memory_space<vmem>>) target_semaphore(%arg15 : memref<!tpu.dma_semaphore, #tpu.memory_space<semaphore_mem>>)
    %slice3A_182 = vector.extract_strided_slice %mul3A_16 {offsets = [6], sizes = [1], strides = [1]} : vector<16xi32> to vector<1xi32>
    %squeeze3A_183 = vector.extract %slice3A_182[0] : i32 from vector<1xi32>
    %multiple_of3A_184 = tpu.assume_multiple %squeeze3A_183, 8 : i32
    %dma_start3A_185 = arith.constant 48 : i32
    %dma_start3A_186 = arith.constant 0 : i32
    %dma_start3A_187 = tpu.memref_slice %arg10[%dma_start3A_185, %dma_start3A_186] : memref<128x32xf32, #tpu.memory_space<vmem>> -> memref<8x32xf32, #tpu.memory_space<vmem>>
    %dma_start3A_188 = arith.constant 0 : i32
    %dma_start3A_189 = tpu.memref_slice %arg2[%multiple_of3A_184, %dma_start3A_188] : memref<1000000x32xf32, #tpu.memory_space<hbm>> -> memref<8x32xf32, #tpu.memory_space<hbm>>
    %dma_start3A_190 = arith.constant 48 : i32
    %dma_start3A_191 = arith.constant 0 : i32
    %dma_start3A_192 = tpu.memref_slice %arg10[%dma_start3A_190, %dma_start3A_191] : memref<128x32xf32, #tpu.memory_space<vmem>> -> memref<8x32xf32, #tpu.memory_space<vmem>>
    %dma_start3A_193 = arith.constant 0 : i32
    %dma_start3A_194 = tpu.memref_slice %arg2[%multiple_of3A_184, %dma_start3A_193] : memref<1000000x32xf32, #tpu.memory_space<hbm>> -> memref<8x32xf32, #tpu.memory_space<hbm>>
    tpu.enqueue_dma source(%dma_start3A_194 : memref<8x32xf32, #tpu.memory_space<hbm>>) target(%dma_start3A_192 : memref<8x32xf32, #tpu.memory_space<vmem>>) target_semaphore(%arg15 : memref<!tpu.dma_semaphore, #tpu.memory_space<semaphore_mem>>)
    %slice3A_195 = vector.extract_strided_slice %mul3A_10 {offsets = [7], sizes = [1], strides = [1]} : vector<16xi32> to vector<1xi32>
    %squeeze3A_196 = vector.extract %slice3A_195[0] : i32 from vector<1xi32>
    %multiple_of3A_197 = tpu.assume_multiple %squeeze3A_196, 8 : i32
    %dma_start3A_198 = arith.constant 56 : i32
    %dma_start3A_199 = arith.constant 0 : i32
    %dma_start3A_200 = tpu.memref_slice %arg9[%dma_start3A_198, %dma_start3A_199] : memref<128x32xf32, #tpu.memory_space<vmem>> -> memref<8x32xf32, #tpu.memory_space<vmem>>
    %dma_start3A_201 = arith.constant 0 : i32
    %dma_start3A_202 = tpu.memref_slice %arg2[%multiple_of3A_197, %dma_start3A_201] : memref<1000000x32xf32, #tpu.memory_space<hbm>> -> memref<8x32xf32, #tpu.memory_space<hbm>>
    %dma_start3A_203 = arith.constant 56 : i32
    %dma_start3A_204 = arith.constant 0 : i32
    %dma_start3A_205 = tpu.memref_slice %arg9[%dma_start3A_203, %dma_start3A_204] : memref<128x32xf32, #tpu.memory_space<vmem>> -> memref<8x32xf32, #tpu.memory_space<vmem>>
    %dma_start3A_206 = arith.constant 0 : i32
    %dma_start3A_207 = tpu.memref_slice %arg2[%multiple_of3A_197, %dma_start3A_206] : memref<1000000x32xf32, #tpu.memory_space<hbm>> -> memref<8x32xf32, #tpu.memory_space<hbm>>
    tpu.enqueue_dma source(%dma_start3A_207 : memref<8x32xf32, #tpu.memory_space<hbm>>) target(%dma_start3A_205 : memref<8x32xf32, #tpu.memory_space<vmem>>) target_semaphore(%arg15 : memref<!tpu.dma_semaphore, #tpu.memory_space<semaphore_mem>>)
    %slice3A_208 = vector.extract_strided_slice %mul3A_16 {offsets = [7], sizes = [1], strides = [1]} : vector<16xi32> to vector<1xi32>
    %squeeze3A_209 = vector.extract %slice3A_208[0] : i32 from vector<1xi32>
    %multiple_of3A_210 = tpu.assume_multiple %squeeze3A_209, 8 : i32
    %dma_start3A_211 = arith.constant 56 : i32
    %dma_start3A_212 = arith.constant 0 : i32
    %dma_start3A_213 = tpu.memref_slice %arg10[%dma_start3A_211, %dma_start3A_212] : memref<128x32xf32, #tpu.memory_space<vmem>> -> memref<8x32xf32, #tpu.memory_space<vmem>>
    %dma_start3A_214 = arith.constant 0 : i32
    %dma_start3A_215 = tpu.memref_slice %arg2[%multiple_of3A_210, %dma_start3A_214] : memref<1000000x32xf32, #tpu.memory_space<hbm>> -> memref<8x32xf32, #tpu.memory_space<hbm>>
    %dma_start3A_216 = arith.constant 56 : i32
    %dma_start3A_217 = arith.constant 0 : i32
    %dma_start3A_218 = tpu.memref_slice %arg10[%dma_start3A_216, %dma_start3A_217] : memref<128x32xf32, #tpu.memory_space<vmem>> -> memref<8x32xf32, #tpu.memory_space<vmem>>
    %dma_start3A_219 = arith.constant 0 : i32
    %dma_start3A_220 = tpu.memref_slice %arg2[%multiple_of3A_210, %dma_start3A_219] : memref<1000000x32xf32, #tpu.memory_space<hbm>> -> memref<8x32xf32, #tpu.memory_space<hbm>>
    tpu.enqueue_dma source(%dma_start3A_220 : memref<8x32xf32, #tpu.memory_space<hbm>>) target(%dma_start3A_218 : memref<8x32xf32, #tpu.memory_space<vmem>>) target_semaphore(%arg15 : memref<!tpu.dma_semaphore, #tpu.memory_space<semaphore_mem>>)
    %slice3A_221 = vector.extract_strided_slice %mul3A_10 {offsets = [8], sizes = [1], strides = [1]} : vector<16xi32> to vector<1xi32>
    %squeeze3A_222 = vector.extract %slice3A_221[0] : i32 from vector<1xi32>
    %multiple_of3A_223 = tpu.assume_multiple %squeeze3A_222, 8 : i32
    %dma_start3A_224 = arith.constant 64 : i32
    %dma_start3A_225 = arith.constant 0 : i32
    %dma_start3A_226 = tpu.memref_slice %arg9[%dma_start3A_224, %dma_start3A_225] : memref<128x32xf32, #tpu.memory_space<vmem>> -> memref<8x32xf32, #tpu.memory_space<vmem>>
    %dma_start3A_227 = arith.constant 0 : i32
    %dma_start3A_228 = tpu.memref_slice %arg2[%multiple_of3A_223, %dma_start3A_227] : memref<1000000x32xf32, #tpu.memory_space<hbm>> -> memref<8x32xf32, #tpu.memory_space<hbm>>
    %dma_start3A_229 = arith.constant 64 : i32
    %dma_start3A_230 = arith.constant 0 : i32
    %dma_start3A_231 = tpu.memref_slice %arg9[%dma_start3A_229, %dma_start3A_230] : memref<128x32xf32, #tpu.memory_space<vmem>> -> memref<8x32xf32, #tpu.memory_space<vmem>>
    %dma_start3A_232 = arith.constant 0 : i32
    %dma_start3A_233 = tpu.memref_slice %arg2[%multiple_of3A_223, %dma_start3A_232] : memref<1000000x32xf32, #tpu.memory_space<hbm>> -> memref<8x32xf32, #tpu.memory_space<hbm>>
    tpu.enqueue_dma source(%dma_start3A_233 : memref<8x32xf32, #tpu.memory_space<hbm>>) target(%dma_start3A_231 : memref<8x32xf32, #tpu.memory_space<vmem>>) target_semaphore(%arg15 : memref<!tpu.dma_semaphore, #tpu.memory_space<semaphore_mem>>)
    %slice3A_234 = vector.extract_strided_slice %mul3A_16 {offsets = [8], sizes = [1], strides = [1]} : vector<16xi32> to vector<1xi32>
    %squeeze3A_235 = vector.extract %slice3A_234[0] : i32 from vector<1xi32>
    %multiple_of3A_236 = tpu.assume_multiple %squeeze3A_235, 8 : i32
    %dma_start3A_237 = arith.constant 64 : i32
    %dma_start3A_238 = arith.constant 0 : i32
    %dma_start3A_239 = tpu.memref_slice %arg10[%dma_start3A_237, %dma_start3A_238] : memref<128x32xf32, #tpu.memory_space<vmem>> -> memref<8x32xf32, #tpu.memory_space<vmem>>
    %dma_start3A_240 = arith.constant 0 : i32
    %dma_start3A_241 = tpu.memref_slice %arg2[%multiple_of3A_236, %dma_start3A_240] : memref<1000000x32xf32, #tpu.memory_space<hbm>> -> memref<8x32xf32, #tpu.memory_space<hbm>>
    %dma_start3A_242 = arith.constant 64 : i32
    %dma_start3A_243 = arith.constant 0 : i32
    %dma_start3A_244 = tpu.memref_slice %arg10[%dma_start3A_242, %dma_start3A_243] : memref<128x32xf32, #tpu.memory_space<vmem>> -> memref<8x32xf32, #tpu.memory_space<vmem>>
    %dma_start3A_245 = arith.constant 0 : i32
    %dma_start3A_246 = tpu.memref_slice %arg2[%multiple_of3A_236, %dma_start3A_245] : memref<1000000x32xf32, #tpu.memory_space<hbm>> -> memref<8x32xf32, #tpu.memory_space<hbm>>
    tpu.enqueue_dma source(%dma_start3A_246 : memref<8x32xf32, #tpu.memory_space<hbm>>) target(%dma_start3A_244 : memref<8x32xf32, #tpu.memory_space<vmem>>) target_semaphore(%arg15 : memref<!tpu.dma_semaphore, #tpu.memory_space<semaphore_mem>>)
    %slice3A_247 = vector.extract_strided_slice %mul3A_10 {offsets = [9], sizes = [1], strides = [1]} : vector<16xi32> to vector<1xi32>
    %squeeze3A_248 = vector.extract %slice3A_247[0] : i32 from vector<1xi32>
    %multiple_of3A_249 = tpu.assume_multiple %squeeze3A_248, 8 : i32
    %dma_start3A_250 = arith.constant 72 : i32
    %dma_start3A_251 = arith.constant 0 : i32
    %dma_start3A_252 = tpu.memref_slice %arg9[%dma_start3A_250, %dma_start3A_251] : memref<128x32xf32, #tpu.memory_space<vmem>> -> memref<8x32xf32, #tpu.memory_space<vmem>>
    %dma_start3A_253 = arith.constant 0 : i32
    %dma_start3A_254 = tpu.memref_slice %arg2[%multiple_of3A_249, %dma_start3A_253] : memref<1000000x32xf32, #tpu.memory_space<hbm>> -> memref<8x32xf32, #tpu.memory_space<hbm>>
    %dma_start3A_255 = arith.constant 72 : i32
    %dma_start3A_256 = arith.constant 0 : i32
    %dma_start3A_257 = tpu.memref_slice %arg9[%dma_start3A_255, %dma_start3A_256] : memref<128x32xf32, #tpu.memory_space<vmem>> -> memref<8x32xf32, #tpu.memory_space<vmem>>
    %dma_start3A_258 = arith.constant 0 : i32
    %dma_start3A_259 = tpu.memref_slice %arg2[%multiple_of3A_249, %dma_start3A_258] : memref<1000000x32xf32, #tpu.memory_space<hbm>> -> memref<8x32xf32, #tpu.memory_space<hbm>>
    tpu.enqueue_dma source(%dma_start3A_259 : memref<8x32xf32, #tpu.memory_space<hbm>>) target(%dma_start3A_257 : memref<8x32xf32, #tpu.memory_space<vmem>>) target_semaphore(%arg15 : memref<!tpu.dma_semaphore, #tpu.memory_space<semaphore_mem>>)
    %slice3A_260 = vector.extract_strided_slice %mul3A_16 {offsets = [9], sizes = [1], strides = [1]} : vector<16xi32> to vector<1xi32>
    %squeeze3A_261 = vector.extract %slice3A_260[0] : i32 from vector<1xi32>
    %multiple_of3A_262 = tpu.assume_multiple %squeeze3A_261, 8 : i32
    %dma_start3A_263 = arith.constant 72 : i32
    %dma_start3A_264 = arith.constant 0 : i32
    %dma_start3A_265 = tpu.memref_slice %arg10[%dma_start3A_263, %dma_start3A_264] : memref<128x32xf32, #tpu.memory_space<vmem>> -> memref<8x32xf32, #tpu.memory_space<vmem>>
    %dma_start3A_266 = arith.constant 0 : i32
    %dma_start3A_267 = tpu.memref_slice %arg2[%multiple_of3A_262, %dma_start3A_266] : memref<1000000x32xf32, #tpu.memory_space<hbm>> -> memref<8x32xf32, #tpu.memory_space<hbm>>
    %dma_start3A_268 = arith.constant 72 : i32
    %dma_start3A_269 = arith.constant 0 : i32
    %dma_start3A_270 = tpu.memref_slice %arg10[%dma_start3A_268, %dma_start3A_269] : memref<128x32xf32, #tpu.memory_space<vmem>> -> memref<8x32xf32, #tpu.memory_space<vmem>>
    %dma_start3A_271 = arith.constant 0 : i32
    %dma_start3A_272 = tpu.memref_slice %arg2[%multiple_of3A_262, %dma_start3A_271] : memref<1000000x32xf32, #tpu.memory_space<hbm>> -> memref<8x32xf32, #tpu.memory_space<hbm>>
    tpu.enqueue_dma source(%dma_start3A_272 : memref<8x32xf32, #tpu.memory_space<hbm>>) target(%dma_start3A_270 : memref<8x32xf32, #tpu.memory_space<vmem>>) target_semaphore(%arg15 : memref<!tpu.dma_semaphore, #tpu.memory_space<semaphore_mem>>)
    %slice3A_273 = vector.extract_strided_slice %mul3A_10 {offsets = [10], sizes = [1], strides = [1]} : vector<16xi32> to vector<1xi32>
    %squeeze3A_274 = vector.extract %slice3A_273[0] : i32 from vector<1xi32>
    %multiple_of3A_275 = tpu.assume_multiple %squeeze3A_274, 8 : i32
    %dma_start3A_276 = arith.constant 80 : i32
    %dma_start3A_277 = arith.constant 0 : i32
    %dma_start3A_278 = tpu.memref_slice %arg9[%dma_start3A_276, %dma_start3A_277] : memref<128x32xf32, #tpu.memory_space<vmem>> -> memref<8x32xf32, #tpu.memory_space<vmem>>
    %dma_start3A_279 = arith.constant 0 : i32
    %dma_start3A_280 = tpu.memref_slice %arg2[%multiple_of3A_275, %dma_start3A_279] : memref<1000000x32xf32, #tpu.memory_space<hbm>> -> memref<8x32xf32, #tpu.memory_space<hbm>>
    %dma_start3A_281 = arith.constant 80 : i32
    %dma_start3A_282 = arith.constant 0 : i32
    %dma_start3A_283 = tpu.memref_slice %arg9[%dma_start3A_281, %dma_start3A_282] : memref<128x32xf32, #tpu.memory_space<vmem>> -> memref<8x32xf32, #tpu.memory_space<vmem>>
    %dma_start3A_284 = arith.constant 0 : i32
    %dma_start3A_285 = tpu.memref_slice %arg2[%multiple_of3A_275, %dma_start3A_284] : memref<1000000x32xf32, #tpu.memory_space<hbm>> -> memref<8x32xf32, #tpu.memory_space<hbm>>
    tpu.enqueue_dma source(%dma_start3A_285 : memref<8x32xf32, #tpu.memory_space<hbm>>) target(%dma_start3A_283 : memref<8x32xf32, #tpu.memory_space<vmem>>) target_semaphore(%arg15 : memref<!tpu.dma_semaphore, #tpu.memory_space<semaphore_mem>>)
    %slice3A_286 = vector.extract_strided_slice %mul3A_16 {offsets = [10], sizes = [1], strides = [1]} : vector<16xi32> to vector<1xi32>
    %squeeze3A_287 = vector.extract %slice3A_286[0] : i32 from vector<1xi32>
    %multiple_of3A_288 = tpu.assume_multiple %squeeze3A_287, 8 : i32
    %dma_start3A_289 = arith.constant 80 : i32
    %dma_start3A_290 = arith.constant 0 : i32
    %dma_start3A_291 = tpu.memref_slice %arg10[%dma_start3A_289, %dma_start3A_290] : memref<128x32xf32, #tpu.memory_space<vmem>> -> memref<8x32xf32, #tpu.memory_space<vmem>>
    %dma_start3A_292 = arith.constant 0 : i32
    %dma_start3A_293 = tpu.memref_slice %arg2[%multiple_of3A_288, %dma_start3A_292] : memref<1000000x32xf32, #tpu.memory_space<hbm>> -> memref<8x32xf32, #tpu.memory_space<hbm>>
    %dma_start3A_294 = arith.constant 80 : i32
    %dma_start3A_295 = arith.constant 0 : i32
    %dma_start3A_296 = tpu.memref_slice %arg10[%dma_start3A_294, %dma_start3A_295] : memref<128x32xf32, #tpu.memory_space<vmem>> -> memref<8x32xf32, #tpu.memory_space<vmem>>
    %dma_start3A_297 = arith.constant 0 : i32
    %dma_start3A_298 = tpu.memref_slice %arg2[%multiple_of3A_288, %dma_start3A_297] : memref<1000000x32xf32, #tpu.memory_space<hbm>> -> memref<8x32xf32, #tpu.memory_space<hbm>>
    tpu.enqueue_dma source(%dma_start3A_298 : memref<8x32xf32, #tpu.memory_space<hbm>>) target(%dma_start3A_296 : memref<8x32xf32, #tpu.memory_space<vmem>>) target_semaphore(%arg15 : memref<!tpu.dma_semaphore, #tpu.memory_space<semaphore_mem>>)
    %slice3A_299 = vector.extract_strided_slice %mul3A_10 {offsets = [11], sizes = [1], strides = [1]} : vector<16xi32> to vector<1xi32>
    %squeeze3A_300 = vector.extract %slice3A_299[0] : i32 from vector<1xi32>
    %multiple_of3A_301 = tpu.assume_multiple %squeeze3A_300, 8 : i32
    %dma_start3A_302 = arith.constant 88 : i32
    %dma_start3A_303 = arith.constant 0 : i32
    %dma_start3A_304 = tpu.memref_slice %arg9[%dma_start3A_302, %dma_start3A_303] : memref<128x32xf32, #tpu.memory_space<vmem>> -> memref<8x32xf32, #tpu.memory_space<vmem>>
    %dma_start3A_305 = arith.constant 0 : i32
    %dma_start3A_306 = tpu.memref_slice %arg2[%multiple_of3A_301, %dma_start3A_305] : memref<1000000x32xf32, #tpu.memory_space<hbm>> -> memref<8x32xf32, #tpu.memory_space<hbm>>
    %dma_start3A_307 = arith.constant 88 : i32
    %dma_start3A_308 = arith.constant 0 : i32
    %dma_start3A_309 = tpu.memref_slice %arg9[%dma_start3A_307, %dma_start3A_308] : memref<128x32xf32, #tpu.memory_space<vmem>> -> memref<8x32xf32, #tpu.memory_space<vmem>>
    %dma_start3A_310 = arith.constant 0 : i32
    %dma_start3A_311 = tpu.memref_slice %arg2[%multiple_of3A_301, %dma_start3A_310] : memref<1000000x32xf32, #tpu.memory_space<hbm>> -> memref<8x32xf32, #tpu.memory_space<hbm>>
    tpu.enqueue_dma source(%dma_start3A_311 : memref<8x32xf32, #tpu.memory_space<hbm>>) target(%dma_start3A_309 : memref<8x32xf32, #tpu.memory_space<vmem>>) target_semaphore(%arg15 : memref<!tpu.dma_semaphore, #tpu.memory_space<semaphore_mem>>)
    %slice3A_312 = vector.extract_strided_slice %mul3A_16 {offsets = [11], sizes = [1], strides = [1]} : vector<16xi32> to vector<1xi32>
    %squeeze3A_313 = vector.extract %slice3A_312[0] : i32 from vector<1xi32>
    %multiple_of3A_314 = tpu.assume_multiple %squeeze3A_313, 8 : i32
    %dma_start3A_315 = arith.constant 88 : i32
    %dma_start3A_316 = arith.constant 0 : i32
    %dma_start3A_317 = tpu.memref_slice %arg10[%dma_start3A_315, %dma_start3A_316] : memref<128x32xf32, #tpu.memory_space<vmem>> -> memref<8x32xf32, #tpu.memory_space<vmem>>
    %dma_start3A_318 = arith.constant 0 : i32
    %dma_start3A_319 = tpu.memref_slice %arg2[%multiple_of3A_314, %dma_start3A_318] : memref<1000000x32xf32, #tpu.memory_space<hbm>> -> memref<8x32xf32, #tpu.memory_space<hbm>>
    %dma_start3A_320 = arith.constant 88 : i32
    %dma_start3A_321 = arith.constant 0 : i32
    %dma_start3A_322 = tpu.memref_slice %arg10[%dma_start3A_320, %dma_start3A_321] : memref<128x32xf32, #tpu.memory_space<vmem>> -> memref<8x32xf32, #tpu.memory_space<vmem>>
    %dma_start3A_323 = arith.constant 0 : i32
    %dma_start3A_324 = tpu.memref_slice %arg2[%multiple_of3A_314, %dma_start3A_323] : memref<1000000x32xf32, #tpu.memory_space<hbm>> -> memref<8x32xf32, #tpu.memory_space<hbm>>
    tpu.enqueue_dma source(%dma_start3A_324 : memref<8x32xf32, #tpu.memory_space<hbm>>) target(%dma_start3A_322 : memref<8x32xf32, #tpu.memory_space<vmem>>) target_semaphore(%arg15 : memref<!tpu.dma_semaphore, #tpu.memory_space<semaphore_mem>>)
    %slice3A_325 = vector.extract_strided_slice %mul3A_10 {offsets = [12], sizes = [1], strides = [1]} : vector<16xi32> to vector<1xi32>
    %squeeze3A_326 = vector.extract %slice3A_325[0] : i32 from vector<1xi32>
    %multiple_of3A_327 = tpu.assume_multiple %squeeze3A_326, 8 : i32
    %dma_start3A_328 = arith.constant 96 : i32
    %dma_start3A_329 = arith.constant 0 : i32
    %dma_start3A_330 = tpu.memref_slice %arg9[%dma_start3A_328, %dma_start3A_329] : memref<128x32xf32, #tpu.memory_space<vmem>> -> memref<8x32xf32, #tpu.memory_space<vmem>>
    %dma_start3A_331 = arith.constant 0 : i32
    %dma_start3A_332 = tpu.memref_slice %arg2[%multiple_of3A_327, %dma_start3A_331] : memref<1000000x32xf32, #tpu.memory_space<hbm>> -> memref<8x32xf32, #tpu.memory_space<hbm>>
    %dma_start3A_333 = arith.constant 96 : i32
    %dma_start3A_334 = arith.constant 0 : i32
    %dma_start3A_335 = tpu.memref_slice %arg9[%dma_start3A_333, %dma_start3A_334] : memref<128x32xf32, #tpu.memory_space<vmem>> -> memref<8x32xf32, #tpu.memory_space<vmem>>
    %dma_start3A_336 = arith.constant 0 : i32
    %dma_start3A_337 = tpu.memref_slice %arg2[%multiple_of3A_327, %dma_start3A_336] : memref<1000000x32xf32, #tpu.memory_space<hbm>> -> memref<8x32xf32, #tpu.memory_space<hbm>>
    tpu.enqueue_dma source(%dma_start3A_337 : memref<8x32xf32, #tpu.memory_space<hbm>>) target(%dma_start3A_335 : memref<8x32xf32, #tpu.memory_space<vmem>>) target_semaphore(%arg15 : memref<!tpu.dma_semaphore, #tpu.memory_space<semaphore_mem>>)
    %slice3A_338 = vector.extract_strided_slice %mul3A_16 {offsets = [12], sizes = [1], strides = [1]} : vector<16xi32> to vector<1xi32>
    %squeeze3A_339 = vector.extract %slice3A_338[0] : i32 from vector<1xi32>
    %multiple_of3A_340 = tpu.assume_multiple %squeeze3A_339, 8 : i32
    %dma_start3A_341 = arith.constant 96 : i32
    %dma_start3A_342 = arith.constant 0 : i32
    %dma_start3A_343 = tpu.memref_slice %arg10[%dma_start3A_341, %dma_start3A_342] : memref<128x32xf32, #tpu.memory_space<vmem>> -> memref<8x32xf32, #tpu.memory_space<vmem>>
    %dma_start3A_344 = arith.constant 0 : i32
    %dma_start3A_345 = tpu.memref_slice %arg2[%multiple_of3A_340, %dma_start3A_344] : memref<1000000x32xf32, #tpu.memory_space<hbm>> -> memref<8x32xf32, #tpu.memory_space<hbm>>
    %dma_start3A_346 = arith.constant 96 : i32
    %dma_start3A_347 = arith.constant 0 : i32
    %dma_start3A_348 = tpu.memref_slice %arg10[%dma_start3A_346, %dma_start3A_347] : memref<128x32xf32, #tpu.memory_space<vmem>> -> memref<8x32xf32, #tpu.memory_space<vmem>>
    %dma_start3A_349 = arith.constant 0 : i32
    %dma_start3A_350 = tpu.memref_slice %arg2[%multiple_of3A_340, %dma_start3A_349] : memref<1000000x32xf32, #tpu.memory_space<hbm>> -> memref<8x32xf32, #tpu.memory_space<hbm>>
    tpu.enqueue_dma source(%dma_start3A_350 : memref<8x32xf32, #tpu.memory_space<hbm>>) target(%dma_start3A_348 : memref<8x32xf32, #tpu.memory_space<vmem>>) target_semaphore(%arg15 : memref<!tpu.dma_semaphore, #tpu.memory_space<semaphore_mem>>)
    %slice3A_351 = vector.extract_strided_slice %mul3A_10 {offsets = [13], sizes = [1], strides = [1]} : vector<16xi32> to vector<1xi32>
    %squeeze3A_352 = vector.extract %slice3A_351[0] : i32 from vector<1xi32>
    %multiple_of3A_353 = tpu.assume_multiple %squeeze3A_352, 8 : i32
    %dma_start3A_354 = arith.constant 104 : i32
    %dma_start3A_355 = arith.constant 0 : i32
    %dma_start3A_356 = tpu.memref_slice %arg9[%dma_start3A_354, %dma_start3A_355] : memref<128x32xf32, #tpu.memory_space<vmem>> -> memref<8x32xf32, #tpu.memory_space<vmem>>
    %dma_start3A_357 = arith.constant 0 : i32
    %dma_start3A_358 = tpu.memref_slice %arg2[%multiple_of3A_353, %dma_start3A_357] : memref<1000000x32xf32, #tpu.memory_space<hbm>> -> memref<8x32xf32, #tpu.memory_space<hbm>>
    %dma_start3A_359 = arith.constant 104 : i32
    %dma_start3A_360 = arith.constant 0 : i32
    %dma_start3A_361 = tpu.memref_slice %arg9[%dma_start3A_359, %dma_start3A_360] : memref<128x32xf32, #tpu.memory_space<vmem>> -> memref<8x32xf32, #tpu.memory_space<vmem>>
    %dma_start3A_362 = arith.constant 0 : i32
    %dma_start3A_363 = tpu.memref_slice %arg2[%multiple_of3A_353, %dma_start3A_362] : memref<1000000x32xf32, #tpu.memory_space<hbm>> -> memref<8x32xf32, #tpu.memory_space<hbm>>
    tpu.enqueue_dma source(%dma_start3A_363 : memref<8x32xf32, #tpu.memory_space<hbm>>) target(%dma_start3A_361 : memref<8x32xf32, #tpu.memory_space<vmem>>) target_semaphore(%arg15 : memref<!tpu.dma_semaphore, #tpu.memory_space<semaphore_mem>>)
    %slice3A_364 = vector.extract_strided_slice %mul3A_16 {offsets = [13], sizes = [1], strides = [1]} : vector<16xi32> to vector<1xi32>
    %squeeze3A_365 = vector.extract %slice3A_364[0] : i32 from vector<1xi32>
    %multiple_of3A_366 = tpu.assume_multiple %squeeze3A_365, 8 : i32
    %dma_start3A_367 = arith.constant 104 : i32
    %dma_start3A_368 = arith.constant 0 : i32
    %dma_start3A_369 = tpu.memref_slice %arg10[%dma_start3A_367, %dma_start3A_368] : memref<128x32xf32, #tpu.memory_space<vmem>> -> memref<8x32xf32, #tpu.memory_space<vmem>>
    %dma_start3A_370 = arith.constant 0 : i32
    %dma_start3A_371 = tpu.memref_slice %arg2[%multiple_of3A_366, %dma_start3A_370] : memref<1000000x32xf32, #tpu.memory_space<hbm>> -> memref<8x32xf32, #tpu.memory_space<hbm>>
    %dma_start3A_372 = arith.constant 104 : i32
    %dma_start3A_373 = arith.constant 0 : i32
    %dma_start3A_374 = tpu.memref_slice %arg10[%dma_start3A_372, %dma_start3A_373] : memref<128x32xf32, #tpu.memory_space<vmem>> -> memref<8x32xf32, #tpu.memory_space<vmem>>
    %dma_start3A_375 = arith.constant 0 : i32
    %dma_start3A_376 = tpu.memref_slice %arg2[%multiple_of3A_366, %dma_start3A_375] : memref<1000000x32xf32, #tpu.memory_space<hbm>> -> memref<8x32xf32, #tpu.memory_space<hbm>>
    tpu.enqueue_dma source(%dma_start3A_376 : memref<8x32xf32, #tpu.memory_space<hbm>>) target(%dma_start3A_374 : memref<8x32xf32, #tpu.memory_space<vmem>>) target_semaphore(%arg15 : memref<!tpu.dma_semaphore, #tpu.memory_space<semaphore_mem>>)
    %slice3A_377 = vector.extract_strided_slice %mul3A_10 {offsets = [14], sizes = [1], strides = [1]} : vector<16xi32> to vector<1xi32>
    %squeeze3A_378 = vector.extract %slice3A_377[0] : i32 from vector<1xi32>
    %multiple_of3A_379 = tpu.assume_multiple %squeeze3A_378, 8 : i32
    %dma_start3A_380 = arith.constant 112 : i32
    %dma_start3A_381 = arith.constant 0 : i32
    %dma_start3A_382 = tpu.memref_slice %arg9[%dma_start3A_380, %dma_start3A_381] : memref<128x32xf32, #tpu.memory_space<vmem>> -> memref<8x32xf32, #tpu.memory_space<vmem>>
    %dma_start3A_383 = arith.constant 0 : i32
    %dma_start3A_384 = tpu.memref_slice %arg2[%multiple_of3A_379, %dma_start3A_383] : memref<1000000x32xf32, #tpu.memory_space<hbm>> -> memref<8x32xf32, #tpu.memory_space<hbm>>
    %dma_start3A_385 = arith.constant 112 : i32
    %dma_start3A_386 = arith.constant 0 : i32
    %dma_start3A_387 = tpu.memref_slice %arg9[%dma_start3A_385, %dma_start3A_386] : memref<128x32xf32, #tpu.memory_space<vmem>> -> memref<8x32xf32, #tpu.memory_space<vmem>>
    %dma_start3A_388 = arith.constant 0 : i32
    %dma_start3A_389 = tpu.memref_slice %arg2[%multiple_of3A_379, %dma_start3A_388] : memref<1000000x32xf32, #tpu.memory_space<hbm>> -> memref<8x32xf32, #tpu.memory_space<hbm>>
    tpu.enqueue_dma source(%dma_start3A_389 : memref<8x32xf32, #tpu.memory_space<hbm>>) target(%dma_start3A_387 : memref<8x32xf32, #tpu.memory_space<vmem>>) target_semaphore(%arg15 : memref<!tpu.dma_semaphore, #tpu.memory_space<semaphore_mem>>)
    %slice3A_390 = vector.extract_strided_slice %mul3A_16 {offsets = [14], sizes = [1], strides = [1]} : vector<16xi32> to vector<1xi32>
    %squeeze3A_391 = vector.extract %slice3A_390[0] : i32 from vector<1xi32>
    %multiple_of3A_392 = tpu.assume_multiple %squeeze3A_391, 8 : i32
    %dma_start3A_393 = arith.constant 112 : i32
    %dma_start3A_394 = arith.constant 0 : i32
    %dma_start3A_395 = tpu.memref_slice %arg10[%dma_start3A_393, %dma_start3A_394] : memref<128x32xf32, #tpu.memory_space<vmem>> -> memref<8x32xf32, #tpu.memory_space<vmem>>
    %dma_start3A_396 = arith.constant 0 : i32
    %dma_start3A_397 = tpu.memref_slice %arg2[%multiple_of3A_392, %dma_start3A_396] : memref<1000000x32xf32, #tpu.memory_space<hbm>> -> memref<8x32xf32, #tpu.memory_space<hbm>>
    %dma_start3A_398 = arith.constant 112 : i32
    %dma_start3A_399 = arith.constant 0 : i32
    %dma_start3A_400 = tpu.memref_slice %arg10[%dma_start3A_398, %dma_start3A_399] : memref<128x32xf32, #tpu.memory_space<vmem>> -> memref<8x32xf32, #tpu.memory_space<vmem>>
    %dma_start3A_401 = arith.constant 0 : i32
    %dma_start3A_402 = tpu.memref_slice %arg2[%multiple_of3A_392, %dma_start3A_401] : memref<1000000x32xf32, #tpu.memory_space<hbm>> -> memref<8x32xf32, #tpu.memory_space<hbm>>
    tpu.enqueue_dma source(%dma_start3A_402 : memref<8x32xf32, #tpu.memory_space<hbm>>) target(%dma_start3A_400 : memref<8x32xf32, #tpu.memory_space<vmem>>) target_semaphore(%arg15 : memref<!tpu.dma_semaphore, #tpu.memory_space<semaphore_mem>>)
    %slice3A_403 = vector.extract_strided_slice %mul3A_10 {offsets = [15], sizes = [1], strides = [1]} : vector<16xi32> to vector<1xi32>
    %squeeze3A_404 = vector.extract %slice3A_403[0] : i32 from vector<1xi32>
    %multiple_of3A_405 = tpu.assume_multiple %squeeze3A_404, 8 : i32
    %dma_start3A_406 = arith.constant 120 : i32
    %dma_start3A_407 = arith.constant 0 : i32
    %dma_start3A_408 = tpu.memref_slice %arg9[%dma_start3A_406, %dma_start3A_407] : memref<128x32xf32, #tpu.memory_space<vmem>> -> memref<8x32xf32, #tpu.memory_space<vmem>>
    %dma_start3A_409 = arith.constant 0 : i32
    %dma_start3A_410 = tpu.memref_slice %arg2[%multiple_of3A_405, %dma_start3A_409] : memref<1000000x32xf32, #tpu.memory_space<hbm>> -> memref<8x32xf32, #tpu.memory_space<hbm>>
    %dma_start3A_411 = arith.constant 120 : i32
    %dma_start3A_412 = arith.constant 0 : i32
    %dma_start3A_413 = tpu.memref_slice %arg9[%dma_start3A_411, %dma_start3A_412] : memref<128x32xf32, #tpu.memory_space<vmem>> -> memref<8x32xf32, #tpu.memory_space<vmem>>
    %dma_start3A_414 = arith.constant 0 : i32
    %dma_start3A_415 = tpu.memref_slice %arg2[%multiple_of3A_405, %dma_start3A_414] : memref<1000000x32xf32, #tpu.memory_space<hbm>> -> memref<8x32xf32, #tpu.memory_space<hbm>>
    tpu.enqueue_dma source(%dma_start3A_415 : memref<8x32xf32, #tpu.memory_space<hbm>>) target(%dma_start3A_413 : memref<8x32xf32, #tpu.memory_space<vmem>>) target_semaphore(%arg15 : memref<!tpu.dma_semaphore, #tpu.memory_space<semaphore_mem>>)
    %slice3A_416 = vector.extract_strided_slice %mul3A_16 {offsets = [15], sizes = [1], strides = [1]} : vector<16xi32> to vector<1xi32>
    %squeeze3A_417 = vector.extract %slice3A_416[0] : i32 from vector<1xi32>
    %multiple_of3A_418 = tpu.assume_multiple %squeeze3A_417, 8 : i32
    %dma_start3A_419 = arith.constant 120 : i32
    %dma_start3A_420 = arith.constant 0 : i32
    %dma_start3A_421 = tpu.memref_slice %arg10[%dma_start3A_419, %dma_start3A_420] : memref<128x32xf32, #tpu.memory_space<vmem>> -> memref<8x32xf32, #tpu.memory_space<vmem>>
    %dma_start3A_422 = arith.constant 0 : i32
    %dma_start3A_423 = tpu.memref_slice %arg2[%multiple_of3A_418, %dma_start3A_422] : memref<1000000x32xf32, #tpu.memory_space<hbm>> -> memref<8x32xf32, #tpu.memory_space<hbm>>
    %dma_start3A_424 = arith.constant 120 : i32
    %dma_start3A_425 = arith.constant 0 : i32
    %dma_start3A_426 = tpu.memref_slice %arg10[%dma_start3A_424, %dma_start3A_425] : memref<128x32xf32, #tpu.memory_space<vmem>> -> memref<8x32xf32, #tpu.memory_space<vmem>>
    %dma_start3A_427 = arith.constant 0 : i32
    %dma_start3A_428 = tpu.memref_slice %arg2[%multiple_of3A_418, %dma_start3A_427] : memref<1000000x32xf32, #tpu.memory_space<hbm>> -> memref<8x32xf32, #tpu.memory_space<hbm>>
    tpu.enqueue_dma source(%dma_start3A_428 : memref<8x32xf32, #tpu.memory_space<hbm>>) target(%dma_start3A_426 : memref<8x32xf32, #tpu.memory_space<vmem>>) target_semaphore(%arg15 : memref<!tpu.dma_semaphore, #tpu.memory_space<semaphore_mem>>)
    %scan3A = arith.constant 0 : i32
    %scan3A_429 = arith.constant 0 : i32
    %scan3A_430 = arith.constant 16 : i32
    %scan3A_431 = arith.addi %scan3A_429, %scan3A_430 : i32
    %scan3A_432 = arith.constant 1 : i32
    scf.for %scan3A_434 = %scan3A_429 to %scan3A_431 step %scan3A_432  : i32 {
      %mul3A_435 = arith.constant 2 : i32
      %mul3A_436 = arith.muli %mul3A_435, %scan3A_434 : i32
      %add3A_437 = arith.constant 1 : i32
      %add3A_438 = arith.addi %mul3A_436, %add3A_437 : i32
      %mul3A_439 = arith.constant 16 : i32
      %mul3A_440 = arith.muli %add3A_438, %mul3A_439 : i32
      %get3A_441 = arith.index_cast %mul3A_440 : i32 to index
      %get3A_442 = tpu.vector_load %arg7[%get3A_441] {strides = array<i32>} : memref<512xi32, #tpu.memory_space<vmem>>, vector<16xi32>,
      %mul3A_443 = arith.constant 16 : i32
      %mul3A_444 = arith.muli %add3A_438, %mul3A_443 : i32
      %get3A_445 = arith.index_cast %mul3A_444 : i32 to index
      %get3A_446 = tpu.vector_load %arg8[%get3A_445] {strides = array<i32>} : memref<512xi32, #tpu.memory_space<vmem>>, vector<16xi32>,
      %shift_right_logical3A_447 = arith.constant 3 : i32
      %shift_right_logical3A_448 = vector.broadcast %shift_right_logical3A_447 : i32 to vector<16xi32>
      %shift_right_logical3A_449 = arith.shrui %get3A_442, %shift_right_logical3A_448 : vector<16xi32>
      %mul3A_450 = arith.constant 8 : i32
      %mul3A_451 = vector.broadcast %mul3A_450 : i32 to vector<16xi32>
      %mul3A_452 = arith.muli %shift_right_logical3A_449, %mul3A_451 : vector<16xi32>
      %shift_right_logical3A_453 = arith.constant 3 : i32
      %shift_right_logical3A_454 = vector.broadcast %shift_right_logical3A_453 : i32 to vector<16xi32>
      %shift_right_logical3A_455 = arith.shrui %get3A_446, %shift_right_logical3A_454 : vector<16xi32>
      %mul3A_456 = arith.constant 8 : i32
      %mul3A_457 = vector.broadcast %mul3A_456 : i32 to vector<16xi32>
      %mul3A_458 = arith.muli %shift_right_logical3A_455, %mul3A_457 : vector<16xi32>
      %slice3A_459 = vector.extract_strided_slice %mul3A_452 {offsets = [0], sizes = [1], strides = [1]} : vector<16xi32> to vector<1xi32>
      %squeeze3A_460 = vector.extract %slice3A_459[0] : i32 from vector<1xi32>
      %multiple_of3A_461 = tpu.assume_multiple %squeeze3A_460, 8 : i32
      %dma_start3A_462 = arith.constant 0 : i32
      %dma_start3A_463 = arith.constant 0 : i32
      %dma_start3A_464 = tpu.memref_slice %arg11[%dma_start3A_462, %dma_start3A_463] : memref<128x32xf32, #tpu.memory_space<vmem>> -> memref<8x32xf32, #tpu.memory_space<vmem>>
      %dma_start3A_465 = arith.constant 0 : i32
      %dma_start3A_466 = tpu.memref_slice %arg2[%multiple_of3A_461, %dma_start3A_465] : memref<1000000x32xf32, #tpu.memory_space<hbm>> -> memref<8x32xf32, #tpu.memory_space<hbm>>
      %dma_start3A_467 = arith.constant 0 : i32
      %dma_start3A_468 = arith.constant 0 : i32
      %dma_start3A_469 = tpu.memref_slice %arg11[%dma_start3A_467, %dma_start3A_468] : memref<128x32xf32, #tpu.memory_space<vmem>> -> memref<8x32xf32, #tpu.memory_space<vmem>>
      %dma_start3A_470 = arith.constant 0 : i32
      %dma_start3A_471 = tpu.memref_slice %arg2[%multiple_of3A_461, %dma_start3A_470] : memref<1000000x32xf32, #tpu.memory_space<hbm>> -> memref<8x32xf32, #tpu.memory_space<hbm>>
      tpu.enqueue_dma source(%dma_start3A_471 : memref<8x32xf32, #tpu.memory_space<hbm>>) target(%dma_start3A_469 : memref<8x32xf32, #tpu.memory_space<vmem>>) target_semaphore(%arg16 : memref<!tpu.dma_semaphore, #tpu.memory_space<semaphore_mem>>)
      %slice3A_472 = vector.extract_strided_slice %mul3A_458 {offsets = [0], sizes = [1], strides = [1]} : vector<16xi32> to vector<1xi32>
      %squeeze3A_473 = vector.extract %slice3A_472[0] : i32 from vector<1xi32>
      %multiple_of3A_474 = tpu.assume_multiple %squeeze3A_473, 8 : i32
      %dma_start3A_475 = arith.constant 0 : i32
      %dma_start3A_476 = arith.constant 0 : i32
      %dma_start3A_477 = tpu.memref_slice %arg12[%dma_start3A_475, %dma_start3A_476] : memref<128x32xf32, #tpu.memory_space<vmem>> -> memref<8x32xf32, #tpu.memory_space<vmem>>
      %dma_start3A_478 = arith.constant 0 : i32
      %dma_start3A_479 = tpu.memref_slice %arg2[%multiple_of3A_474, %dma_start3A_478] : memref<1000000x32xf32, #tpu.memory_space<hbm>> -> memref<8x32xf32, #tpu.memory_space<hbm>>
      %dma_start3A_480 = arith.constant 0 : i32
      %dma_start3A_481 = arith.constant 0 : i32
      %dma_start3A_482 = tpu.memref_slice %arg12[%dma_start3A_480, %dma_start3A_481] : memref<128x32xf32, #tpu.memory_space<vmem>> -> memref<8x32xf32, #tpu.memory_space<vmem>>
      %dma_start3A_483 = arith.constant 0 : i32
      %dma_start3A_484 = tpu.memref_slice %arg2[%multiple_of3A_474, %dma_start3A_483] : memref<1000000x32xf32, #tpu.memory_space<hbm>> -> memref<8x32xf32, #tpu.memory_space<hbm>>
      tpu.enqueue_dma source(%dma_start3A_484 : memref<8x32xf32, #tpu.memory_space<hbm>>) target(%dma_start3A_482 : memref<8x32xf32, #tpu.memory_space<vmem>>) target_semaphore(%arg16 : memref<!tpu.dma_semaphore, #tpu.memory_space<semaphore_mem>>)
      %slice3A_485 = vector.extract_strided_slice %mul3A_452 {offsets = [1], sizes = [1], strides = [1]} : vector<16xi32> to vector<1xi32>
      %squeeze3A_486 = vector.extract %slice3A_485[0] : i32 from vector<1xi32>
      %multiple_of3A_487 = tpu.assume_multiple %squeeze3A_486, 8 : i32
      %dma_start3A_488 = arith.constant 8 : i32
      %dma_start3A_489 = arith.constant 0 : i32
      %dma_start3A_490 = tpu.memref_slice %arg11[%dma_start3A_488, %dma_start3A_489] : memref<128x32xf32, #tpu.memory_space<vmem>> -> memref<8x32xf32, #tpu.memory_space<vmem>>
      %dma_start3A_491 = arith.constant 0 : i32
      %dma_start3A_492 = tpu.memref_slice %arg2[%multiple_of3A_487, %dma_start3A_491] : memref<1000000x32xf32, #tpu.memory_space<hbm>> -> memref<8x32xf32, #tpu.memory_space<hbm>>
      %dma_start3A_493 = arith.constant 8 : i32
      %dma_start3A_494 = arith.constant 0 : i32
      %dma_start3A_495 = tpu.memref_slice %arg11[%dma_start3A_493, %dma_start3A_494] : memref<128x32xf32, #tpu.memory_space<vmem>> -> memref<8x32xf32, #tpu.memory_space<vmem>>
      %dma_start3A_496 = arith.constant 0 : i32
      %dma_start3A_497 = tpu.memref_slice %arg2[%multiple_of3A_487, %dma_start3A_496] : memref<1000000x32xf32, #tpu.memory_space<hbm>> -> memref<8x32xf32, #tpu.memory_space<hbm>>
      tpu.enqueue_dma source(%dma_start3A_497 : memref<8x32xf32, #tpu.memory_space<hbm>>) target(%dma_start3A_495 : memref<8x32xf32, #tpu.memory_space<vmem>>) target_semaphore(%arg16 : memref<!tpu.dma_semaphore, #tpu.memory_space<semaphore_mem>>)
      %slice3A_498 = vector.extract_strided_slice %mul3A_458 {offsets = [1], sizes = [1], strides = [1]} : vector<16xi32> to vector<1xi32>
      %squeeze3A_499 = vector.extract %slice3A_498[0] : i32 from vector<1xi32>
      %multiple_of3A_500 = tpu.assume_multiple %squeeze3A_499, 8 : i32
      %dma_start3A_501 = arith.constant 8 : i32
      %dma_start3A_502 = arith.constant 0 : i32
      %dma_start3A_503 = tpu.memref_slice %arg12[%dma_start3A_501, %dma_start3A_502] : memref<128x32xf32, #tpu.memory_space<vmem>> -> memref<8x32xf32, #tpu.memory_space<vmem>>
      %dma_start3A_504 = arith.constant 0 : i32
      %dma_start3A_505 = tpu.memref_slice %arg2[%multiple_of3A_500, %dma_start3A_504] : memref<1000000x32xf32, #tpu.memory_space<hbm>> -> memref<8x32xf32, #tpu.memory_space<hbm>>
      %dma_start3A_506 = arith.constant 8 : i32
      %dma_start3A_507 = arith.constant 0 : i32
      %dma_start3A_508 = tpu.memref_slice %arg12[%dma_start3A_506, %dma_start3A_507] : memref<128x32xf32, #tpu.memory_space<vmem>> -> memref<8x32xf32, #tpu.memory_space<vmem>>
      %dma_start3A_509 = arith.constant 0 : i32
      %dma_start3A_510 = tpu.memref_slice %arg2[%multiple_of3A_500, %dma_start3A_509] : memref<1000000x32xf32, #tpu.memory_space<hbm>> -> memref<8x32xf32, #tpu.memory_space<hbm>>
      tpu.enqueue_dma source(%dma_start3A_510 : memref<8x32xf32, #tpu.memory_space<hbm>>) target(%dma_start3A_508 : memref<8x32xf32, #tpu.memory_space<vmem>>) target_semaphore(%arg16 : memref<!tpu.dma_semaphore, #tpu.memory_space<semaphore_mem>>)
      %slice3A_511 = vector.extract_strided_slice %mul3A_452 {offsets = [2], sizes = [1], strides = [1]} : vector<16xi32> to vector<1xi32>
      %squeeze3A_512 = vector.extract %slice3A_511[0] : i32 from vector<1xi32>
      %multiple_of3A_513 = tpu.assume_multiple %squeeze3A_512, 8 : i32
      %dma_start3A_514 = arith.constant 16 : i32
      %dma_start3A_515 = arith.constant 0 : i32
      %dma_start3A_516 = tpu.memref_slice %arg11[%dma_start3A_514, %dma_start3A_515] : memref<128x32xf32, #tpu.memory_space<vmem>> -> memref<8x32xf32, #tpu.memory_space<vmem>>
      %dma_start3A_517 = arith.constant 0 : i32
      %dma_start3A_518 = tpu.memref_slice %arg2[%multiple_of3A_513, %dma_start3A_517] : memref<1000000x32xf32, #tpu.memory_space<hbm>> -> memref<8x32xf32, #tpu.memory_space<hbm>>
      %dma_start3A_519 = arith.constant 16 : i32
      %dma_start3A_520 = arith.constant 0 : i32
      %dma_start3A_521 = tpu.memref_slice %arg11[%dma_start3A_519, %dma_start3A_520] : memref<128x32xf32, #tpu.memory_space<vmem>> -> memref<8x32xf32, #tpu.memory_space<vmem>>
      %dma_start3A_522 = arith.constant 0 : i32
      %dma_start3A_523 = tpu.memref_slice %arg2[%multiple_of3A_513, %dma_start3A_522] : memref<1000000x32xf32, #tpu.memory_space<hbm>> -> memref<8x32xf32, #tpu.memory_space<hbm>>
      tpu.enqueue_dma source(%dma_start3A_523 : memref<8x32xf32, #tpu.memory_space<hbm>>) target(%dma_start3A_521 : memref<8x32xf32, #tpu.memory_space<vmem>>) target_semaphore(%arg16 : memref<!tpu.dma_semaphore, #tpu.memory_space<semaphore_mem>>)
      %slice3A_524 = vector.extract_strided_slice %mul3A_458 {offsets = [2], sizes = [1], strides = [1]} : vector<16xi32> to vector<1xi32>
      %squeeze3A_525 = vector.extract %slice3A_524[0] : i32 from vector<1xi32>
      %multiple_of3A_526 = tpu.assume_multiple %squeeze3A_525, 8 : i32
      %dma_start3A_527 = arith.constant 16 : i32
      %dma_start3A_528 = arith.constant 0 : i32
      %dma_start3A_529 = tpu.memref_slice %arg12[%dma_start3A_527, %dma_start3A_528] : memref<128x32xf32, #tpu.memory_space<vmem>> -> memref<8x32xf32, #tpu.memory_space<vmem>>
      %dma_start3A_530 = arith.constant 0 : i32
      %dma_start3A_531 = tpu.memref_slice %arg2[%multiple_of3A_526, %dma_start3A_530] : memref<1000000x32xf32, #tpu.memory_space<hbm>> -> memref<8x32xf32, #tpu.memory_space<hbm>>
      %dma_start3A_532 = arith.constant 16 : i32
      %dma_start3A_533 = arith.constant 0 : i32
      %dma_start3A_534 = tpu.memref_slice %arg12[%dma_start3A_532, %dma_start3A_533] : memref<128x32xf32, #tpu.memory_space<vmem>> -> memref<8x32xf32, #tpu.memory_space<vmem>>
      %dma_start3A_535 = arith.constant 0 : i32
      %dma_start3A_536 = tpu.memref_slice %arg2[%multiple_of3A_526, %dma_start3A_535] : memref<1000000x32xf32, #tpu.memory_space<hbm>> -> memref<8x32xf32, #tpu.memory_space<hbm>>
      tpu.enqueue_dma source(%dma_start3A_536 : memref<8x32xf32, #tpu.memory_space<hbm>>) target(%dma_start3A_534 : memref<8x32xf32, #tpu.memory_space<vmem>>) target_semaphore(%arg16 : memref<!tpu.dma_semaphore, #tpu.memory_space<semaphore_mem>>)
      %slice3A_537 = vector.extract_strided_slice %mul3A_452 {offsets = [3], sizes = [1], strides = [1]} : vector<16xi32> to vector<1xi32>
      %squeeze3A_538 = vector.extract %slice3A_537[0] : i32 from vector<1xi32>
      %multiple_of3A_539 = tpu.assume_multiple %squeeze3A_538, 8 : i32
      %dma_start3A_540 = arith.constant 24 : i32
      %dma_start3A_541 = arith.constant 0 : i32
      %dma_start3A_542 = tpu.memref_slice %arg11[%dma_start3A_540, %dma_start3A_541] : memref<128x32xf32, #tpu.memory_space<vmem>> -> memref<8x32xf32, #tpu.memory_space<vmem>>
      %dma_start3A_543 = arith.constant 0 : i32
      %dma_start3A_544 = tpu.memref_slice %arg2[%multiple_of3A_539, %dma_start3A_543] : memref<1000000x32xf32, #tpu.memory_space<hbm>> -> memref<8x32xf32, #tpu.memory_space<hbm>>
      %dma_start3A_545 = arith.constant 24 : i32
      %dma_start3A_546 = arith.constant 0 : i32
      %dma_start3A_547 = tpu.memref_slice %arg11[%dma_start3A_545, %dma_start3A_546] : memref<128x32xf32, #tpu.memory_space<vmem>> -> memref<8x32xf32, #tpu.memory_space<vmem>>
      %dma_start3A_548 = arith.constant 0 : i32
      %dma_start3A_549 = tpu.memref_slice %arg2[%multiple_of3A_539, %dma_start3A_548] : memref<1000000x32xf32, #tpu.memory_space<hbm>> -> memref<8x32xf32, #tpu.memory_space<hbm>>
      tpu.enqueue_dma source(%dma_start3A_549 : memref<8x32xf32, #tpu.memory_space<hbm>>) target(%dma_start3A_547 : memref<8x32xf32, #tpu.memory_space<vmem>>) target_semaphore(%arg16 : memref<!tpu.dma_semaphore, #tpu.memory_space<semaphore_mem>>)
      %slice3A_550 = vector.extract_strided_slice %mul3A_458 {offsets = [3], sizes = [1], strides = [1]} : vector<16xi32> to vector<1xi32>
      %squeeze3A_551 = vector.extract %slice3A_550[0] : i32 from vector<1xi32>
      %multiple_of3A_552 = tpu.assume_multiple %squeeze3A_551, 8 : i32
      %dma_start3A_553 = arith.constant 24 : i32
      %dma_start3A_554 = arith.constant 0 : i32
      %dma_start3A_555 = tpu.memref_slice %arg12[%dma_start3A_553, %dma_start3A_554] : memref<128x32xf32, #tpu.memory_space<vmem>> -> memref<8x32xf32, #tpu.memory_space<vmem>>
      %dma_start3A_556 = arith.constant 0 : i32
      %dma_start3A_557 = tpu.memref_slice %arg2[%multiple_of3A_552, %dma_start3A_556] : memref<1000000x32xf32, #tpu.memory_space<hbm>> -> memref<8x32xf32, #tpu.memory_space<hbm>>
      %dma_start3A_558 = arith.constant 24 : i32
      %dma_start3A_559 = arith.constant 0 : i32
      %dma_start3A_560 = tpu.memref_slice %arg12[%dma_start3A_558, %dma_start3A_559] : memref<128x32xf32, #tpu.memory_space<vmem>> -> memref<8x32xf32, #tpu.memory_space<vmem>>
      %dma_start3A_561 = arith.constant 0 : i32
      %dma_start3A_562 = tpu.memref_slice %arg2[%multiple_of3A_552, %dma_start3A_561] : memref<1000000x32xf32, #tpu.memory_space<hbm>> -> memref<8x32xf32, #tpu.memory_space<hbm>>
      tpu.enqueue_dma source(%dma_start3A_562 : memref<8x32xf32, #tpu.memory_space<hbm>>) target(%dma_start3A_560 : memref<8x32xf32, #tpu.memory_space<vmem>>) target_semaphore(%arg16 : memref<!tpu.dma_semaphore, #tpu.memory_space<semaphore_mem>>)
      %slice3A_563 = vector.extract_strided_slice %mul3A_452 {offsets = [4], sizes = [1], strides = [1]} : vector<16xi32> to vector<1xi32>
      %squeeze3A_564 = vector.extract %slice3A_563[0] : i32 from vector<1xi32>
      %multiple_of3A_565 = tpu.assume_multiple %squeeze3A_564, 8 : i32
      %dma_start3A_566 = arith.constant 32 : i32
      %dma_start3A_567 = arith.constant 0 : i32
      %dma_start3A_568 = tpu.memref_slice %arg11[%dma_start3A_566, %dma_start3A_567] : memref<128x32xf32, #tpu.memory_space<vmem>> -> memref<8x32xf32, #tpu.memory_space<vmem>>
      %dma_start3A_569 = arith.constant 0 : i32
      %dma_start3A_570 = tpu.memref_slice %arg2[%multiple_of3A_565, %dma_start3A_569] : memref<1000000x32xf32, #tpu.memory_space<hbm>> -> memref<8x32xf32, #tpu.memory_space<hbm>>
      %dma_start3A_571 = arith.constant 32 : i32
      %dma_start3A_572 = arith.constant 0 : i32
      %dma_start3A_573 = tpu.memref_slice %arg11[%dma_start3A_571, %dma_start3A_572] : memref<128x32xf32, #tpu.memory_space<vmem>> -> memref<8x32xf32, #tpu.memory_space<vmem>>
      %dma_start3A_574 = arith.constant 0 : i32
      %dma_start3A_575 = tpu.memref_slice %arg2[%multiple_of3A_565, %dma_start3A_574] : memref<1000000x32xf32, #tpu.memory_space<hbm>> -> memref<8x32xf32, #tpu.memory_space<hbm>>
      tpu.enqueue_dma source(%dma_start3A_575 : memref<8x32xf32, #tpu.memory_space<hbm>>) target(%dma_start3A_573 : memref<8x32xf32, #tpu.memory_space<vmem>>) target_semaphore(%arg16 : memref<!tpu.dma_semaphore, #tpu.memory_space<semaphore_mem>>)
      %slice3A_576 = vector.extract_strided_slice %mul3A_458 {offsets = [4], sizes = [1], strides = [1]} : vector<16xi32> to vector<1xi32>
      %squeeze3A_577 = vector.extract %slice3A_576[0] : i32 from vector<1xi32>
      %multiple_of3A_578 = tpu.assume_multiple %squeeze3A_577, 8 : i32
      %dma_start3A_579 = arith.constant 32 : i32
      %dma_start3A_580 = arith.constant 0 : i32
      %dma_start3A_581 = tpu.memref_slice %arg12[%dma_start3A_579, %dma_start3A_580] : memref<128x32xf32, #tpu.memory_space<vmem>> -> memref<8x32xf32, #tpu.memory_space<vmem>>
      %dma_start3A_582 = arith.constant 0 : i32
      %dma_start3A_583 = tpu.memref_slice %arg2[%multiple_of3A_578, %dma_start3A_582] : memref<1000000x32xf32, #tpu.memory_space<hbm>> -> memref<8x32xf32, #tpu.memory_space<hbm>>
      %dma_start3A_584 = arith.constant 32 : i32
      %dma_start3A_585 = arith.constant 0 : i32
      %dma_start3A_586 = tpu.memref_slice %arg12[%dma_start3A_584, %dma_start3A_585] : memref<128x32xf32, #tpu.memory_space<vmem>> -> memref<8x32xf32, #tpu.memory_space<vmem>>
      %dma_start3A_587 = arith.constant 0 : i32
      %dma_start3A_588 = tpu.memref_slice %arg2[%multiple_of3A_578, %dma_start3A_587] : memref<1000000x32xf32, #tpu.memory_space<hbm>> -> memref<8x32xf32, #tpu.memory_space<hbm>>
      tpu.enqueue_dma source(%dma_start3A_588 : memref<8x32xf32, #tpu.memory_space<hbm>>) target(%dma_start3A_586 : memref<8x32xf32, #tpu.memory_space<vmem>>) target_semaphore(%arg16 : memref<!tpu.dma_semaphore, #tpu.memory_space<semaphore_mem>>)
      %slice3A_589 = vector.extract_strided_slice %mul3A_452 {offsets = [5], sizes = [1], strides = [1]} : vector<16xi32> to vector<1xi32>
      %squeeze3A_590 = vector.extract %slice3A_589[0] : i32 from vector<1xi32>
      %multiple_of3A_591 = tpu.assume_multiple %squeeze3A_590, 8 : i32
      %dma_start3A_592 = arith.constant 40 : i32
      %dma_start3A_593 = arith.constant 0 : i32
      %dma_start3A_594 = tpu.memref_slice %arg11[%dma_start3A_592, %dma_start3A_593] : memref<128x32xf32, #tpu.memory_space<vmem>> -> memref<8x32xf32, #tpu.memory_space<vmem>>
      %dma_start3A_595 = arith.constant 0 : i32
      %dma_start3A_596 = tpu.memref_slice %arg2[%multiple_of3A_591, %dma_start3A_595] : memref<1000000x32xf32, #tpu.memory_space<hbm>> -> memref<8x32xf32, #tpu.memory_space<hbm>>
      %dma_start3A_597 = arith.constant 40 : i32
      %dma_start3A_598 = arith.constant 0 : i32
      %dma_start3A_599 = tpu.memref_slice %arg11[%dma_start3A_597, %dma_start3A_598] : memref<128x32xf32, #tpu.memory_space<vmem>> -> memref<8x32xf32, #tpu.memory_space<vmem>>
      %dma_start3A_600 = arith.constant 0 : i32
      %dma_start3A_601 = tpu.memref_slice %arg2[%multiple_of3A_591, %dma_start3A_600] : memref<1000000x32xf32, #tpu.memory_space<hbm>> -> memref<8x32xf32, #tpu.memory_space<hbm>>
      tpu.enqueue_dma source(%dma_start3A_601 : memref<8x32xf32, #tpu.memory_space<hbm>>) target(%dma_start3A_599 : memref<8x32xf32, #tpu.memory_space<vmem>>) target_semaphore(%arg16 : memref<!tpu.dma_semaphore, #tpu.memory_space<semaphore_mem>>)
      %slice3A_602 = vector.extract_strided_slice %mul3A_458 {offsets = [5], sizes = [1], strides = [1]} : vector<16xi32> to vector<1xi32>
      %squeeze3A_603 = vector.extract %slice3A_602[0] : i32 from vector<1xi32>
      %multiple_of3A_604 = tpu.assume_multiple %squeeze3A_603, 8 : i32
      %dma_start3A_605 = arith.constant 40 : i32
      %dma_start3A_606 = arith.constant 0 : i32
      %dma_start3A_607 = tpu.memref_slice %arg12[%dma_start3A_605, %dma_start3A_606] : memref<128x32xf32, #tpu.memory_space<vmem>> -> memref<8x32xf32, #tpu.memory_space<vmem>>
      %dma_start3A_608 = arith.constant 0 : i32
      %dma_start3A_609 = tpu.memref_slice %arg2[%multiple_of3A_604, %dma_start3A_608] : memref<1000000x32xf32, #tpu.memory_space<hbm>> -> memref<8x32xf32, #tpu.memory_space<hbm>>
      %dma_start3A_610 = arith.constant 40 : i32
      %dma_start3A_611 = arith.constant 0 : i32
      %dma_start3A_612 = tpu.memref_slice %arg12[%dma_start3A_610, %dma_start3A_611] : memref<128x32xf32, #tpu.memory_space<vmem>> -> memref<8x32xf32, #tpu.memory_space<vmem>>
      %dma_start3A_613 = arith.constant 0 : i32
      %dma_start3A_614 = tpu.memref_slice %arg2[%multiple_of3A_604, %dma_start3A_613] : memref<1000000x32xf32, #tpu.memory_space<hbm>> -> memref<8x32xf32, #tpu.memory_space<hbm>>
      tpu.enqueue_dma source(%dma_start3A_614 : memref<8x32xf32, #tpu.memory_space<hbm>>) target(%dma_start3A_612 : memref<8x32xf32, #tpu.memory_space<vmem>>) target_semaphore(%arg16 : memref<!tpu.dma_semaphore, #tpu.memory_space<semaphore_mem>>)
      %slice3A_615 = vector.extract_strided_slice %mul3A_452 {offsets = [6], sizes = [1], strides = [1]} : vector<16xi32> to vector<1xi32>
      %squeeze3A_616 = vector.extract %slice3A_615[0] : i32 from vector<1xi32>
      %multiple_of3A_617 = tpu.assume_multiple %squeeze3A_616, 8 : i32
      %dma_start3A_618 = arith.constant 48 : i32
      %dma_start3A_619 = arith.constant 0 : i32
      %dma_start3A_620 = tpu.memref_slice %arg11[%dma_start3A_618, %dma_start3A_619] : memref<128x32xf32, #tpu.memory_space<vmem>> -> memref<8x32xf32, #tpu.memory_space<vmem>>
      %dma_start3A_621 = arith.constant 0 : i32
      %dma_start3A_622 = tpu.memref_slice %arg2[%multiple_of3A_617, %dma_start3A_621] : memref<1000000x32xf32, #tpu.memory_space<hbm>> -> memref<8x32xf32, #tpu.memory_space<hbm>>
      %dma_start3A_623 = arith.constant 48 : i32
      %dma_start3A_624 = arith.constant 0 : i32
      %dma_start3A_625 = tpu.memref_slice %arg11[%dma_start3A_623, %dma_start3A_624] : memref<128x32xf32, #tpu.memory_space<vmem>> -> memref<8x32xf32, #tpu.memory_space<vmem>>
      %dma_start3A_626 = arith.constant 0 : i32
      %dma_start3A_627 = tpu.memref_slice %arg2[%multiple_of3A_617, %dma_start3A_626] : memref<1000000x32xf32, #tpu.memory_space<hbm>> -> memref<8x32xf32, #tpu.memory_space<hbm>>
      tpu.enqueue_dma source(%dma_start3A_627 : memref<8x32xf32, #tpu.memory_space<hbm>>) target(%dma_start3A_625 : memref<8x32xf32, #tpu.memory_space<vmem>>) target_semaphore(%arg16 : memref<!tpu.dma_semaphore, #tpu.memory_space<semaphore_mem>>)
      %slice3A_628 = vector.extract_strided_slice %mul3A_458 {offsets = [6], sizes = [1], strides = [1]} : vector<16xi32> to vector<1xi32>
      %squeeze3A_629 = vector.extract %slice3A_628[0] : i32 from vector<1xi32>
      %multiple_of3A_630 = tpu.assume_multiple %squeeze3A_629, 8 : i32
      %dma_start3A_631 = arith.constant 48 : i32
      %dma_start3A_632 = arith.constant 0 : i32
      %dma_start3A_633 = tpu.memref_slice %arg12[%dma_start3A_631, %dma_start3A_632] : memref<128x32xf32, #tpu.memory_space<vmem>> -> memref<8x32xf32, #tpu.memory_space<vmem>>
      %dma_start3A_634 = arith.constant 0 : i32
      %dma_start3A_635 = tpu.memref_slice %arg2[%multiple_of3A_630, %dma_start3A_634] : memref<1000000x32xf32, #tpu.memory_space<hbm>> -> memref<8x32xf32, #tpu.memory_space<hbm>>
      %dma_start3A_636 = arith.constant 48 : i32
      %dma_start3A_637 = arith.constant 0 : i32
      %dma_start3A_638 = tpu.memref_slice %arg12[%dma_start3A_636, %dma_start3A_637] : memref<128x32xf32, #tpu.memory_space<vmem>> -> memref<8x32xf32, #tpu.memory_space<vmem>>
      %dma_start3A_639 = arith.constant 0 : i32
      %dma_start3A_640 = tpu.memref_slice %arg2[%multiple_of3A_630, %dma_start3A_639] : memref<1000000x32xf32, #tpu.memory_space<hbm>> -> memref<8x32xf32, #tpu.memory_space<hbm>>
      tpu.enqueue_dma source(%dma_start3A_640 : memref<8x32xf32, #tpu.memory_space<hbm>>) target(%dma_start3A_638 : memref<8x32xf32, #tpu.memory_space<vmem>>) target_semaphore(%arg16 : memref<!tpu.dma_semaphore, #tpu.memory_space<semaphore_mem>>)
      %slice3A_641 = vector.extract_strided_slice %mul3A_452 {offsets = [7], sizes = [1], strides = [1]} : vector<16xi32> to vector<1xi32>
      %squeeze3A_642 = vector.extract %slice3A_641[0] : i32 from vector<1xi32>
      %multiple_of3A_643 = tpu.assume_multiple %squeeze3A_642, 8 : i32
      %dma_start3A_644 = arith.constant 56 : i32
      %dma_start3A_645 = arith.constant 0 : i32
      %dma_start3A_646 = tpu.memref_slice %arg11[%dma_start3A_644, %dma_start3A_645] : memref<128x32xf32, #tpu.memory_space<vmem>> -> memref<8x32xf32, #tpu.memory_space<vmem>>
      %dma_start3A_647 = arith.constant 0 : i32
      %dma_start3A_648 = tpu.memref_slice %arg2[%multiple_of3A_643, %dma_start3A_647] : memref<1000000x32xf32, #tpu.memory_space<hbm>> -> memref<8x32xf32, #tpu.memory_space<hbm>>
      %dma_start3A_649 = arith.constant 56 : i32
      %dma_start3A_650 = arith.constant 0 : i32
      %dma_start3A_651 = tpu.memref_slice %arg11[%dma_start3A_649, %dma_start3A_650] : memref<128x32xf32, #tpu.memory_space<vmem>> -> memref<8x32xf32, #tpu.memory_space<vmem>>
      %dma_start3A_652 = arith.constant 0 : i32
      %dma_start3A_653 = tpu.memref_slice %arg2[%multiple_of3A_643, %dma_start3A_652] : memref<1000000x32xf32, #tpu.memory_space<hbm>> -> memref<8x32xf32, #tpu.memory_space<hbm>>
      tpu.enqueue_dma source(%dma_start3A_653 : memref<8x32xf32, #tpu.memory_space<hbm>>) target(%dma_start3A_651 : memref<8x32xf32, #tpu.memory_space<vmem>>) target_semaphore(%arg16 : memref<!tpu.dma_semaphore, #tpu.memory_space<semaphore_mem>>)
      %slice3A_654 = vector.extract_strided_slice %mul3A_458 {offsets = [7], sizes = [1], strides = [1]} : vector<16xi32> to vector<1xi32>
      %squeeze3A_655 = vector.extract %slice3A_654[0] : i32 from vector<1xi32>
      %multiple_of3A_656 = tpu.assume_multiple %squeeze3A_655, 8 : i32
      %dma_start3A_657 = arith.constant 56 : i32
      %dma_start3A_658 = arith.constant 0 : i32
      %dma_start3A_659 = tpu.memref_slice %arg12[%dma_start3A_657, %dma_start3A_658] : memref<128x32xf32, #tpu.memory_space<vmem>> -> memref<8x32xf32, #tpu.memory_space<vmem>>
      %dma_start3A_660 = arith.constant 0 : i32
      %dma_start3A_661 = tpu.memref_slice %arg2[%multiple_of3A_656, %dma_start3A_660] : memref<1000000x32xf32, #tpu.memory_space<hbm>> -> memref<8x32xf32, #tpu.memory_space<hbm>>
      %dma_start3A_662 = arith.constant 56 : i32
      %dma_start3A_663 = arith.constant 0 : i32
      %dma_start3A_664 = tpu.memref_slice %arg12[%dma_start3A_662, %dma_start3A_663] : memref<128x32xf32, #tpu.memory_space<vmem>> -> memref<8x32xf32, #tpu.memory_space<vmem>>
      %dma_start3A_665 = arith.constant 0 : i32
      %dma_start3A_666 = tpu.memref_slice %arg2[%multiple_of3A_656, %dma_start3A_665] : memref<1000000x32xf32, #tpu.memory_space<hbm>> -> memref<8x32xf32, #tpu.memory_space<hbm>>
      tpu.enqueue_dma source(%dma_start3A_666 : memref<8x32xf32, #tpu.memory_space<hbm>>) target(%dma_start3A_664 : memref<8x32xf32, #tpu.memory_space<vmem>>) target_semaphore(%arg16 : memref<!tpu.dma_semaphore, #tpu.memory_space<semaphore_mem>>)
      %slice3A_667 = vector.extract_strided_slice %mul3A_452 {offsets = [8], sizes = [1], strides = [1]} : vector<16xi32> to vector<1xi32>
      %squeeze3A_668 = vector.extract %slice3A_667[0] : i32 from vector<1xi32>
      %multiple_of3A_669 = tpu.assume_multiple %squeeze3A_668, 8 : i32
      %dma_start3A_670 = arith.constant 64 : i32
      %dma_start3A_671 = arith.constant 0 : i32
      %dma_start3A_672 = tpu.memref_slice %arg11[%dma_start3A_670, %dma_start3A_671] : memref<128x32xf32, #tpu.memory_space<vmem>> -> memref<8x32xf32, #tpu.memory_space<vmem>>
      %dma_start3A_673 = arith.constant 0 : i32
      %dma_start3A_674 = tpu.memref_slice %arg2[%multiple_of3A_669, %dma_start3A_673] : memref<1000000x32xf32, #tpu.memory_space<hbm>> -> memref<8x32xf32, #tpu.memory_space<hbm>>
      %dma_start3A_675 = arith.constant 64 : i32
      %dma_start3A_676 = arith.constant 0 : i32
      %dma_start3A_677 = tpu.memref_slice %arg11[%dma_start3A_675, %dma_start3A_676] : memref<128x32xf32, #tpu.memory_space<vmem>> -> memref<8x32xf32, #tpu.memory_space<vmem>>
      %dma_start3A_678 = arith.constant 0 : i32
      %dma_start3A_679 = tpu.memref_slice %arg2[%multiple_of3A_669, %dma_start3A_678] : memref<1000000x32xf32, #tpu.memory_space<hbm>> -> memref<8x32xf32, #tpu.memory_space<hbm>>
      tpu.enqueue_dma source(%dma_start3A_679 : memref<8x32xf32, #tpu.memory_space<hbm>>) target(%dma_start3A_677 : memref<8x32xf32, #tpu.memory_space<vmem>>) target_semaphore(%arg16 : memref<!tpu.dma_semaphore, #tpu.memory_space<semaphore_mem>>)
      %slice3A_680 = vector.extract_strided_slice %mul3A_458 {offsets = [8], sizes = [1], strides = [1]} : vector<16xi32> to vector<1xi32>
      %squeeze3A_681 = vector.extract %slice3A_680[0] : i32 from vector<1xi32>
      %multiple_of3A_682 = tpu.assume_multiple %squeeze3A_681, 8 : i32
      %dma_start3A_683 = arith.constant 64 : i32
      %dma_start3A_684 = arith.constant 0 : i32
      %dma_start3A_685 = tpu.memref_slice %arg12[%dma_start3A_683, %dma_start3A_684] : memref<128x32xf32, #tpu.memory_space<vmem>> -> memref<8x32xf32, #tpu.memory_space<vmem>>
      %dma_start3A_686 = arith.constant 0 : i32
      %dma_start3A_687 = tpu.memref_slice %arg2[%multiple_of3A_682, %dma_start3A_686] : memref<1000000x32xf32, #tpu.memory_space<hbm>> -> memref<8x32xf32, #tpu.memory_space<hbm>>
      %dma_start3A_688 = arith.constant 64 : i32
      %dma_start3A_689 = arith.constant 0 : i32
      %dma_start3A_690 = tpu.memref_slice %arg12[%dma_start3A_688, %dma_start3A_689] : memref<128x32xf32, #tpu.memory_space<vmem>> -> memref<8x32xf32, #tpu.memory_space<vmem>>
      %dma_start3A_691 = arith.constant 0 : i32
      %dma_start3A_692 = tpu.memref_slice %arg2[%multiple_of3A_682, %dma_start3A_691] : memref<1000000x32xf32, #tpu.memory_space<hbm>> -> memref<8x32xf32, #tpu.memory_space<hbm>>
      tpu.enqueue_dma source(%dma_start3A_692 : memref<8x32xf32, #tpu.memory_space<hbm>>) target(%dma_start3A_690 : memref<8x32xf32, #tpu.memory_space<vmem>>) target_semaphore(%arg16 : memref<!tpu.dma_semaphore, #tpu.memory_space<semaphore_mem>>)
      %slice3A_693 = vector.extract_strided_slice %mul3A_452 {offsets = [9], sizes = [1], strides = [1]} : vector<16xi32> to vector<1xi32>
      %squeeze3A_694 = vector.extract %slice3A_693[0] : i32 from vector<1xi32>
      %multiple_of3A_695 = tpu.assume_multiple %squeeze3A_694, 8 : i32
      %dma_start3A_696 = arith.constant 72 : i32
      %dma_start3A_697 = arith.constant 0 : i32
      %dma_start3A_698 = tpu.memref_slice %arg11[%dma_start3A_696, %dma_start3A_697] : memref<128x32xf32, #tpu.memory_space<vmem>> -> memref<8x32xf32, #tpu.memory_space<vmem>>
      %dma_start3A_699 = arith.constant 0 : i32
      %dma_start3A_700 = tpu.memref_slice %arg2[%multiple_of3A_695, %dma_start3A_699] : memref<1000000x32xf32, #tpu.memory_space<hbm>> -> memref<8x32xf32, #tpu.memory_space<hbm>>
      %dma_start3A_701 = arith.constant 72 : i32
      %dma_start3A_702 = arith.constant 0 : i32
      %dma_start3A_703 = tpu.memref_slice %arg11[%dma_start3A_701, %dma_start3A_702] : memref<128x32xf32, #tpu.memory_space<vmem>> -> memref<8x32xf32, #tpu.memory_space<vmem>>
      %dma_start3A_704 = arith.constant 0 : i32
      %dma_start3A_705 = tpu.memref_slice %arg2[%multiple_of3A_695, %dma_start3A_704] : memref<1000000x32xf32, #tpu.memory_space<hbm>> -> memref<8x32xf32, #tpu.memory_space<hbm>>
      tpu.enqueue_dma source(%dma_start3A_705 : memref<8x32xf32, #tpu.memory_space<hbm>>) target(%dma_start3A_703 : memref<8x32xf32, #tpu.memory_space<vmem>>) target_semaphore(%arg16 : memref<!tpu.dma_semaphore, #tpu.memory_space<semaphore_mem>>)
      %slice3A_706 = vector.extract_strided_slice %mul3A_458 {offsets = [9], sizes = [1], strides = [1]} : vector<16xi32> to vector<1xi32>
      %squeeze3A_707 = vector.extract %slice3A_706[0] : i32 from vector<1xi32>
      %multiple_of3A_708 = tpu.assume_multiple %squeeze3A_707, 8 : i32
      %dma_start3A_709 = arith.constant 72 : i32
      %dma_start3A_710 = arith.constant 0 : i32
      %dma_start3A_711 = tpu.memref_slice %arg12[%dma_start3A_709, %dma_start3A_710] : memref<128x32xf32, #tpu.memory_space<vmem>> -> memref<8x32xf32, #tpu.memory_space<vmem>>
      %dma_start3A_712 = arith.constant 0 : i32
      %dma_start3A_713 = tpu.memref_slice %arg2[%multiple_of3A_708, %dma_start3A_712] : memref<1000000x32xf32, #tpu.memory_space<hbm>> -> memref<8x32xf32, #tpu.memory_space<hbm>>
      %dma_start3A_714 = arith.constant 72 : i32
      %dma_start3A_715 = arith.constant 0 : i32
      %dma_start3A_716 = tpu.memref_slice %arg12[%dma_start3A_714, %dma_start3A_715] : memref<128x32xf32, #tpu.memory_space<vmem>> -> memref<8x32xf32, #tpu.memory_space<vmem>>
      %dma_start3A_717 = arith.constant 0 : i32
      %dma_start3A_718 = tpu.memref_slice %arg2[%multiple_of3A_708, %dma_start3A_717] : memref<1000000x32xf32, #tpu.memory_space<hbm>> -> memref<8x32xf32, #tpu.memory_space<hbm>>
      tpu.enqueue_dma source(%dma_start3A_718 : memref<8x32xf32, #tpu.memory_space<hbm>>) target(%dma_start3A_716 : memref<8x32xf32, #tpu.memory_space<vmem>>) target_semaphore(%arg16 : memref<!tpu.dma_semaphore, #tpu.memory_space<semaphore_mem>>)
      %slice3A_719 = vector.extract_strided_slice %mul3A_452 {offsets = [10], sizes = [1], strides = [1]} : vector<16xi32> to vector<1xi32>
      %squeeze3A_720 = vector.extract %slice3A_719[0] : i32 from vector<1xi32>
      %multiple_of3A_721 = tpu.assume_multiple %squeeze3A_720, 8 : i32
      %dma_start3A_722 = arith.constant 80 : i32
      %dma_start3A_723 = arith.constant 0 : i32
      %dma_start3A_724 = tpu.memref_slice %arg11[%dma_start3A_722, %dma_start3A_723] : memref<128x32xf32, #tpu.memory_space<vmem>> -> memref<8x32xf32, #tpu.memory_space<vmem>>
      %dma_start3A_725 = arith.constant 0 : i32
      %dma_start3A_726 = tpu.memref_slice %arg2[%multiple_of3A_721, %dma_start3A_725] : memref<1000000x32xf32, #tpu.memory_space<hbm>> -> memref<8x32xf32, #tpu.memory_space<hbm>>
      %dma_start3A_727 = arith.constant 80 : i32
      %dma_start3A_728 = arith.constant 0 : i32
      %dma_start3A_729 = tpu.memref_slice %arg11[%dma_start3A_727, %dma_start3A_728] : memref<128x32xf32, #tpu.memory_space<vmem>> -> memref<8x32xf32, #tpu.memory_space<vmem>>
      %dma_start3A_730 = arith.constant 0 : i32
      %dma_start3A_731 = tpu.memref_slice %arg2[%multiple_of3A_721, %dma_start3A_730] : memref<1000000x32xf32, #tpu.memory_space<hbm>> -> memref<8x32xf32, #tpu.memory_space<hbm>>
      tpu.enqueue_dma source(%dma_start3A_731 : memref<8x32xf32, #tpu.memory_space<hbm>>) target(%dma_start3A_729 : memref<8x32xf32, #tpu.memory_space<vmem>>) target_semaphore(%arg16 : memref<!tpu.dma_semaphore, #tpu.memory_space<semaphore_mem>>)
      %slice3A_732 = vector.extract_strided_slice %mul3A_458 {offsets = [10], sizes = [1], strides = [1]} : vector<16xi32> to vector<1xi32>
      %squeeze3A_733 = vector.extract %slice3A_732[0] : i32 from vector<1xi32>
      %multiple_of3A_734 = tpu.assume_multiple %squeeze3A_733, 8 : i32
      %dma_start3A_735 = arith.constant 80 : i32
      %dma_start3A_736 = arith.constant 0 : i32
      %dma_start3A_737 = tpu.memref_slice %arg12[%dma_start3A_735, %dma_start3A_736] : memref<128x32xf32, #tpu.memory_space<vmem>> -> memref<8x32xf32, #tpu.memory_space<vmem>>
      %dma_start3A_738 = arith.constant 0 : i32
      %dma_start3A_739 = tpu.memref_slice %arg2[%multiple_of3A_734, %dma_start3A_738] : memref<1000000x32xf32, #tpu.memory_space<hbm>> -> memref<8x32xf32, #tpu.memory_space<hbm>>
      %dma_start3A_740 = arith.constant 80 : i32
      %dma_start3A_741 = arith.constant 0 : i32
      %dma_start3A_742 = tpu.memref_slice %arg12[%dma_start3A_740, %dma_start3A_741] : memref<128x32xf32, #tpu.memory_space<vmem>> -> memref<8x32xf32, #tpu.memory_space<vmem>>
      %dma_start3A_743 = arith.constant 0 : i32
      %dma_start3A_744 = tpu.memref_slice %arg2[%multiple_of3A_734, %dma_start3A_743] : memref<1000000x32xf32, #tpu.memory_space<hbm>> -> memref<8x32xf32, #tpu.memory_space<hbm>>
      tpu.enqueue_dma source(%dma_start3A_744 : memref<8x32xf32, #tpu.memory_space<hbm>>) target(%dma_start3A_742 : memref<8x32xf32, #tpu.memory_space<vmem>>) target_semaphore(%arg16 : memref<!tpu.dma_semaphore, #tpu.memory_space<semaphore_mem>>)
      %slice3A_745 = vector.extract_strided_slice %mul3A_452 {offsets = [11], sizes = [1], strides = [1]} : vector<16xi32> to vector<1xi32>
      %squeeze3A_746 = vector.extract %slice3A_745[0] : i32 from vector<1xi32>
      %multiple_of3A_747 = tpu.assume_multiple %squeeze3A_746, 8 : i32
      %dma_start3A_748 = arith.constant 88 : i32
      %dma_start3A_749 = arith.constant 0 : i32
      %dma_start3A_750 = tpu.memref_slice %arg11[%dma_start3A_748, %dma_start3A_749] : memref<128x32xf32, #tpu.memory_space<vmem>> -> memref<8x32xf32, #tpu.memory_space<vmem>>
      %dma_start3A_751 = arith.constant 0 : i32
      %dma_start3A_752 = tpu.memref_slice %arg2[%multiple_of3A_747, %dma_start3A_751] : memref<1000000x32xf32, #tpu.memory_space<hbm>> -> memref<8x32xf32, #tpu.memory_space<hbm>>
      %dma_start3A_753 = arith.constant 88 : i32
      %dma_start3A_754 = arith.constant 0 : i32
      %dma_start3A_755 = tpu.memref_slice %arg11[%dma_start3A_753, %dma_start3A_754] : memref<128x32xf32, #tpu.memory_space<vmem>> -> memref<8x32xf32, #tpu.memory_space<vmem>>
      %dma_start3A_756 = arith.constant 0 : i32
      %dma_start3A_757 = tpu.memref_slice %arg2[%multiple_of3A_747, %dma_start3A_756] : memref<1000000x32xf32, #tpu.memory_space<hbm>> -> memref<8x32xf32, #tpu.memory_space<hbm>>
      tpu.enqueue_dma source(%dma_start3A_757 : memref<8x32xf32, #tpu.memory_space<hbm>>) target(%dma_start3A_755 : memref<8x32xf32, #tpu.memory_space<vmem>>) target_semaphore(%arg16 : memref<!tpu.dma_semaphore, #tpu.memory_space<semaphore_mem>>)
      %slice3A_758 = vector.extract_strided_slice %mul3A_458 {offsets = [11], sizes = [1], strides = [1]} : vector<16xi32> to vector<1xi32>
      %squeeze3A_759 = vector.extract %slice3A_758[0] : i32 from vector<1xi32>
      %multiple_of3A_760 = tpu.assume_multiple %squeeze3A_759, 8 : i32
      %dma_start3A_761 = arith.constant 88 : i32
      %dma_start3A_762 = arith.constant 0 : i32
      %dma_start3A_763 = tpu.memref_slice %arg12[%dma_start3A_761, %dma_start3A_762] : memref<128x32xf32, #tpu.memory_space<vmem>> -> memref<8x32xf32, #tpu.memory_space<vmem>>
      %dma_start3A_764 = arith.constant 0 : i32
      %dma_start3A_765 = tpu.memref_slice %arg2[%multiple_of3A_760, %dma_start3A_764] : memref<1000000x32xf32, #tpu.memory_space<hbm>> -> memref<8x32xf32, #tpu.memory_space<hbm>>
      %dma_start3A_766 = arith.constant 88 : i32
      %dma_start3A_767 = arith.constant 0 : i32
      %dma_start3A_768 = tpu.memref_slice %arg12[%dma_start3A_766, %dma_start3A_767] : memref<128x32xf32, #tpu.memory_space<vmem>> -> memref<8x32xf32, #tpu.memory_space<vmem>>
      %dma_start3A_769 = arith.constant 0 : i32
      %dma_start3A_770 = tpu.memref_slice %arg2[%multiple_of3A_760, %dma_start3A_769] : memref<1000000x32xf32, #tpu.memory_space<hbm>> -> memref<8x32xf32, #tpu.memory_space<hbm>>
      tpu.enqueue_dma source(%dma_start3A_770 : memref<8x32xf32, #tpu.memory_space<hbm>>) target(%dma_start3A_768 : memref<8x32xf32, #tpu.memory_space<vmem>>) target_semaphore(%arg16 : memref<!tpu.dma_semaphore, #tpu.memory_space<semaphore_mem>>)
      %slice3A_771 = vector.extract_strided_slice %mul3A_452 {offsets = [12], sizes = [1], strides = [1]} : vector<16xi32> to vector<1xi32>
      %squeeze3A_772 = vector.extract %slice3A_771[0] : i32 from vector<1xi32>
      %multiple_of3A_773 = tpu.assume_multiple %squeeze3A_772, 8 : i32
      %dma_start3A_774 = arith.constant 96 : i32
      %dma_start3A_775 = arith.constant 0 : i32
      %dma_start3A_776 = tpu.memref_slice %arg11[%dma_start3A_774, %dma_start3A_775] : memref<128x32xf32, #tpu.memory_space<vmem>> -> memref<8x32xf32, #tpu.memory_space<vmem>>
      %dma_start3A_777 = arith.constant 0 : i32
      %dma_start3A_778 = tpu.memref_slice %arg2[%multiple_of3A_773, %dma_start3A_777] : memref<1000000x32xf32, #tpu.memory_space<hbm>> -> memref<8x32xf32, #tpu.memory_space<hbm>>
      %dma_start3A_779 = arith.constant 96 : i32
      %dma_start3A_780 = arith.constant 0 : i32
      %dma_start3A_781 = tpu.memref_slice %arg11[%dma_start3A_779, %dma_start3A_780] : memref<128x32xf32, #tpu.memory_space<vmem>> -> memref<8x32xf32, #tpu.memory_space<vmem>>
      %dma_start3A_782 = arith.constant 0 : i32
      %dma_start3A_783 = tpu.memref_slice %arg2[%multiple_of3A_773, %dma_start3A_782] : memref<1000000x32xf32, #tpu.memory_space<hbm>> -> memref<8x32xf32, #tpu.memory_space<hbm>>
      tpu.enqueue_dma source(%dma_start3A_783 : memref<8x32xf32, #tpu.memory_space<hbm>>) target(%dma_start3A_781 : memref<8x32xf32, #tpu.memory_space<vmem>>) target_semaphore(%arg16 : memref<!tpu.dma_semaphore, #tpu.memory_space<semaphore_mem>>)
      %slice3A_784 = vector.extract_strided_slice %mul3A_458 {offsets = [12], sizes = [1], strides = [1]} : vector<16xi32> to vector<1xi32>
      %squeeze3A_785 = vector.extract %slice3A_784[0] : i32 from vector<1xi32>
      %multiple_of3A_786 = tpu.assume_multiple %squeeze3A_785, 8 : i32
      %dma_start3A_787 = arith.constant 96 : i32
      %dma_start3A_788 = arith.constant 0 : i32
      %dma_start3A_789 = tpu.memref_slice %arg12[%dma_start3A_787, %dma_start3A_788] : memref<128x32xf32, #tpu.memory_space<vmem>> -> memref<8x32xf32, #tpu.memory_space<vmem>>
      %dma_start3A_790 = arith.constant 0 : i32
      %dma_start3A_791 = tpu.memref_slice %arg2[%multiple_of3A_786, %dma_start3A_790] : memref<1000000x32xf32, #tpu.memory_space<hbm>> -> memref<8x32xf32, #tpu.memory_space<hbm>>
      %dma_start3A_792 = arith.constant 96 : i32
      %dma_start3A_793 = arith.constant 0 : i32
      %dma_start3A_794 = tpu.memref_slice %arg12[%dma_start3A_792, %dma_start3A_793] : memref<128x32xf32, #tpu.memory_space<vmem>> -> memref<8x32xf32, #tpu.memory_space<vmem>>
      %dma_start3A_795 = arith.constant 0 : i32
      %dma_start3A_796 = tpu.memref_slice %arg2[%multiple_of3A_786, %dma_start3A_795] : memref<1000000x32xf32, #tpu.memory_space<hbm>> -> memref<8x32xf32, #tpu.memory_space<hbm>>
      tpu.enqueue_dma source(%dma_start3A_796 : memref<8x32xf32, #tpu.memory_space<hbm>>) target(%dma_start3A_794 : memref<8x32xf32, #tpu.memory_space<vmem>>) target_semaphore(%arg16 : memref<!tpu.dma_semaphore, #tpu.memory_space<semaphore_mem>>)
      %slice3A_797 = vector.extract_strided_slice %mul3A_452 {offsets = [13], sizes = [1], strides = [1]} : vector<16xi32> to vector<1xi32>
      %squeeze3A_798 = vector.extract %slice3A_797[0] : i32 from vector<1xi32>
      %multiple_of3A_799 = tpu.assume_multiple %squeeze3A_798, 8 : i32
      %dma_start3A_800 = arith.constant 104 : i32
      %dma_start3A_801 = arith.constant 0 : i32
      %dma_start3A_802 = tpu.memref_slice %arg11[%dma_start3A_800, %dma_start3A_801] : memref<128x32xf32, #tpu.memory_space<vmem>> -> memref<8x32xf32, #tpu.memory_space<vmem>>
      %dma_start3A_803 = arith.constant 0 : i32
      %dma_start3A_804 = tpu.memref_slice %arg2[%multiple_of3A_799, %dma_start3A_803] : memref<1000000x32xf32, #tpu.memory_space<hbm>> -> memref<8x32xf32, #tpu.memory_space<hbm>>
      %dma_start3A_805 = arith.constant 104 : i32
      %dma_start3A_806 = arith.constant 0 : i32
      %dma_start3A_807 = tpu.memref_slice %arg11[%dma_start3A_805, %dma_start3A_806] : memref<128x32xf32, #tpu.memory_space<vmem>> -> memref<8x32xf32, #tpu.memory_space<vmem>>
      %dma_start3A_808 = arith.constant 0 : i32
      %dma_start3A_809 = tpu.memref_slice %arg2[%multiple_of3A_799, %dma_start3A_808] : memref<1000000x32xf32, #tpu.memory_space<hbm>> -> memref<8x32xf32, #tpu.memory_space<hbm>>
      tpu.enqueue_dma source(%dma_start3A_809 : memref<8x32xf32, #tpu.memory_space<hbm>>) target(%dma_start3A_807 : memref<8x32xf32, #tpu.memory_space<vmem>>) target_semaphore(%arg16 : memref<!tpu.dma_semaphore, #tpu.memory_space<semaphore_mem>>)
      %slice3A_810 = vector.extract_strided_slice %mul3A_458 {offsets = [13], sizes = [1], strides = [1]} : vector<16xi32> to vector<1xi32>
      %squeeze3A_811 = vector.extract %slice3A_810[0] : i32 from vector<1xi32>
      %multiple_of3A_812 = tpu.assume_multiple %squeeze3A_811, 8 : i32
      %dma_start3A_813 = arith.constant 104 : i32
      %dma_start3A_814 = arith.constant 0 : i32
      %dma_start3A_815 = tpu.memref_slice %arg12[%dma_start3A_813, %dma_start3A_814] : memref<128x32xf32, #tpu.memory_space<vmem>> -> memref<8x32xf32, #tpu.memory_space<vmem>>
      %dma_start3A_816 = arith.constant 0 : i32
      %dma_start3A_817 = tpu.memref_slice %arg2[%multiple_of3A_812, %dma_start3A_816] : memref<1000000x32xf32, #tpu.memory_space<hbm>> -> memref<8x32xf32, #tpu.memory_space<hbm>>
      %dma_start3A_818 = arith.constant 104 : i32
      %dma_start3A_819 = arith.constant 0 : i32
      %dma_start3A_820 = tpu.memref_slice %arg12[%dma_start3A_818, %dma_start3A_819] : memref<128x32xf32, #tpu.memory_space<vmem>> -> memref<8x32xf32, #tpu.memory_space<vmem>>
      %dma_start3A_821 = arith.constant 0 : i32
      %dma_start3A_822 = tpu.memref_slice %arg2[%multiple_of3A_812, %dma_start3A_821] : memref<1000000x32xf32, #tpu.memory_space<hbm>> -> memref<8x32xf32, #tpu.memory_space<hbm>>
      tpu.enqueue_dma source(%dma_start3A_822 : memref<8x32xf32, #tpu.memory_space<hbm>>) target(%dma_start3A_820 : memref<8x32xf32, #tpu.memory_space<vmem>>) target_semaphore(%arg16 : memref<!tpu.dma_semaphore, #tpu.memory_space<semaphore_mem>>)
      %slice3A_823 = vector.extract_strided_slice %mul3A_452 {offsets = [14], sizes = [1], strides = [1]} : vector<16xi32> to vector<1xi32>
      %squeeze3A_824 = vector.extract %slice3A_823[0] : i32 from vector<1xi32>
      %multiple_of3A_825 = tpu.assume_multiple %squeeze3A_824, 8 : i32
      %dma_start3A_826 = arith.constant 112 : i32
      %dma_start3A_827 = arith.constant 0 : i32
      %dma_start3A_828 = tpu.memref_slice %arg11[%dma_start3A_826, %dma_start3A_827] : memref<128x32xf32, #tpu.memory_space<vmem>> -> memref<8x32xf32, #tpu.memory_space<vmem>>
      %dma_start3A_829 = arith.constant 0 : i32
      %dma_start3A_830 = tpu.memref_slice %arg2[%multiple_of3A_825, %dma_start3A_829] : memref<1000000x32xf32, #tpu.memory_space<hbm>> -> memref<8x32xf32, #tpu.memory_space<hbm>>
      %dma_start3A_831 = arith.constant 112 : i32
      %dma_start3A_832 = arith.constant 0 : i32
      %dma_start3A_833 = tpu.memref_slice %arg11[%dma_start3A_831, %dma_start3A_832] : memref<128x32xf32, #tpu.memory_space<vmem>> -> memref<8x32xf32, #tpu.memory_space<vmem>>
      %dma_start3A_834 = arith.constant 0 : i32
      %dma_start3A_835 = tpu.memref_slice %arg2[%multiple_of3A_825, %dma_start3A_834] : memref<1000000x32xf32, #tpu.memory_space<hbm>> -> memref<8x32xf32, #tpu.memory_space<hbm>>
      tpu.enqueue_dma source(%dma_start3A_835 : memref<8x32xf32, #tpu.memory_space<hbm>>) target(%dma_start3A_833 : memref<8x32xf32, #tpu.memory_space<vmem>>) target_semaphore(%arg16 : memref<!tpu.dma_semaphore, #tpu.memory_space<semaphore_mem>>)
      %slice3A_836 = vector.extract_strided_slice %mul3A_458 {offsets = [14], sizes = [1], strides = [1]} : vector<16xi32> to vector<1xi32>
      %squeeze3A_837 = vector.extract %slice3A_836[0] : i32 from vector<1xi32>
      %multiple_of3A_838 = tpu.assume_multiple %squeeze3A_837, 8 : i32
      %dma_start3A_839 = arith.constant 112 : i32
      %dma_start3A_840 = arith.constant 0 : i32
      %dma_start3A_841 = tpu.memref_slice %arg12[%dma_start3A_839, %dma_start3A_840] : memref<128x32xf32, #tpu.memory_space<vmem>> -> memref<8x32xf32, #tpu.memory_space<vmem>>
      %dma_start3A_842 = arith.constant 0 : i32
      %dma_start3A_843 = tpu.memref_slice %arg2[%multiple_of3A_838, %dma_start3A_842] : memref<1000000x32xf32, #tpu.memory_space<hbm>> -> memref<8x32xf32, #tpu.memory_space<hbm>>
      %dma_start3A_844 = arith.constant 112 : i32
      %dma_start3A_845 = arith.constant 0 : i32
      %dma_start3A_846 = tpu.memref_slice %arg12[%dma_start3A_844, %dma_start3A_845] : memref<128x32xf32, #tpu.memory_space<vmem>> -> memref<8x32xf32, #tpu.memory_space<vmem>>
      %dma_start3A_847 = arith.constant 0 : i32
      %dma_start3A_848 = tpu.memref_slice %arg2[%multiple_of3A_838, %dma_start3A_847] : memref<1000000x32xf32, #tpu.memory_space<hbm>> -> memref<8x32xf32, #tpu.memory_space<hbm>>
      tpu.enqueue_dma source(%dma_start3A_848 : memref<8x32xf32, #tpu.memory_space<hbm>>) target(%dma_start3A_846 : memref<8x32xf32, #tpu.memory_space<vmem>>) target_semaphore(%arg16 : memref<!tpu.dma_semaphore, #tpu.memory_space<semaphore_mem>>)
      %slice3A_849 = vector.extract_strided_slice %mul3A_452 {offsets = [15], sizes = [1], strides = [1]} : vector<16xi32> to vector<1xi32>
      %squeeze3A_850 = vector.extract %slice3A_849[0] : i32 from vector<1xi32>
      %multiple_of3A_851 = tpu.assume_multiple %squeeze3A_850, 8 : i32
      %dma_start3A_852 = arith.constant 120 : i32
      %dma_start3A_853 = arith.constant 0 : i32
      %dma_start3A_854 = tpu.memref_slice %arg11[%dma_start3A_852, %dma_start3A_853] : memref<128x32xf32, #tpu.memory_space<vmem>> -> memref<8x32xf32, #tpu.memory_space<vmem>>
      %dma_start3A_855 = arith.constant 0 : i32
      %dma_start3A_856 = tpu.memref_slice %arg2[%multiple_of3A_851, %dma_start3A_855] : memref<1000000x32xf32, #tpu.memory_space<hbm>> -> memref<8x32xf32, #tpu.memory_space<hbm>>
      %dma_start3A_857 = arith.constant 120 : i32
      %dma_start3A_858 = arith.constant 0 : i32
      %dma_start3A_859 = tpu.memref_slice %arg11[%dma_start3A_857, %dma_start3A_858] : memref<128x32xf32, #tpu.memory_space<vmem>> -> memref<8x32xf32, #tpu.memory_space<vmem>>
      %dma_start3A_860 = arith.constant 0 : i32
      %dma_start3A_861 = tpu.memref_slice %arg2[%multiple_of3A_851, %dma_start3A_860] : memref<1000000x32xf32, #tpu.memory_space<hbm>> -> memref<8x32xf32, #tpu.memory_space<hbm>>
      tpu.enqueue_dma source(%dma_start3A_861 : memref<8x32xf32, #tpu.memory_space<hbm>>) target(%dma_start3A_859 : memref<8x32xf32, #tpu.memory_space<vmem>>) target_semaphore(%arg16 : memref<!tpu.dma_semaphore, #tpu.memory_space<semaphore_mem>>)
      %slice3A_862 = vector.extract_strided_slice %mul3A_458 {offsets = [15], sizes = [1], strides = [1]} : vector<16xi32> to vector<1xi32>
      %squeeze3A_863 = vector.extract %slice3A_862[0] : i32 from vector<1xi32>
      %multiple_of3A_864 = tpu.assume_multiple %squeeze3A_863, 8 : i32
      %dma_start3A_865 = arith.constant 120 : i32
      %dma_start3A_866 = arith.constant 0 : i32
      %dma_start3A_867 = tpu.memref_slice %arg12[%dma_start3A_865, %dma_start3A_866] : memref<128x32xf32, #tpu.memory_space<vmem>> -> memref<8x32xf32, #tpu.memory_space<vmem>>
      %dma_start3A_868 = arith.constant 0 : i32
      %dma_start3A_869 = tpu.memref_slice %arg2[%multiple_of3A_864, %dma_start3A_868] : memref<1000000x32xf32, #tpu.memory_space<hbm>> -> memref<8x32xf32, #tpu.memory_space<hbm>>
      %dma_start3A_870 = arith.constant 120 : i32
      %dma_start3A_871 = arith.constant 0 : i32
      %dma_start3A_872 = tpu.memref_slice %arg12[%dma_start3A_870, %dma_start3A_871] : memref<128x32xf32, #tpu.memory_space<vmem>> -> memref<8x32xf32, #tpu.memory_space<vmem>>
      %dma_start3A_873 = arith.constant 0 : i32
      %dma_start3A_874 = tpu.memref_slice %arg2[%multiple_of3A_864, %dma_start3A_873] : memref<1000000x32xf32, #tpu.memory_space<hbm>> -> memref<8x32xf32, #tpu.memory_space<hbm>>
      tpu.enqueue_dma source(%dma_start3A_874 : memref<8x32xf32, #tpu.memory_space<hbm>>) target(%dma_start3A_872 : memref<8x32xf32, #tpu.memory_space<vmem>>) target_semaphore(%arg16 : memref<!tpu.dma_semaphore, #tpu.memory_space<semaphore_mem>>)
      %dma_wait3A = arith.constant 0 : i32
      %dma_wait3A_875 = arith.constant 0 : i32
      %dma_wait3A_876 = tpu.memref_slice %arg2[%dma_wait3A, %dma_wait3A_875] : memref<1000000x32xf32, #tpu.memory_space<hbm>> -> memref<128x32xf32, #tpu.memory_space<hbm>>
      %dma_wait3A_877 = arith.constant 0 : i32
      %dma_wait3A_878 = arith.constant 0 : i32
      %dma_wait3A_879 = tpu.memref_slice %arg2[%dma_wait3A_877, %dma_wait3A_878] : memref<1000000x32xf32, #tpu.memory_space<hbm>> -> memref<128x32xf32, #tpu.memory_space<hbm>>
      tpu.wait_dma2 semaphore(%arg15 : memref<!tpu.dma_semaphore, #tpu.memory_space<semaphore_mem>>) src(%dma_wait3A_879 : memref<128x32xf32, #tpu.memory_space<hbm>>) dst(%arg9 : memref<128x32xf32, #tpu.memory_space<vmem>>)
      %dma_wait3A_880 = arith.constant 0 : i32
      %dma_wait3A_881 = arith.constant 0 : i32
      %dma_wait3A_882 = tpu.memref_slice %arg2[%dma_wait3A_880, %dma_wait3A_881] : memref<1000000x32xf32, #tpu.memory_space<hbm>> -> memref<128x32xf32, #tpu.memory_space<hbm>>
      %dma_wait3A_883 = arith.constant 0 : i32
      %dma_wait3A_884 = arith.constant 0 : i32
      %dma_wait3A_885 = tpu.memref_slice %arg2[%dma_wait3A_883, %dma_wait3A_884] : memref<1000000x32xf32, #tpu.memory_space<hbm>> -> memref<128x32xf32, #tpu.memory_space<hbm>>
      tpu.wait_dma2 semaphore(%arg15 : memref<!tpu.dma_semaphore, #tpu.memory_space<semaphore_mem>>) src(%dma_wait3A_885 : memref<128x32xf32, #tpu.memory_space<hbm>>) dst(%arg10 : memref<128x32xf32, #tpu.memory_space<vmem>>)
      %mul3A_886 = arith.constant 2 : i32
      %mul3A_887 = arith.muli %mul3A_886, %scan3A_434 : i32
      %mul3A_888 = arith.constant 16 : i32
      %mul3A_889 = arith.muli %mul3A_887, %mul3A_888 : i32
      %get3A_890 = arith.index_cast %mul3A_889 : i32 to index
      %get3A_891 = tpu.vector_load %arg7[%get3A_890] {strides = array<i32>} : memref<512xi32, #tpu.memory_space<vmem>>, vector<16xi32>,
      %get3A_892 = arith.index_cast %mul3A_889 : i32 to index
      %get3A_893 = tpu.vector_load %arg8[%get3A_892] {strides = array<i32>} : memref<512xi32, #tpu.memory_space<vmem>>, vector<16xi32>,
      %mul3A_894 = arith.constant 8 : i32
      %mul3A_895 = vector.broadcast %mul3A_894 : i32 to vector<16xi32>
      %mul3A_896 = arith.muli %iota3A, %mul3A_895 : vector<16xi32>
      %and3A = arith.constant 7 : i32
      %and3A_897 = vector.broadcast %and3A : i32 to vector<16xi32>
      %and3A_898 = arith.andi %get3A_891, %and3A_897 : vector<16xi32>
      %add3A_899 = arith.addi %mul3A_896, %and3A_898 : vector<16xi32>
      %mul3A_900 = arith.constant 8 : i32
      %mul3A_901 = vector.broadcast %mul3A_900 : i32 to vector<16xi32>
      %mul3A_902 = arith.muli %iota3A, %mul3A_901 : vector<16xi32>
      %and3A_903 = arith.constant 7 : i32
      %and3A_904 = vector.broadcast %and3A_903 : i32 to vector<16xi32>
      %and3A_905 = arith.andi %get3A_893, %and3A_904 : vector<16xi32>
      %add3A_906 = arith.addi %mul3A_902, %and3A_905 : vector<16xi32>
      %broadcast_in_dim3A = arith.constant 0.000000e+00 : f32
      %broadcast_in_dim3A_907 = vector.broadcast %broadcast_in_dim3A : f32 to vector<16xf32>
      %broadcast_in_dim3A_908 = arith.constant 0.000000e+00 : f32
      %broadcast_in_dim3A_909 = vector.broadcast %broadcast_in_dim3A_908 : f32 to vector<16xf32>
      %broadcast_in_dim3A_910 = arith.constant 0.000000e+00 : f32
      %broadcast_in_dim3A_911 = vector.broadcast %broadcast_in_dim3A_910 : f32 to vector<16xf32>
      %broadcast_in_dim3A_912 = arith.constant 0 : i32
      %broadcast_in_dim3A_913 = vector.broadcast %broadcast_in_dim3A_912 : i32 to vector<16xi32>
      %gather3A = tpu.vector_load_idx %arg9[%add3A_899, %broadcast_in_dim3A_913] : memref<128x32xf32, #tpu.memory_space<vmem>>[vector<16xi32>, vector<16xi32>], vector<16xf32>,
      %gather3A_914 = tpu.vector_load_idx %arg10[%add3A_906, %broadcast_in_dim3A_913] : memref<128x32xf32, #tpu.memory_space<vmem>>[vector<16xi32>, vector<16xi32>], vector<16xf32>,
      %mul3A_915 = arith.mulf %gather3A, %gather3A : vector<16xf32>
      %add3A_916 = arith.addf %broadcast_in_dim3A_907, %mul3A_915 : vector<16xf32>
      %mul3A_917 = arith.mulf %gather3A_914, %gather3A_914 : vector<16xf32>
      %add3A_918 = arith.addf %broadcast_in_dim3A_909, %mul3A_917 : vector<16xf32>
      %sub3A = arith.subf %gather3A, %gather3A_914 : vector<16xf32>
      %mul3A_919 = arith.mulf %sub3A, %sub3A : vector<16xf32>
      %add3A_920 = arith.addf %broadcast_in_dim3A_911, %mul3A_919 : vector<16xf32>
      %broadcast_in_dim3A_921 = arith.constant 1 : i32
      %broadcast_in_dim3A_922 = vector.broadcast %broadcast_in_dim3A_921 : i32 to vector<16xi32>
      %gather3A_923 = tpu.vector_load_idx %arg9[%add3A_899, %broadcast_in_dim3A_922] : memref<128x32xf32, #tpu.memory_space<vmem>>[vector<16xi32>, vector<16xi32>], vector<16xf32>,
      %gather3A_924 = tpu.vector_load_idx %arg10[%add3A_906, %broadcast_in_dim3A_922] : memref<128x32xf32, #tpu.memory_space<vmem>>[vector<16xi32>, vector<16xi32>], vector<16xf32>,
      %mul3A_925 = arith.mulf %gather3A_923, %gather3A_923 : vector<16xf32>
      %add3A_926 = arith.addf %add3A_916, %mul3A_925 : vector<16xf32>
      %mul3A_927 = arith.mulf %gather3A_924, %gather3A_924 : vector<16xf32>
      %add3A_928 = arith.addf %add3A_918, %mul3A_927 : vector<16xf32>
      %sub3A_929 = arith.subf %gather3A_923, %gather3A_924 : vector<16xf32>
      %mul3A_930 = arith.mulf %sub3A_929, %sub3A_929 : vector<16xf32>
      %add3A_931 = arith.addf %add3A_920, %mul3A_930 : vector<16xf32>
      %broadcast_in_dim3A_932 = arith.constant 2 : i32
      %broadcast_in_dim3A_933 = vector.broadcast %broadcast_in_dim3A_932 : i32 to vector<16xi32>
      %gather3A_934 = tpu.vector_load_idx %arg9[%add3A_899, %broadcast_in_dim3A_933] : memref<128x32xf32, #tpu.memory_space<vmem>>[vector<16xi32>, vector<16xi32>], vector<16xf32>,
      %gather3A_935 = tpu.vector_load_idx %arg10[%add3A_906, %broadcast_in_dim3A_933] : memref<128x32xf32, #tpu.memory_space<vmem>>[vector<16xi32>, vector<16xi32>], vector<16xf32>,
      %mul3A_936 = arith.mulf %gather3A_934, %gather3A_934 : vector<16xf32>
      %add3A_937 = arith.addf %add3A_926, %mul3A_936 : vector<16xf32>
      %mul3A_938 = arith.mulf %gather3A_935, %gather3A_935 : vector<16xf32>
      %add3A_939 = arith.addf %add3A_928, %mul3A_938 : vector<16xf32>
      %sub3A_940 = arith.subf %gather3A_934, %gather3A_935 : vector<16xf32>
      %mul3A_941 = arith.mulf %sub3A_940, %sub3A_940 : vector<16xf32>
      %add3A_942 = arith.addf %add3A_931, %mul3A_941 : vector<16xf32>
      %broadcast_in_dim3A_943 = arith.constant 3 : i32
      %broadcast_in_dim3A_944 = vector.broadcast %broadcast_in_dim3A_943 : i32 to vector<16xi32>
      %gather3A_945 = tpu.vector_load_idx %arg9[%add3A_899, %broadcast_in_dim3A_944] : memref<128x32xf32, #tpu.memory_space<vmem>>[vector<16xi32>, vector<16xi32>], vector<16xf32>,
      %gather3A_946 = tpu.vector_load_idx %arg10[%add3A_906, %broadcast_in_dim3A_944] : memref<128x32xf32, #tpu.memory_space<vmem>>[vector<16xi32>, vector<16xi32>], vector<16xf32>,
      %mul3A_947 = arith.mulf %gather3A_945, %gather3A_945 : vector<16xf32>
      %add3A_948 = arith.addf %add3A_937, %mul3A_947 : vector<16xf32>
      %mul3A_949 = arith.mulf %gather3A_946, %gather3A_946 : vector<16xf32>
      %add3A_950 = arith.addf %add3A_939, %mul3A_949 : vector<16xf32>
      %sub3A_951 = arith.subf %gather3A_945, %gather3A_946 : vector<16xf32>
      %mul3A_952 = arith.mulf %sub3A_951, %sub3A_951 : vector<16xf32>
      %add3A_953 = arith.addf %add3A_942, %mul3A_952 : vector<16xf32>
      %broadcast_in_dim3A_954 = arith.constant 4 : i32
      %broadcast_in_dim3A_955 = vector.broadcast %broadcast_in_dim3A_954 : i32 to vector<16xi32>
      %gather3A_956 = tpu.vector_load_idx %arg9[%add3A_899, %broadcast_in_dim3A_955] : memref<128x32xf32, #tpu.memory_space<vmem>>[vector<16xi32>, vector<16xi32>], vector<16xf32>,
      %gather3A_957 = tpu.vector_load_idx %arg10[%add3A_906, %broadcast_in_dim3A_955] : memref<128x32xf32, #tpu.memory_space<vmem>>[vector<16xi32>, vector<16xi32>], vector<16xf32>,
      %mul3A_958 = arith.mulf %gather3A_956, %gather3A_956 : vector<16xf32>
      %add3A_959 = arith.addf %add3A_948, %mul3A_958 : vector<16xf32>
      %mul3A_960 = arith.mulf %gather3A_957, %gather3A_957 : vector<16xf32>
      %add3A_961 = arith.addf %add3A_950, %mul3A_960 : vector<16xf32>
      %sub3A_962 = arith.subf %gather3A_956, %gather3A_957 : vector<16xf32>
      %mul3A_963 = arith.mulf %sub3A_962, %sub3A_962 : vector<16xf32>
      %add3A_964 = arith.addf %add3A_953, %mul3A_963 : vector<16xf32>
      %broadcast_in_dim3A_965 = arith.constant 5 : i32
      %broadcast_in_dim3A_966 = vector.broadcast %broadcast_in_dim3A_965 : i32 to vector<16xi32>
      %gather3A_967 = tpu.vector_load_idx %arg9[%add3A_899, %broadcast_in_dim3A_966] : memref<128x32xf32, #tpu.memory_space<vmem>>[vector<16xi32>, vector<16xi32>], vector<16xf32>,
      %gather3A_968 = tpu.vector_load_idx %arg10[%add3A_906, %broadcast_in_dim3A_966] : memref<128x32xf32, #tpu.memory_space<vmem>>[vector<16xi32>, vector<16xi32>], vector<16xf32>,
      %mul3A_969 = arith.mulf %gather3A_967, %gather3A_967 : vector<16xf32>
      %add3A_970 = arith.addf %add3A_959, %mul3A_969 : vector<16xf32>
      %mul3A_971 = arith.mulf %gather3A_968, %gather3A_968 : vector<16xf32>
      %add3A_972 = arith.addf %add3A_961, %mul3A_971 : vector<16xf32>
      %sub3A_973 = arith.subf %gather3A_967, %gather3A_968 : vector<16xf32>
      %mul3A_974 = arith.mulf %sub3A_973, %sub3A_973 : vector<16xf32>
      %add3A_975 = arith.addf %add3A_964, %mul3A_974 : vector<16xf32>
      %broadcast_in_dim3A_976 = arith.constant 6 : i32
      %broadcast_in_dim3A_977 = vector.broadcast %broadcast_in_dim3A_976 : i32 to vector<16xi32>
      %gather3A_978 = tpu.vector_load_idx %arg9[%add3A_899, %broadcast_in_dim3A_977] : memref<128x32xf32, #tpu.memory_space<vmem>>[vector<16xi32>, vector<16xi32>], vector<16xf32>,
      %gather3A_979 = tpu.vector_load_idx %arg10[%add3A_906, %broadcast_in_dim3A_977] : memref<128x32xf32, #tpu.memory_space<vmem>>[vector<16xi32>, vector<16xi32>], vector<16xf32>,
      %mul3A_980 = arith.mulf %gather3A_978, %gather3A_978 : vector<16xf32>
      %add3A_981 = arith.addf %add3A_970, %mul3A_980 : vector<16xf32>
      %mul3A_982 = arith.mulf %gather3A_979, %gather3A_979 : vector<16xf32>
      %add3A_983 = arith.addf %add3A_972, %mul3A_982 : vector<16xf32>
      %sub3A_984 = arith.subf %gather3A_978, %gather3A_979 : vector<16xf32>
      %mul3A_985 = arith.mulf %sub3A_984, %sub3A_984 : vector<16xf32>
      %add3A_986 = arith.addf %add3A_975, %mul3A_985 : vector<16xf32>
      %broadcast_in_dim3A_987 = arith.constant 7 : i32
      %broadcast_in_dim3A_988 = vector.broadcast %broadcast_in_dim3A_987 : i32 to vector<16xi32>
      %gather3A_989 = tpu.vector_load_idx %arg9[%add3A_899, %broadcast_in_dim3A_988] : memref<128x32xf32, #tpu.memory_space<vmem>>[vector<16xi32>, vector<16xi32>], vector<16xf32>,
      %gather3A_990 = tpu.vector_load_idx %arg10[%add3A_906, %broadcast_in_dim3A_988] : memref<128x32xf32, #tpu.memory_space<vmem>>[vector<16xi32>, vector<16xi32>], vector<16xf32>,
      %mul3A_991 = arith.mulf %gather3A_989, %gather3A_989 : vector<16xf32>
      %add3A_992 = arith.addf %add3A_981, %mul3A_991 : vector<16xf32>
      %mul3A_993 = arith.mulf %gather3A_990, %gather3A_990 : vector<16xf32>
      %add3A_994 = arith.addf %add3A_983, %mul3A_993 : vector<16xf32>
      %sub3A_995 = arith.subf %gather3A_989, %gather3A_990 : vector<16xf32>
      %mul3A_996 = arith.mulf %sub3A_995, %sub3A_995 : vector<16xf32>
      %add3A_997 = arith.addf %add3A_986, %mul3A_996 : vector<16xf32>
      %broadcast_in_dim3A_998 = arith.constant 8 : i32
      %broadcast_in_dim3A_999 = vector.broadcast %broadcast_in_dim3A_998 : i32 to vector<16xi32>
      %gather3A_1000 = tpu.vector_load_idx %arg9[%add3A_899, %broadcast_in_dim3A_999] : memref<128x32xf32, #tpu.memory_space<vmem>>[vector<16xi32>, vector<16xi32>], vector<16xf32>,
      %gather3A_1001 = tpu.vector_load_idx %arg10[%add3A_906, %broadcast_in_dim3A_999] : memref<128x32xf32, #tpu.memory_space<vmem>>[vector<16xi32>, vector<16xi32>], vector<16xf32>,
      %mul3A_1002 = arith.mulf %gather3A_1000, %gather3A_1000 : vector<16xf32>
      %add3A_1003 = arith.addf %add3A_992, %mul3A_1002 : vector<16xf32>
      %mul3A_1004 = arith.mulf %gather3A_1001, %gather3A_1001 : vector<16xf32>
      %add3A_1005 = arith.addf %add3A_994, %mul3A_1004 : vector<16xf32>
      %sub3A_1006 = arith.subf %gather3A_1000, %gather3A_1001 : vector<16xf32>
      %mul3A_1007 = arith.mulf %sub3A_1006, %sub3A_1006 : vector<16xf32>
      %add3A_1008 = arith.addf %add3A_997, %mul3A_1007 : vector<16xf32>
      %broadcast_in_dim3A_1009 = arith.constant 9 : i32
      %broadcast_in_dim3A_1010 = vector.broadcast %broadcast_in_dim3A_1009 : i32 to vector<16xi32>
      %gather3A_1011 = tpu.vector_load_idx %arg9[%add3A_899, %broadcast_in_dim3A_1010] : memref<128x32xf32, #tpu.memory_space<vmem>>[vector<16xi32>, vector<16xi32>], vector<16xf32>,
      %gather3A_1012 = tpu.vector_load_idx %arg10[%add3A_906, %broadcast_in_dim3A_1010] : memref<128x32xf32, #tpu.memory_space<vmem>>[vector<16xi32>, vector<16xi32>], vector<16xf32>,
      %mul3A_1013 = arith.mulf %gather3A_1011, %gather3A_1011 : vector<16xf32>
      %add3A_1014 = arith.addf %add3A_1003, %mul3A_1013 : vector<16xf32>
      %mul3A_1015 = arith.mulf %gather3A_1012, %gather3A_1012 : vector<16xf32>
      %add3A_1016 = arith.addf %add3A_1005, %mul3A_1015 : vector<16xf32>
      %sub3A_1017 = arith.subf %gather3A_1011, %gather3A_1012 : vector<16xf32>
      %mul3A_1018 = arith.mulf %sub3A_1017, %sub3A_1017 : vector<16xf32>
      %add3A_1019 = arith.addf %add3A_1008, %mul3A_1018 : vector<16xf32>
      %broadcast_in_dim3A_1020 = arith.constant 10 : i32
      %broadcast_in_dim3A_1021 = vector.broadcast %broadcast_in_dim3A_1020 : i32 to vector<16xi32>
      %gather3A_1022 = tpu.vector_load_idx %arg9[%add3A_899, %broadcast_in_dim3A_1021] : memref<128x32xf32, #tpu.memory_space<vmem>>[vector<16xi32>, vector<16xi32>], vector<16xf32>,
      %gather3A_1023 = tpu.vector_load_idx %arg10[%add3A_906, %broadcast_in_dim3A_1021] : memref<128x32xf32, #tpu.memory_space<vmem>>[vector<16xi32>, vector<16xi32>], vector<16xf32>,
      %mul3A_1024 = arith.mulf %gather3A_1022, %gather3A_1022 : vector<16xf32>
      %add3A_1025 = arith.addf %add3A_1014, %mul3A_1024 : vector<16xf32>
      %mul3A_1026 = arith.mulf %gather3A_1023, %gather3A_1023 : vector<16xf32>
      %add3A_1027 = arith.addf %add3A_1016, %mul3A_1026 : vector<16xf32>
      %sub3A_1028 = arith.subf %gather3A_1022, %gather3A_1023 : vector<16xf32>
      %mul3A_1029 = arith.mulf %sub3A_1028, %sub3A_1028 : vector<16xf32>
      %add3A_1030 = arith.addf %add3A_1019, %mul3A_1029 : vector<16xf32>
      %broadcast_in_dim3A_1031 = arith.constant 11 : i32
      %broadcast_in_dim3A_1032 = vector.broadcast %broadcast_in_dim3A_1031 : i32 to vector<16xi32>
      %gather3A_1033 = tpu.vector_load_idx %arg9[%add3A_899, %broadcast_in_dim3A_1032] : memref<128x32xf32, #tpu.memory_space<vmem>>[vector<16xi32>, vector<16xi32>], vector<16xf32>,
      %gather3A_1034 = tpu.vector_load_idx %arg10[%add3A_906, %broadcast_in_dim3A_1032] : memref<128x32xf32, #tpu.memory_space<vmem>>[vector<16xi32>, vector<16xi32>], vector<16xf32>,
      %mul3A_1035 = arith.mulf %gather3A_1033, %gather3A_1033 : vector<16xf32>
      %add3A_1036 = arith.addf %add3A_1025, %mul3A_1035 : vector<16xf32>
      %mul3A_1037 = arith.mulf %gather3A_1034, %gather3A_1034 : vector<16xf32>
      %add3A_1038 = arith.addf %add3A_1027, %mul3A_1037 : vector<16xf32>
      %sub3A_1039 = arith.subf %gather3A_1033, %gather3A_1034 : vector<16xf32>
      %mul3A_1040 = arith.mulf %sub3A_1039, %sub3A_1039 : vector<16xf32>
      %add3A_1041 = arith.addf %add3A_1030, %mul3A_1040 : vector<16xf32>
      %broadcast_in_dim3A_1042 = arith.constant 12 : i32
      %broadcast_in_dim3A_1043 = vector.broadcast %broadcast_in_dim3A_1042 : i32 to vector<16xi32>
      %gather3A_1044 = tpu.vector_load_idx %arg9[%add3A_899, %broadcast_in_dim3A_1043] : memref<128x32xf32, #tpu.memory_space<vmem>>[vector<16xi32>, vector<16xi32>], vector<16xf32>,
      %gather3A_1045 = tpu.vector_load_idx %arg10[%add3A_906, %broadcast_in_dim3A_1043] : memref<128x32xf32, #tpu.memory_space<vmem>>[vector<16xi32>, vector<16xi32>], vector<16xf32>,
      %mul3A_1046 = arith.mulf %gather3A_1044, %gather3A_1044 : vector<16xf32>
      %add3A_1047 = arith.addf %add3A_1036, %mul3A_1046 : vector<16xf32>
      %mul3A_1048 = arith.mulf %gather3A_1045, %gather3A_1045 : vector<16xf32>
      %add3A_1049 = arith.addf %add3A_1038, %mul3A_1048 : vector<16xf32>
      %sub3A_1050 = arith.subf %gather3A_1044, %gather3A_1045 : vector<16xf32>
      %mul3A_1051 = arith.mulf %sub3A_1050, %sub3A_1050 : vector<16xf32>
      %add3A_1052 = arith.addf %add3A_1041, %mul3A_1051 : vector<16xf32>
      %broadcast_in_dim3A_1053 = arith.constant 13 : i32
      %broadcast_in_dim3A_1054 = vector.broadcast %broadcast_in_dim3A_1053 : i32 to vector<16xi32>
      %gather3A_1055 = tpu.vector_load_idx %arg9[%add3A_899, %broadcast_in_dim3A_1054] : memref<128x32xf32, #tpu.memory_space<vmem>>[vector<16xi32>, vector<16xi32>], vector<16xf32>,
      %gather3A_1056 = tpu.vector_load_idx %arg10[%add3A_906, %broadcast_in_dim3A_1054] : memref<128x32xf32, #tpu.memory_space<vmem>>[vector<16xi32>, vector<16xi32>], vector<16xf32>,
      %mul3A_1057 = arith.mulf %gather3A_1055, %gather3A_1055 : vector<16xf32>
      %add3A_1058 = arith.addf %add3A_1047, %mul3A_1057 : vector<16xf32>
      %mul3A_1059 = arith.mulf %gather3A_1056, %gather3A_1056 : vector<16xf32>
      %add3A_1060 = arith.addf %add3A_1049, %mul3A_1059 : vector<16xf32>
      %sub3A_1061 = arith.subf %gather3A_1055, %gather3A_1056 : vector<16xf32>
      %mul3A_1062 = arith.mulf %sub3A_1061, %sub3A_1061 : vector<16xf32>
      %add3A_1063 = arith.addf %add3A_1052, %mul3A_1062 : vector<16xf32>
      %broadcast_in_dim3A_1064 = arith.constant 14 : i32
      %broadcast_in_dim3A_1065 = vector.broadcast %broadcast_in_dim3A_1064 : i32 to vector<16xi32>
      %gather3A_1066 = tpu.vector_load_idx %arg9[%add3A_899, %broadcast_in_dim3A_1065] : memref<128x32xf32, #tpu.memory_space<vmem>>[vector<16xi32>, vector<16xi32>], vector<16xf32>,
      %gather3A_1067 = tpu.vector_load_idx %arg10[%add3A_906, %broadcast_in_dim3A_1065] : memref<128x32xf32, #tpu.memory_space<vmem>>[vector<16xi32>, vector<16xi32>], vector<16xf32>,
      %mul3A_1068 = arith.mulf %gather3A_1066, %gather3A_1066 : vector<16xf32>
      %add3A_1069 = arith.addf %add3A_1058, %mul3A_1068 : vector<16xf32>
      %mul3A_1070 = arith.mulf %gather3A_1067, %gather3A_1067 : vector<16xf32>
      %add3A_1071 = arith.addf %add3A_1060, %mul3A_1070 : vector<16xf32>
      %sub3A_1072 = arith.subf %gather3A_1066, %gather3A_1067 : vector<16xf32>
      %mul3A_1073 = arith.mulf %sub3A_1072, %sub3A_1072 : vector<16xf32>
      %add3A_1074 = arith.addf %add3A_1063, %mul3A_1073 : vector<16xf32>
      %broadcast_in_dim3A_1075 = arith.constant 15 : i32
      %broadcast_in_dim3A_1076 = vector.broadcast %broadcast_in_dim3A_1075 : i32 to vector<16xi32>
      %gather3A_1077 = tpu.vector_load_idx %arg9[%add3A_899, %broadcast_in_dim3A_1076] : memref<128x32xf32, #tpu.memory_space<vmem>>[vector<16xi32>, vector<16xi32>], vector<16xf32>,
      %gather3A_1078 = tpu.vector_load_idx %arg10[%add3A_906, %broadcast_in_dim3A_1076] : memref<128x32xf32, #tpu.memory_space<vmem>>[vector<16xi32>, vector<16xi32>], vector<16xf32>,
      %mul3A_1079 = arith.mulf %gather3A_1077, %gather3A_1077 : vector<16xf32>
      %add3A_1080 = arith.addf %add3A_1069, %mul3A_1079 : vector<16xf32>
      %mul3A_1081 = arith.mulf %gather3A_1078, %gather3A_1078 : vector<16xf32>
      %add3A_1082 = arith.addf %add3A_1071, %mul3A_1081 : vector<16xf32>
      %sub3A_1083 = arith.subf %gather3A_1077, %gather3A_1078 : vector<16xf32>
      %mul3A_1084 = arith.mulf %sub3A_1083, %sub3A_1083 : vector<16xf32>
      %add3A_1085 = arith.addf %add3A_1074, %mul3A_1084 : vector<16xf32>
      %broadcast_in_dim3A_1086 = arith.constant 16 : i32
      %broadcast_in_dim3A_1087 = vector.broadcast %broadcast_in_dim3A_1086 : i32 to vector<16xi32>
      %gather3A_1088 = tpu.vector_load_idx %arg9[%add3A_899, %broadcast_in_dim3A_1087] : memref<128x32xf32, #tpu.memory_space<vmem>>[vector<16xi32>, vector<16xi32>], vector<16xf32>,
      %gather3A_1089 = tpu.vector_load_idx %arg10[%add3A_906, %broadcast_in_dim3A_1087] : memref<128x32xf32, #tpu.memory_space<vmem>>[vector<16xi32>, vector<16xi32>], vector<16xf32>,
      %mul3A_1090 = arith.mulf %gather3A_1088, %gather3A_1088 : vector<16xf32>
      %add3A_1091 = arith.addf %add3A_1080, %mul3A_1090 : vector<16xf32>
      %mul3A_1092 = arith.mulf %gather3A_1089, %gather3A_1089 : vector<16xf32>
      %add3A_1093 = arith.addf %add3A_1082, %mul3A_1092 : vector<16xf32>
      %sub3A_1094 = arith.subf %gather3A_1088, %gather3A_1089 : vector<16xf32>
      %mul3A_1095 = arith.mulf %sub3A_1094, %sub3A_1094 : vector<16xf32>
      %add3A_1096 = arith.addf %add3A_1085, %mul3A_1095 : vector<16xf32>
      %broadcast_in_dim3A_1097 = arith.constant 17 : i32
      %broadcast_in_dim3A_1098 = vector.broadcast %broadcast_in_dim3A_1097 : i32 to vector<16xi32>
      %gather3A_1099 = tpu.vector_load_idx %arg9[%add3A_899, %broadcast_in_dim3A_1098] : memref<128x32xf32, #tpu.memory_space<vmem>>[vector<16xi32>, vector<16xi32>], vector<16xf32>,
      %gather3A_1100 = tpu.vector_load_idx %arg10[%add3A_906, %broadcast_in_dim3A_1098] : memref<128x32xf32, #tpu.memory_space<vmem>>[vector<16xi32>, vector<16xi32>], vector<16xf32>,
      %mul3A_1101 = arith.mulf %gather3A_1099, %gather3A_1099 : vector<16xf32>
      %add3A_1102 = arith.addf %add3A_1091, %mul3A_1101 : vector<16xf32>
      %mul3A_1103 = arith.mulf %gather3A_1100, %gather3A_1100 : vector<16xf32>
      %add3A_1104 = arith.addf %add3A_1093, %mul3A_1103 : vector<16xf32>
      %sub3A_1105 = arith.subf %gather3A_1099, %gather3A_1100 : vector<16xf32>
      %mul3A_1106 = arith.mulf %sub3A_1105, %sub3A_1105 : vector<16xf32>
      %add3A_1107 = arith.addf %add3A_1096, %mul3A_1106 : vector<16xf32>
      %broadcast_in_dim3A_1108 = arith.constant 18 : i32
      %broadcast_in_dim3A_1109 = vector.broadcast %broadcast_in_dim3A_1108 : i32 to vector<16xi32>
      %gather3A_1110 = tpu.vector_load_idx %arg9[%add3A_899, %broadcast_in_dim3A_1109] : memref<128x32xf32, #tpu.memory_space<vmem>>[vector<16xi32>, vector<16xi32>], vector<16xf32>,
      %gather3A_1111 = tpu.vector_load_idx %arg10[%add3A_906, %broadcast_in_dim3A_1109] : memref<128x32xf32, #tpu.memory_space<vmem>>[vector<16xi32>, vector<16xi32>], vector<16xf32>,
      %mul3A_1112 = arith.mulf %gather3A_1110, %gather3A_1110 : vector<16xf32>
      %add3A_1113 = arith.addf %add3A_1102, %mul3A_1112 : vector<16xf32>
      %mul3A_1114 = arith.mulf %gather3A_1111, %gather3A_1111 : vector<16xf32>
      %add3A_1115 = arith.addf %add3A_1104, %mul3A_1114 : vector<16xf32>
      %sub3A_1116 = arith.subf %gather3A_1110, %gather3A_1111 : vector<16xf32>
      %mul3A_1117 = arith.mulf %sub3A_1116, %sub3A_1116 : vector<16xf32>
      %add3A_1118 = arith.addf %add3A_1107, %mul3A_1117 : vector<16xf32>
      %broadcast_in_dim3A_1119 = arith.constant 19 : i32
      %broadcast_in_dim3A_1120 = vector.broadcast %broadcast_in_dim3A_1119 : i32 to vector<16xi32>
      %gather3A_1121 = tpu.vector_load_idx %arg9[%add3A_899, %broadcast_in_dim3A_1120] : memref<128x32xf32, #tpu.memory_space<vmem>>[vector<16xi32>, vector<16xi32>], vector<16xf32>,
      %gather3A_1122 = tpu.vector_load_idx %arg10[%add3A_906, %broadcast_in_dim3A_1120] : memref<128x32xf32, #tpu.memory_space<vmem>>[vector<16xi32>, vector<16xi32>], vector<16xf32>,
      %mul3A_1123 = arith.mulf %gather3A_1121, %gather3A_1121 : vector<16xf32>
      %add3A_1124 = arith.addf %add3A_1113, %mul3A_1123 : vector<16xf32>
      %mul3A_1125 = arith.mulf %gather3A_1122, %gather3A_1122 : vector<16xf32>
      %add3A_1126 = arith.addf %add3A_1115, %mul3A_1125 : vector<16xf32>
      %sub3A_1127 = arith.subf %gather3A_1121, %gather3A_1122 : vector<16xf32>
      %mul3A_1128 = arith.mulf %sub3A_1127, %sub3A_1127 : vector<16xf32>
      %add3A_1129 = arith.addf %add3A_1118, %mul3A_1128 : vector<16xf32>
      %broadcast_in_dim3A_1130 = arith.constant 20 : i32
      %broadcast_in_dim3A_1131 = vector.broadcast %broadcast_in_dim3A_1130 : i32 to vector<16xi32>
      %gather3A_1132 = tpu.vector_load_idx %arg9[%add3A_899, %broadcast_in_dim3A_1131] : memref<128x32xf32, #tpu.memory_space<vmem>>[vector<16xi32>, vector<16xi32>], vector<16xf32>,
      %gather3A_1133 = tpu.vector_load_idx %arg10[%add3A_906, %broadcast_in_dim3A_1131] : memref<128x32xf32, #tpu.memory_space<vmem>>[vector<16xi32>, vector<16xi32>], vector<16xf32>,
      %mul3A_1134 = arith.mulf %gather3A_1132, %gather3A_1132 : vector<16xf32>
      %add3A_1135 = arith.addf %add3A_1124, %mul3A_1134 : vector<16xf32>
      %mul3A_1136 = arith.mulf %gather3A_1133, %gather3A_1133 : vector<16xf32>
      %add3A_1137 = arith.addf %add3A_1126, %mul3A_1136 : vector<16xf32>
      %sub3A_1138 = arith.subf %gather3A_1132, %gather3A_1133 : vector<16xf32>
      %mul3A_1139 = arith.mulf %sub3A_1138, %sub3A_1138 : vector<16xf32>
      %add3A_1140 = arith.addf %add3A_1129, %mul3A_1139 : vector<16xf32>
      %broadcast_in_dim3A_1141 = arith.constant 21 : i32
      %broadcast_in_dim3A_1142 = vector.broadcast %broadcast_in_dim3A_1141 : i32 to vector<16xi32>
      %gather3A_1143 = tpu.vector_load_idx %arg9[%add3A_899, %broadcast_in_dim3A_1142] : memref<128x32xf32, #tpu.memory_space<vmem>>[vector<16xi32>, vector<16xi32>], vector<16xf32>,
      %gather3A_1144 = tpu.vector_load_idx %arg10[%add3A_906, %broadcast_in_dim3A_1142] : memref<128x32xf32, #tpu.memory_space<vmem>>[vector<16xi32>, vector<16xi32>], vector<16xf32>,
      %mul3A_1145 = arith.mulf %gather3A_1143, %gather3A_1143 : vector<16xf32>
      %add3A_1146 = arith.addf %add3A_1135, %mul3A_1145 : vector<16xf32>
      %mul3A_1147 = arith.mulf %gather3A_1144, %gather3A_1144 : vector<16xf32>
      %add3A_1148 = arith.addf %add3A_1137, %mul3A_1147 : vector<16xf32>
      %sub3A_1149 = arith.subf %gather3A_1143, %gather3A_1144 : vector<16xf32>
      %mul3A_1150 = arith.mulf %sub3A_1149, %sub3A_1149 : vector<16xf32>
      %add3A_1151 = arith.addf %add3A_1140, %mul3A_1150 : vector<16xf32>
      %broadcast_in_dim3A_1152 = arith.constant 22 : i32
      %broadcast_in_dim3A_1153 = vector.broadcast %broadcast_in_dim3A_1152 : i32 to vector<16xi32>
      %gather3A_1154 = tpu.vector_load_idx %arg9[%add3A_899, %broadcast_in_dim3A_1153] : memref<128x32xf32, #tpu.memory_space<vmem>>[vector<16xi32>, vector<16xi32>], vector<16xf32>,
      %gather3A_1155 = tpu.vector_load_idx %arg10[%add3A_906, %broadcast_in_dim3A_1153] : memref<128x32xf32, #tpu.memory_space<vmem>>[vector<16xi32>, vector<16xi32>], vector<16xf32>,
      %mul3A_1156 = arith.mulf %gather3A_1154, %gather3A_1154 : vector<16xf32>
      %add3A_1157 = arith.addf %add3A_1146, %mul3A_1156 : vector<16xf32>
      %mul3A_1158 = arith.mulf %gather3A_1155, %gather3A_1155 : vector<16xf32>
      %add3A_1159 = arith.addf %add3A_1148, %mul3A_1158 : vector<16xf32>
      %sub3A_1160 = arith.subf %gather3A_1154, %gather3A_1155 : vector<16xf32>
      %mul3A_1161 = arith.mulf %sub3A_1160, %sub3A_1160 : vector<16xf32>
      %add3A_1162 = arith.addf %add3A_1151, %mul3A_1161 : vector<16xf32>
      %broadcast_in_dim3A_1163 = arith.constant 23 : i32
      %broadcast_in_dim3A_1164 = vector.broadcast %broadcast_in_dim3A_1163 : i32 to vector<16xi32>
      %gather3A_1165 = tpu.vector_load_idx %arg9[%add3A_899, %broadcast_in_dim3A_1164] : memref<128x32xf32, #tpu.memory_space<vmem>>[vector<16xi32>, vector<16xi32>], vector<16xf32>,
      %gather3A_1166 = tpu.vector_load_idx %arg10[%add3A_906, %broadcast_in_dim3A_1164] : memref<128x32xf32, #tpu.memory_space<vmem>>[vector<16xi32>, vector<16xi32>], vector<16xf32>,
      %mul3A_1167 = arith.mulf %gather3A_1165, %gather3A_1165 : vector<16xf32>
      %add3A_1168 = arith.addf %add3A_1157, %mul3A_1167 : vector<16xf32>
      %mul3A_1169 = arith.mulf %gather3A_1166, %gather3A_1166 : vector<16xf32>
      %add3A_1170 = arith.addf %add3A_1159, %mul3A_1169 : vector<16xf32>
      %sub3A_1171 = arith.subf %gather3A_1165, %gather3A_1166 : vector<16xf32>
      %mul3A_1172 = arith.mulf %sub3A_1171, %sub3A_1171 : vector<16xf32>
      %add3A_1173 = arith.addf %add3A_1162, %mul3A_1172 : vector<16xf32>
      %broadcast_in_dim3A_1174 = arith.constant 24 : i32
      %broadcast_in_dim3A_1175 = vector.broadcast %broadcast_in_dim3A_1174 : i32 to vector<16xi32>
      %gather3A_1176 = tpu.vector_load_idx %arg9[%add3A_899, %broadcast_in_dim3A_1175] : memref<128x32xf32, #tpu.memory_space<vmem>>[vector<16xi32>, vector<16xi32>], vector<16xf32>,
      %gather3A_1177 = tpu.vector_load_idx %arg10[%add3A_906, %broadcast_in_dim3A_1175] : memref<128x32xf32, #tpu.memory_space<vmem>>[vector<16xi32>, vector<16xi32>], vector<16xf32>,
      %mul3A_1178 = arith.mulf %gather3A_1176, %gather3A_1176 : vector<16xf32>
      %add3A_1179 = arith.addf %add3A_1168, %mul3A_1178 : vector<16xf32>
      %mul3A_1180 = arith.mulf %gather3A_1177, %gather3A_1177 : vector<16xf32>
      %add3A_1181 = arith.addf %add3A_1170, %mul3A_1180 : vector<16xf32>
      %sub3A_1182 = arith.subf %gather3A_1176, %gather3A_1177 : vector<16xf32>
      %mul3A_1183 = arith.mulf %sub3A_1182, %sub3A_1182 : vector<16xf32>
      %add3A_1184 = arith.addf %add3A_1173, %mul3A_1183 : vector<16xf32>
      %broadcast_in_dim3A_1185 = arith.constant 25 : i32
      %broadcast_in_dim3A_1186 = vector.broadcast %broadcast_in_dim3A_1185 : i32 to vector<16xi32>
      %gather3A_1187 = tpu.vector_load_idx %arg9[%add3A_899, %broadcast_in_dim3A_1186] : memref<128x32xf32, #tpu.memory_space<vmem>>[vector<16xi32>, vector<16xi32>], vector<16xf32>,
      %gather3A_1188 = tpu.vector_load_idx %arg10[%add3A_906, %broadcast_in_dim3A_1186] : memref<128x32xf32, #tpu.memory_space<vmem>>[vector<16xi32>, vector<16xi32>], vector<16xf32>,
      %mul3A_1189 = arith.mulf %gather3A_1187, %gather3A_1187 : vector<16xf32>
      %add3A_1190 = arith.addf %add3A_1179, %mul3A_1189 : vector<16xf32>
      %mul3A_1191 = arith.mulf %gather3A_1188, %gather3A_1188 : vector<16xf32>
      %add3A_1192 = arith.addf %add3A_1181, %mul3A_1191 : vector<16xf32>
      %sub3A_1193 = arith.subf %gather3A_1187, %gather3A_1188 : vector<16xf32>
      %mul3A_1194 = arith.mulf %sub3A_1193, %sub3A_1193 : vector<16xf32>
      %add3A_1195 = arith.addf %add3A_1184, %mul3A_1194 : vector<16xf32>
      %broadcast_in_dim3A_1196 = arith.constant 26 : i32
      %broadcast_in_dim3A_1197 = vector.broadcast %broadcast_in_dim3A_1196 : i32 to vector<16xi32>
      %gather3A_1198 = tpu.vector_load_idx %arg9[%add3A_899, %broadcast_in_dim3A_1197] : memref<128x32xf32, #tpu.memory_space<vmem>>[vector<16xi32>, vector<16xi32>], vector<16xf32>,
      %gather3A_1199 = tpu.vector_load_idx %arg10[%add3A_906, %broadcast_in_dim3A_1197] : memref<128x32xf32, #tpu.memory_space<vmem>>[vector<16xi32>, vector<16xi32>], vector<16xf32>,
      %mul3A_1200 = arith.mulf %gather3A_1198, %gather3A_1198 : vector<16xf32>
      %add3A_1201 = arith.addf %add3A_1190, %mul3A_1200 : vector<16xf32>
      %mul3A_1202 = arith.mulf %gather3A_1199, %gather3A_1199 : vector<16xf32>
      %add3A_1203 = arith.addf %add3A_1192, %mul3A_1202 : vector<16xf32>
      %sub3A_1204 = arith.subf %gather3A_1198, %gather3A_1199 : vector<16xf32>
      %mul3A_1205 = arith.mulf %sub3A_1204, %sub3A_1204 : vector<16xf32>
      %add3A_1206 = arith.addf %add3A_1195, %mul3A_1205 : vector<16xf32>
      %broadcast_in_dim3A_1207 = arith.constant 27 : i32
      %broadcast_in_dim3A_1208 = vector.broadcast %broadcast_in_dim3A_1207 : i32 to vector<16xi32>
      %gather3A_1209 = tpu.vector_load_idx %arg9[%add3A_899, %broadcast_in_dim3A_1208] : memref<128x32xf32, #tpu.memory_space<vmem>>[vector<16xi32>, vector<16xi32>], vector<16xf32>,
      %gather3A_1210 = tpu.vector_load_idx %arg10[%add3A_906, %broadcast_in_dim3A_1208] : memref<128x32xf32, #tpu.memory_space<vmem>>[vector<16xi32>, vector<16xi32>], vector<16xf32>,
      %mul3A_1211 = arith.mulf %gather3A_1209, %gather3A_1209 : vector<16xf32>
      %add3A_1212 = arith.addf %add3A_1201, %mul3A_1211 : vector<16xf32>
      %mul3A_1213 = arith.mulf %gather3A_1210, %gather3A_1210 : vector<16xf32>
      %add3A_1214 = arith.addf %add3A_1203, %mul3A_1213 : vector<16xf32>
      %sub3A_1215 = arith.subf %gather3A_1209, %gather3A_1210 : vector<16xf32>
      %mul3A_1216 = arith.mulf %sub3A_1215, %sub3A_1215 : vector<16xf32>
      %add3A_1217 = arith.addf %add3A_1206, %mul3A_1216 : vector<16xf32>
      %broadcast_in_dim3A_1218 = arith.constant 28 : i32
      %broadcast_in_dim3A_1219 = vector.broadcast %broadcast_in_dim3A_1218 : i32 to vector<16xi32>
      %gather3A_1220 = tpu.vector_load_idx %arg9[%add3A_899, %broadcast_in_dim3A_1219] : memref<128x32xf32, #tpu.memory_space<vmem>>[vector<16xi32>, vector<16xi32>], vector<16xf32>,
      %gather3A_1221 = tpu.vector_load_idx %arg10[%add3A_906, %broadcast_in_dim3A_1219] : memref<128x32xf32, #tpu.memory_space<vmem>>[vector<16xi32>, vector<16xi32>], vector<16xf32>,
      %mul3A_1222 = arith.mulf %gather3A_1220, %gather3A_1220 : vector<16xf32>
      %add3A_1223 = arith.addf %add3A_1212, %mul3A_1222 : vector<16xf32>
      %mul3A_1224 = arith.mulf %gather3A_1221, %gather3A_1221 : vector<16xf32>
      %add3A_1225 = arith.addf %add3A_1214, %mul3A_1224 : vector<16xf32>
      %sub3A_1226 = arith.subf %gather3A_1220, %gather3A_1221 : vector<16xf32>
      %mul3A_1227 = arith.mulf %sub3A_1226, %sub3A_1226 : vector<16xf32>
      %add3A_1228 = arith.addf %add3A_1217, %mul3A_1227 : vector<16xf32>
      %broadcast_in_dim3A_1229 = arith.constant 29 : i32
      %broadcast_in_dim3A_1230 = vector.broadcast %broadcast_in_dim3A_1229 : i32 to vector<16xi32>
      %gather3A_1231 = tpu.vector_load_idx %arg9[%add3A_899, %broadcast_in_dim3A_1230] : memref<128x32xf32, #tpu.memory_space<vmem>>[vector<16xi32>, vector<16xi32>], vector<16xf32>,
      %gather3A_1232 = tpu.vector_load_idx %arg10[%add3A_906, %broadcast_in_dim3A_1230] : memref<128x32xf32, #tpu.memory_space<vmem>>[vector<16xi32>, vector<16xi32>], vector<16xf32>,
      %mul3A_1233 = arith.mulf %gather3A_1231, %gather3A_1231 : vector<16xf32>
      %add3A_1234 = arith.addf %add3A_1223, %mul3A_1233 : vector<16xf32>
      %mul3A_1235 = arith.mulf %gather3A_1232, %gather3A_1232 : vector<16xf32>
      %add3A_1236 = arith.addf %add3A_1225, %mul3A_1235 : vector<16xf32>
      %sub3A_1237 = arith.subf %gather3A_1231, %gather3A_1232 : vector<16xf32>
      %mul3A_1238 = arith.mulf %sub3A_1237, %sub3A_1237 : vector<16xf32>
      %add3A_1239 = arith.addf %add3A_1228, %mul3A_1238 : vector<16xf32>
      %broadcast_in_dim3A_1240 = arith.constant 30 : i32
      %broadcast_in_dim3A_1241 = vector.broadcast %broadcast_in_dim3A_1240 : i32 to vector<16xi32>
      %gather3A_1242 = tpu.vector_load_idx %arg9[%add3A_899, %broadcast_in_dim3A_1241] : memref<128x32xf32, #tpu.memory_space<vmem>>[vector<16xi32>, vector<16xi32>], vector<16xf32>,
      %gather3A_1243 = tpu.vector_load_idx %arg10[%add3A_906, %broadcast_in_dim3A_1241] : memref<128x32xf32, #tpu.memory_space<vmem>>[vector<16xi32>, vector<16xi32>], vector<16xf32>,
      %mul3A_1244 = arith.mulf %gather3A_1242, %gather3A_1242 : vector<16xf32>
      %add3A_1245 = arith.addf %add3A_1234, %mul3A_1244 : vector<16xf32>
      %mul3A_1246 = arith.mulf %gather3A_1243, %gather3A_1243 : vector<16xf32>
      %add3A_1247 = arith.addf %add3A_1236, %mul3A_1246 : vector<16xf32>
      %sub3A_1248 = arith.subf %gather3A_1242, %gather3A_1243 : vector<16xf32>
      %mul3A_1249 = arith.mulf %sub3A_1248, %sub3A_1248 : vector<16xf32>
      %add3A_1250 = arith.addf %add3A_1239, %mul3A_1249 : vector<16xf32>
      %broadcast_in_dim3A_1251 = arith.constant 31 : i32
      %broadcast_in_dim3A_1252 = vector.broadcast %broadcast_in_dim3A_1251 : i32 to vector<16xi32>
      %gather3A_1253 = tpu.vector_load_idx %arg9[%add3A_899, %broadcast_in_dim3A_1252] : memref<128x32xf32, #tpu.memory_space<vmem>>[vector<16xi32>, vector<16xi32>], vector<16xf32>,
      %gather3A_1254 = tpu.vector_load_idx %arg10[%add3A_906, %broadcast_in_dim3A_1252] : memref<128x32xf32, #tpu.memory_space<vmem>>[vector<16xi32>, vector<16xi32>], vector<16xf32>,
      %mul3A_1255 = arith.mulf %gather3A_1253, %gather3A_1253 : vector<16xf32>
      %add3A_1256 = arith.addf %add3A_1245, %mul3A_1255 : vector<16xf32>
      %mul3A_1257 = arith.mulf %gather3A_1254, %gather3A_1254 : vector<16xf32>
      %add3A_1258 = arith.addf %add3A_1247, %mul3A_1257 : vector<16xf32>
      %sub3A_1259 = arith.subf %gather3A_1253, %gather3A_1254 : vector<16xf32>
      %mul3A_1260 = arith.mulf %sub3A_1259, %sub3A_1259 : vector<16xf32>
      %add3A_1261 = arith.addf %add3A_1250, %mul3A_1260 : vector<16xf32>
      %min3A = arith.constant 0.999989986 : f32
      %min3A_1262 = vector.broadcast %min3A : f32 to vector<16xf32>
      %min3A_1263 = arith.minimumf %add3A_1256, %min3A_1262 : vector<16xf32>
      %sub3A_1264 = arith.constant 1.000000e+00 : f32
      %sub3A_1265 = vector.broadcast %sub3A_1264 : f32 to vector<16xf32>
      %sub3A_1266 = arith.subf %sub3A_1265, %min3A_1263 : vector<16xf32>
      %min3A_1267 = arith.constant 0.999989986 : f32
      %min3A_1268 = vector.broadcast %min3A_1267 : f32 to vector<16xf32>
      %min3A_1269 = arith.minimumf %add3A_1258, %min3A_1268 : vector<16xf32>
      %sub3A_1270 = arith.constant 1.000000e+00 : f32
      %sub3A_1271 = vector.broadcast %sub3A_1270 : f32 to vector<16xf32>
      %sub3A_1272 = arith.subf %sub3A_1271, %min3A_1269 : vector<16xf32>
      %swap3A = arith.index_cast %mul3A_889 : i32 to index
      %swap3A_1273 = tpu.vector_load %arg13[%swap3A] {strides = array<i32>} : memref<512xf32, #tpu.memory_space<vmem>>, vector<16xf32>,
      tpu.vector_store %arg13[%swap3A], %add3A_1261 {strides = array<i32>} : memref<512xf32, #tpu.memory_space<vmem>>, vector<16xf32>,
      %mul3A_1274 = arith.mulf %sub3A_1266, %sub3A_1272 : vector<16xf32>
      %swap3A_1275 = arith.index_cast %mul3A_889 : i32 to index
      %swap3A_1276 = tpu.vector_load %arg14[%swap3A_1275] {strides = array<i32>} : memref<512xf32, #tpu.memory_space<vmem>>, vector<16xf32>,
      tpu.vector_store %arg14[%swap3A_1275], %mul3A_1274 {strides = array<i32>} : memref<512xf32, #tpu.memory_space<vmem>>, vector<16xf32>,
      %lt3A = arith.constant 15 : i32
      %lt3A_1277 = arith.cmpi slt, %scan3A_434, %lt3A : i32
      %convert_element_type3A = arith.extui %lt3A_1277 : i1 to i32
      %cond3A = arith.constant 0 : i32
      %cond3A_1278 = arith.cmpi ne, %convert_element_type3A, %cond3A : i32
      scf.if %cond3A_1278 {
        %mul3A_1690 = arith.constant 2 : i32
        %mul3A_1691 = arith.muli %mul3A_1690, %scan3A_434 : i32
        %add3A_1692 = arith.constant 2 : i32
        %add3A_1693 = arith.addi %mul3A_1691, %add3A_1692 : i32
        %mul3A_1694 = arith.constant 16 : i32
        %mul3A_1695 = arith.muli %add3A_1693, %mul3A_1694 : i32
        %get3A_1696 = arith.index_cast %mul3A_1695 : i32 to index
        %get3A_1697 = tpu.vector_load %arg7[%get3A_1696] {strides = array<i32>} : memref<512xi32, #tpu.memory_space<vmem>>, vector<16xi32>,
        %mul3A_1698 = arith.constant 16 : i32
        %mul3A_1699 = arith.muli %add3A_1693, %mul3A_1698 : i32
        %get3A_1700 = arith.index_cast %mul3A_1699 : i32 to index
        %get3A_1701 = tpu.vector_load %arg8[%get3A_1700] {strides = array<i32>} : memref<512xi32, #tpu.memory_space<vmem>>, vector<16xi32>,
        %shift_right_logical3A_1702 = arith.constant 3 : i32
        %shift_right_logical3A_1703 = vector.broadcast %shift_right_logical3A_1702 : i32 to vector<16xi32>
        %shift_right_logical3A_1704 = arith.shrui %get3A_1697, %shift_right_logical3A_1703 : vector<16xi32>
        %mul3A_1705 = arith.constant 8 : i32
        %mul3A_1706 = vector.broadcast %mul3A_1705 : i32 to vector<16xi32>
        %mul3A_1707 = arith.muli %shift_right_logical3A_1704, %mul3A_1706 : vector<16xi32>
        %shift_right_logical3A_1708 = arith.constant 3 : i32
        %shift_right_logical3A_1709 = vector.broadcast %shift_right_logical3A_1708 : i32 to vector<16xi32>
        %shift_right_logical3A_1710 = arith.shrui %get3A_1701, %shift_right_logical3A_1709 : vector<16xi32>
        %mul3A_1711 = arith.constant 8 : i32
        %mul3A_1712 = vector.broadcast %mul3A_1711 : i32 to vector<16xi32>
        %mul3A_1713 = arith.muli %shift_right_logical3A_1710, %mul3A_1712 : vector<16xi32>
        %slice3A_1714 = vector.extract_strided_slice %mul3A_1707 {offsets = [0], sizes = [1], strides = [1]} : vector<16xi32> to vector<1xi32>
        %squeeze3A_1715 = vector.extract %slice3A_1714[0] : i32 from vector<1xi32>
        %multiple_of3A_1716 = tpu.assume_multiple %squeeze3A_1715, 8 : i32
        %dma_start3A_1717 = arith.constant 0 : i32
        %dma_start3A_1718 = arith.constant 0 : i32
        %dma_start3A_1719 = tpu.memref_slice %arg9[%dma_start3A_1717, %dma_start3A_1718] : memref<128x32xf32, #tpu.memory_space<vmem>> -> memref<8x32xf32, #tpu.memory_space<vmem>>
        %dma_start3A_1720 = arith.constant 0 : i32
        %dma_start3A_1721 = tpu.memref_slice %arg2[%multiple_of3A_1716, %dma_start3A_1720] : memref<1000000x32xf32, #tpu.memory_space<hbm>> -> memref<8x32xf32, #tpu.memory_space<hbm>>
        %dma_start3A_1722 = arith.constant 0 : i32
        %dma_start3A_1723 = arith.constant 0 : i32
        %dma_start3A_1724 = tpu.memref_slice %arg9[%dma_start3A_1722, %dma_start3A_1723] : memref<128x32xf32, #tpu.memory_space<vmem>> -> memref<8x32xf32, #tpu.memory_space<vmem>>
        %dma_start3A_1725 = arith.constant 0 : i32
        %dma_start3A_1726 = tpu.memref_slice %arg2[%multiple_of3A_1716, %dma_start3A_1725] : memref<1000000x32xf32, #tpu.memory_space<hbm>> -> memref<8x32xf32, #tpu.memory_space<hbm>>
        tpu.enqueue_dma source(%dma_start3A_1726 : memref<8x32xf32, #tpu.memory_space<hbm>>) target(%dma_start3A_1724 : memref<8x32xf32, #tpu.memory_space<vmem>>) target_semaphore(%arg15 : memref<!tpu.dma_semaphore, #tpu.memory_space<semaphore_mem>>)
        %slice3A_1727 = vector.extract_strided_slice %mul3A_1713 {offsets = [0], sizes = [1], strides = [1]} : vector<16xi32> to vector<1xi32>
        %squeeze3A_1728 = vector.extract %slice3A_1727[0] : i32 from vector<1xi32>
        %multiple_of3A_1729 = tpu.assume_multiple %squeeze3A_1728, 8 : i32
        %dma_start3A_1730 = arith.constant 0 : i32
        %dma_start3A_1731 = arith.constant 0 : i32
        %dma_start3A_1732 = tpu.memref_slice %arg10[%dma_start3A_1730, %dma_start3A_1731] : memref<128x32xf32, #tpu.memory_space<vmem>> -> memref<8x32xf32, #tpu.memory_space<vmem>>
        %dma_start3A_1733 = arith.constant 0 : i32
        %dma_start3A_1734 = tpu.memref_slice %arg2[%multiple_of3A_1729, %dma_start3A_1733] : memref<1000000x32xf32, #tpu.memory_space<hbm>> -> memref<8x32xf32, #tpu.memory_space<hbm>>
        %dma_start3A_1735 = arith.constant 0 : i32
        %dma_start3A_1736 = arith.constant 0 : i32
        %dma_start3A_1737 = tpu.memref_slice %arg10[%dma_start3A_1735, %dma_start3A_1736] : memref<128x32xf32, #tpu.memory_space<vmem>> -> memref<8x32xf32, #tpu.memory_space<vmem>>
        %dma_start3A_1738 = arith.constant 0 : i32
        %dma_start3A_1739 = tpu.memref_slice %arg2[%multiple_of3A_1729, %dma_start3A_1738] : memref<1000000x32xf32, #tpu.memory_space<hbm>> -> memref<8x32xf32, #tpu.memory_space<hbm>>
        tpu.enqueue_dma source(%dma_start3A_1739 : memref<8x32xf32, #tpu.memory_space<hbm>>) target(%dma_start3A_1737 : memref<8x32xf32, #tpu.memory_space<vmem>>) target_semaphore(%arg15 : memref<!tpu.dma_semaphore, #tpu.memory_space<semaphore_mem>>)
        %slice3A_1740 = vector.extract_strided_slice %mul3A_1707 {offsets = [1], sizes = [1], strides = [1]} : vector<16xi32> to vector<1xi32>
        %squeeze3A_1741 = vector.extract %slice3A_1740[0] : i32 from vector<1xi32>
        %multiple_of3A_1742 = tpu.assume_multiple %squeeze3A_1741, 8 : i32
        %dma_start3A_1743 = arith.constant 8 : i32
        %dma_start3A_1744 = arith.constant 0 : i32
        %dma_start3A_1745 = tpu.memref_slice %arg9[%dma_start3A_1743, %dma_start3A_1744] : memref<128x32xf32, #tpu.memory_space<vmem>> -> memref<8x32xf32, #tpu.memory_space<vmem>>
        %dma_start3A_1746 = arith.constant 0 : i32
        %dma_start3A_1747 = tpu.memref_slice %arg2[%multiple_of3A_1742, %dma_start3A_1746] : memref<1000000x32xf32, #tpu.memory_space<hbm>> -> memref<8x32xf32, #tpu.memory_space<hbm>>
        %dma_start3A_1748 = arith.constant 8 : i32
        %dma_start3A_1749 = arith.constant 0 : i32
        %dma_start3A_1750 = tpu.memref_slice %arg9[%dma_start3A_1748, %dma_start3A_1749] : memref<128x32xf32, #tpu.memory_space<vmem>> -> memref<8x32xf32, #tpu.memory_space<vmem>>
        %dma_start3A_1751 = arith.constant 0 : i32
        %dma_start3A_1752 = tpu.memref_slice %arg2[%multiple_of3A_1742, %dma_start3A_1751] : memref<1000000x32xf32, #tpu.memory_space<hbm>> -> memref<8x32xf32, #tpu.memory_space<hbm>>
        tpu.enqueue_dma source(%dma_start3A_1752 : memref<8x32xf32, #tpu.memory_space<hbm>>) target(%dma_start3A_1750 : memref<8x32xf32, #tpu.memory_space<vmem>>) target_semaphore(%arg15 : memref<!tpu.dma_semaphore, #tpu.memory_space<semaphore_mem>>)
        %slice3A_1753 = vector.extract_strided_slice %mul3A_1713 {offsets = [1], sizes = [1], strides = [1]} : vector<16xi32> to vector<1xi32>
        %squeeze3A_1754 = vector.extract %slice3A_1753[0] : i32 from vector<1xi32>
        %multiple_of3A_1755 = tpu.assume_multiple %squeeze3A_1754, 8 : i32
        %dma_start3A_1756 = arith.constant 8 : i32
        %dma_start3A_1757 = arith.constant 0 : i32
        %dma_start3A_1758 = tpu.memref_slice %arg10[%dma_start3A_1756, %dma_start3A_1757] : memref<128x32xf32, #tpu.memory_space<vmem>> -> memref<8x32xf32, #tpu.memory_space<vmem>>
        %dma_start3A_1759 = arith.constant 0 : i32
        %dma_start3A_1760 = tpu.memref_slice %arg2[%multiple_of3A_1755, %dma_start3A_1759] : memref<1000000x32xf32, #tpu.memory_space<hbm>> -> memref<8x32xf32, #tpu.memory_space<hbm>>
        %dma_start3A_1761 = arith.constant 8 : i32
        %dma_start3A_1762 = arith.constant 0 : i32
        %dma_start3A_1763 = tpu.memref_slice %arg10[%dma_start3A_1761, %dma_start3A_1762] : memref<128x32xf32, #tpu.memory_space<vmem>> -> memref<8x32xf32, #tpu.memory_space<vmem>>
        %dma_start3A_1764 = arith.constant 0 : i32
        %dma_start3A_1765 = tpu.memref_slice %arg2[%multiple_of3A_1755, %dma_start3A_1764] : memref<1000000x32xf32, #tpu.memory_space<hbm>> -> memref<8x32xf32, #tpu.memory_space<hbm>>
        tpu.enqueue_dma source(%dma_start3A_1765 : memref<8x32xf32, #tpu.memory_space<hbm>>) target(%dma_start3A_1763 : memref<8x32xf32, #tpu.memory_space<vmem>>) target_semaphore(%arg15 : memref<!tpu.dma_semaphore, #tpu.memory_space<semaphore_mem>>)
        %slice3A_1766 = vector.extract_strided_slice %mul3A_1707 {offsets = [2], sizes = [1], strides = [1]} : vector<16xi32> to vector<1xi32>
        %squeeze3A_1767 = vector.extract %slice3A_1766[0] : i32 from vector<1xi32>
        %multiple_of3A_1768 = tpu.assume_multiple %squeeze3A_1767, 8 : i32
        %dma_start3A_1769 = arith.constant 16 : i32
        %dma_start3A_1770 = arith.constant 0 : i32
        %dma_start3A_1771 = tpu.memref_slice %arg9[%dma_start3A_1769, %dma_start3A_1770] : memref<128x32xf32, #tpu.memory_space<vmem>> -> memref<8x32xf32, #tpu.memory_space<vmem>>
        %dma_start3A_1772 = arith.constant 0 : i32
        %dma_start3A_1773 = tpu.memref_slice %arg2[%multiple_of3A_1768, %dma_start3A_1772] : memref<1000000x32xf32, #tpu.memory_space<hbm>> -> memref<8x32xf32, #tpu.memory_space<hbm>>
        %dma_start3A_1774 = arith.constant 16 : i32
        %dma_start3A_1775 = arith.constant 0 : i32
        %dma_start3A_1776 = tpu.memref_slice %arg9[%dma_start3A_1774, %dma_start3A_1775] : memref<128x32xf32, #tpu.memory_space<vmem>> -> memref<8x32xf32, #tpu.memory_space<vmem>>
        %dma_start3A_1777 = arith.constant 0 : i32
        %dma_start3A_1778 = tpu.memref_slice %arg2[%multiple_of3A_1768, %dma_start3A_1777] : memref<1000000x32xf32, #tpu.memory_space<hbm>> -> memref<8x32xf32, #tpu.memory_space<hbm>>
        tpu.enqueue_dma source(%dma_start3A_1778 : memref<8x32xf32, #tpu.memory_space<hbm>>) target(%dma_start3A_1776 : memref<8x32xf32, #tpu.memory_space<vmem>>) target_semaphore(%arg15 : memref<!tpu.dma_semaphore, #tpu.memory_space<semaphore_mem>>)
        %slice3A_1779 = vector.extract_strided_slice %mul3A_1713 {offsets = [2], sizes = [1], strides = [1]} : vector<16xi32> to vector<1xi32>
        %squeeze3A_1780 = vector.extract %slice3A_1779[0] : i32 from vector<1xi32>
        %multiple_of3A_1781 = tpu.assume_multiple %squeeze3A_1780, 8 : i32
        %dma_start3A_1782 = arith.constant 16 : i32
        %dma_start3A_1783 = arith.constant 0 : i32
        %dma_start3A_1784 = tpu.memref_slice %arg10[%dma_start3A_1782, %dma_start3A_1783] : memref<128x32xf32, #tpu.memory_space<vmem>> -> memref<8x32xf32, #tpu.memory_space<vmem>>
        %dma_start3A_1785 = arith.constant 0 : i32
        %dma_start3A_1786 = tpu.memref_slice %arg2[%multiple_of3A_1781, %dma_start3A_1785] : memref<1000000x32xf32, #tpu.memory_space<hbm>> -> memref<8x32xf32, #tpu.memory_space<hbm>>
        %dma_start3A_1787 = arith.constant 16 : i32
        %dma_start3A_1788 = arith.constant 0 : i32
        %dma_start3A_1789 = tpu.memref_slice %arg10[%dma_start3A_1787, %dma_start3A_1788] : memref<128x32xf32, #tpu.memory_space<vmem>> -> memref<8x32xf32, #tpu.memory_space<vmem>>
        %dma_start3A_1790 = arith.constant 0 : i32
        %dma_start3A_1791 = tpu.memref_slice %arg2[%multiple_of3A_1781, %dma_start3A_1790] : memref<1000000x32xf32, #tpu.memory_space<hbm>> -> memref<8x32xf32, #tpu.memory_space<hbm>>
        tpu.enqueue_dma source(%dma_start3A_1791 : memref<8x32xf32, #tpu.memory_space<hbm>>) target(%dma_start3A_1789 : memref<8x32xf32, #tpu.memory_space<vmem>>) target_semaphore(%arg15 : memref<!tpu.dma_semaphore, #tpu.memory_space<semaphore_mem>>)
        %slice3A_1792 = vector.extract_strided_slice %mul3A_1707 {offsets = [3], sizes = [1], strides = [1]} : vector<16xi32> to vector<1xi32>
        %squeeze3A_1793 = vector.extract %slice3A_1792[0] : i32 from vector<1xi32>
        %multiple_of3A_1794 = tpu.assume_multiple %squeeze3A_1793, 8 : i32
        %dma_start3A_1795 = arith.constant 24 : i32
        %dma_start3A_1796 = arith.constant 0 : i32
        %dma_start3A_1797 = tpu.memref_slice %arg9[%dma_start3A_1795, %dma_start3A_1796] : memref<128x32xf32, #tpu.memory_space<vmem>> -> memref<8x32xf32, #tpu.memory_space<vmem>>
        %dma_start3A_1798 = arith.constant 0 : i32
        %dma_start3A_1799 = tpu.memref_slice %arg2[%multiple_of3A_1794, %dma_start3A_1798] : memref<1000000x32xf32, #tpu.memory_space<hbm>> -> memref<8x32xf32, #tpu.memory_space<hbm>>
        %dma_start3A_1800 = arith.constant 24 : i32
        %dma_start3A_1801 = arith.constant 0 : i32
        %dma_start3A_1802 = tpu.memref_slice %arg9[%dma_start3A_1800, %dma_start3A_1801] : memref<128x32xf32, #tpu.memory_space<vmem>> -> memref<8x32xf32, #tpu.memory_space<vmem>>
        %dma_start3A_1803 = arith.constant 0 : i32
        %dma_start3A_1804 = tpu.memref_slice %arg2[%multiple_of3A_1794, %dma_start3A_1803] : memref<1000000x32xf32, #tpu.memory_space<hbm>> -> memref<8x32xf32, #tpu.memory_space<hbm>>
        tpu.enqueue_dma source(%dma_start3A_1804 : memref<8x32xf32, #tpu.memory_space<hbm>>) target(%dma_start3A_1802 : memref<8x32xf32, #tpu.memory_space<vmem>>) target_semaphore(%arg15 : memref<!tpu.dma_semaphore, #tpu.memory_space<semaphore_mem>>)
        %slice3A_1805 = vector.extract_strided_slice %mul3A_1713 {offsets = [3], sizes = [1], strides = [1]} : vector<16xi32> to vector<1xi32>
        %squeeze3A_1806 = vector.extract %slice3A_1805[0] : i32 from vector<1xi32>
        %multiple_of3A_1807 = tpu.assume_multiple %squeeze3A_1806, 8 : i32
        %dma_start3A_1808 = arith.constant 24 : i32
        %dma_start3A_1809 = arith.constant 0 : i32
        %dma_start3A_1810 = tpu.memref_slice %arg10[%dma_start3A_1808, %dma_start3A_1809] : memref<128x32xf32, #tpu.memory_space<vmem>> -> memref<8x32xf32, #tpu.memory_space<vmem>>
        %dma_start3A_1811 = arith.constant 0 : i32
        %dma_start3A_1812 = tpu.memref_slice %arg2[%multiple_of3A_1807, %dma_start3A_1811] : memref<1000000x32xf32, #tpu.memory_space<hbm>> -> memref<8x32xf32, #tpu.memory_space<hbm>>
        %dma_start3A_1813 = arith.constant 24 : i32
        %dma_start3A_1814 = arith.constant 0 : i32
        %dma_start3A_1815 = tpu.memref_slice %arg10[%dma_start3A_1813, %dma_start3A_1814] : memref<128x32xf32, #tpu.memory_space<vmem>> -> memref<8x32xf32, #tpu.memory_space<vmem>>
        %dma_start3A_1816 = arith.constant 0 : i32
        %dma_start3A_1817 = tpu.memref_slice %arg2[%multiple_of3A_1807, %dma_start3A_1816] : memref<1000000x32xf32, #tpu.memory_space<hbm>> -> memref<8x32xf32, #tpu.memory_space<hbm>>
        tpu.enqueue_dma source(%dma_start3A_1817 : memref<8x32xf32, #tpu.memory_space<hbm>>) target(%dma_start3A_1815 : memref<8x32xf32, #tpu.memory_space<vmem>>) target_semaphore(%arg15 : memref<!tpu.dma_semaphore, #tpu.memory_space<semaphore_mem>>)
        %slice3A_1818 = vector.extract_strided_slice %mul3A_1707 {offsets = [4], sizes = [1], strides = [1]} : vector<16xi32> to vector<1xi32>
        %squeeze3A_1819 = vector.extract %slice3A_1818[0] : i32 from vector<1xi32>
        %multiple_of3A_1820 = tpu.assume_multiple %squeeze3A_1819, 8 : i32
        %dma_start3A_1821 = arith.constant 32 : i32
        %dma_start3A_1822 = arith.constant 0 : i32
        %dma_start3A_1823 = tpu.memref_slice %arg9[%dma_start3A_1821, %dma_start3A_1822] : memref<128x32xf32, #tpu.memory_space<vmem>> -> memref<8x32xf32, #tpu.memory_space<vmem>>
        %dma_start3A_1824 = arith.constant 0 : i32
        %dma_start3A_1825 = tpu.memref_slice %arg2[%multiple_of3A_1820, %dma_start3A_1824] : memref<1000000x32xf32, #tpu.memory_space<hbm>> -> memref<8x32xf32, #tpu.memory_space<hbm>>
        %dma_start3A_1826 = arith.constant 32 : i32
        %dma_start3A_1827 = arith.constant 0 : i32
        %dma_start3A_1828 = tpu.memref_slice %arg9[%dma_start3A_1826, %dma_start3A_1827] : memref<128x32xf32, #tpu.memory_space<vmem>> -> memref<8x32xf32, #tpu.memory_space<vmem>>
        %dma_start3A_1829 = arith.constant 0 : i32
        %dma_start3A_1830 = tpu.memref_slice %arg2[%multiple_of3A_1820, %dma_start3A_1829] : memref<1000000x32xf32, #tpu.memory_space<hbm>> -> memref<8x32xf32, #tpu.memory_space<hbm>>
        tpu.enqueue_dma source(%dma_start3A_1830 : memref<8x32xf32, #tpu.memory_space<hbm>>) target(%dma_start3A_1828 : memref<8x32xf32, #tpu.memory_space<vmem>>) target_semaphore(%arg15 : memref<!tpu.dma_semaphore, #tpu.memory_space<semaphore_mem>>)
        %slice3A_1831 = vector.extract_strided_slice %mul3A_1713 {offsets = [4], sizes = [1], strides = [1]} : vector<16xi32> to vector<1xi32>
        %squeeze3A_1832 = vector.extract %slice3A_1831[0] : i32 from vector<1xi32>
        %multiple_of3A_1833 = tpu.assume_multiple %squeeze3A_1832, 8 : i32
        %dma_start3A_1834 = arith.constant 32 : i32
        %dma_start3A_1835 = arith.constant 0 : i32
        %dma_start3A_1836 = tpu.memref_slice %arg10[%dma_start3A_1834, %dma_start3A_1835] : memref<128x32xf32, #tpu.memory_space<vmem>> -> memref<8x32xf32, #tpu.memory_space<vmem>>
        %dma_start3A_1837 = arith.constant 0 : i32
        %dma_start3A_1838 = tpu.memref_slice %arg2[%multiple_of3A_1833, %dma_start3A_1837] : memref<1000000x32xf32, #tpu.memory_space<hbm>> -> memref<8x32xf32, #tpu.memory_space<hbm>>
        %dma_start3A_1839 = arith.constant 32 : i32
        %dma_start3A_1840 = arith.constant 0 : i32
        %dma_start3A_1841 = tpu.memref_slice %arg10[%dma_start3A_1839, %dma_start3A_1840] : memref<128x32xf32, #tpu.memory_space<vmem>> -> memref<8x32xf32, #tpu.memory_space<vmem>>
        %dma_start3A_1842 = arith.constant 0 : i32
        %dma_start3A_1843 = tpu.memref_slice %arg2[%multiple_of3A_1833, %dma_start3A_1842] : memref<1000000x32xf32, #tpu.memory_space<hbm>> -> memref<8x32xf32, #tpu.memory_space<hbm>>
        tpu.enqueue_dma source(%dma_start3A_1843 : memref<8x32xf32, #tpu.memory_space<hbm>>) target(%dma_start3A_1841 : memref<8x32xf32, #tpu.memory_space<vmem>>) target_semaphore(%arg15 : memref<!tpu.dma_semaphore, #tpu.memory_space<semaphore_mem>>)
        %slice3A_1844 = vector.extract_strided_slice %mul3A_1707 {offsets = [5], sizes = [1], strides = [1]} : vector<16xi32> to vector<1xi32>
        %squeeze3A_1845 = vector.extract %slice3A_1844[0] : i32 from vector<1xi32>
        %multiple_of3A_1846 = tpu.assume_multiple %squeeze3A_1845, 8 : i32
        %dma_start3A_1847 = arith.constant 40 : i32
        %dma_start3A_1848 = arith.constant 0 : i32
        %dma_start3A_1849 = tpu.memref_slice %arg9[%dma_start3A_1847, %dma_start3A_1848] : memref<128x32xf32, #tpu.memory_space<vmem>> -> memref<8x32xf32, #tpu.memory_space<vmem>>
        %dma_start3A_1850 = arith.constant 0 : i32
        %dma_start3A_1851 = tpu.memref_slice %arg2[%multiple_of3A_1846, %dma_start3A_1850] : memref<1000000x32xf32, #tpu.memory_space<hbm>> -> memref<8x32xf32, #tpu.memory_space<hbm>>
        %dma_start3A_1852 = arith.constant 40 : i32
        %dma_start3A_1853 = arith.constant 0 : i32
        %dma_start3A_1854 = tpu.memref_slice %arg9[%dma_start3A_1852, %dma_start3A_1853] : memref<128x32xf32, #tpu.memory_space<vmem>> -> memref<8x32xf32, #tpu.memory_space<vmem>>
        %dma_start3A_1855 = arith.constant 0 : i32
        %dma_start3A_1856 = tpu.memref_slice %arg2[%multiple_of3A_1846, %dma_start3A_1855] : memref<1000000x32xf32, #tpu.memory_space<hbm>> -> memref<8x32xf32, #tpu.memory_space<hbm>>
        tpu.enqueue_dma source(%dma_start3A_1856 : memref<8x32xf32, #tpu.memory_space<hbm>>) target(%dma_start3A_1854 : memref<8x32xf32, #tpu.memory_space<vmem>>) target_semaphore(%arg15 : memref<!tpu.dma_semaphore, #tpu.memory_space<semaphore_mem>>)
        %slice3A_1857 = vector.extract_strided_slice %mul3A_1713 {offsets = [5], sizes = [1], strides = [1]} : vector<16xi32> to vector<1xi32>
        %squeeze3A_1858 = vector.extract %slice3A_1857[0] : i32 from vector<1xi32>
        %multiple_of3A_1859 = tpu.assume_multiple %squeeze3A_1858, 8 : i32
        %dma_start3A_1860 = arith.constant 40 : i32
        %dma_start3A_1861 = arith.constant 0 : i32
        %dma_start3A_1862 = tpu.memref_slice %arg10[%dma_start3A_1860, %dma_start3A_1861] : memref<128x32xf32, #tpu.memory_space<vmem>> -> memref<8x32xf32, #tpu.memory_space<vmem>>
        %dma_start3A_1863 = arith.constant 0 : i32
        %dma_start3A_1864 = tpu.memref_slice %arg2[%multiple_of3A_1859, %dma_start3A_1863] : memref<1000000x32xf32, #tpu.memory_space<hbm>> -> memref<8x32xf32, #tpu.memory_space<hbm>>
        %dma_start3A_1865 = arith.constant 40 : i32
        %dma_start3A_1866 = arith.constant 0 : i32
        %dma_start3A_1867 = tpu.memref_slice %arg10[%dma_start3A_1865, %dma_start3A_1866] : memref<128x32xf32, #tpu.memory_space<vmem>> -> memref<8x32xf32, #tpu.memory_space<vmem>>
        %dma_start3A_1868 = arith.constant 0 : i32
        %dma_start3A_1869 = tpu.memref_slice %arg2[%multiple_of3A_1859, %dma_start3A_1868] : memref<1000000x32xf32, #tpu.memory_space<hbm>> -> memref<8x32xf32, #tpu.memory_space<hbm>>
        tpu.enqueue_dma source(%dma_start3A_1869 : memref<8x32xf32, #tpu.memory_space<hbm>>) target(%dma_start3A_1867 : memref<8x32xf32, #tpu.memory_space<vmem>>) target_semaphore(%arg15 : memref<!tpu.dma_semaphore, #tpu.memory_space<semaphore_mem>>)
        %slice3A_1870 = vector.extract_strided_slice %mul3A_1707 {offsets = [6], sizes = [1], strides = [1]} : vector<16xi32> to vector<1xi32>
        %squeeze3A_1871 = vector.extract %slice3A_1870[0] : i32 from vector<1xi32>
        %multiple_of3A_1872 = tpu.assume_multiple %squeeze3A_1871, 8 : i32
        %dma_start3A_1873 = arith.constant 48 : i32
        %dma_start3A_1874 = arith.constant 0 : i32
        %dma_start3A_1875 = tpu.memref_slice %arg9[%dma_start3A_1873, %dma_start3A_1874] : memref<128x32xf32, #tpu.memory_space<vmem>> -> memref<8x32xf32, #tpu.memory_space<vmem>>
        %dma_start3A_1876 = arith.constant 0 : i32
        %dma_start3A_1877 = tpu.memref_slice %arg2[%multiple_of3A_1872, %dma_start3A_1876] : memref<1000000x32xf32, #tpu.memory_space<hbm>> -> memref<8x32xf32, #tpu.memory_space<hbm>>
        %dma_start3A_1878 = arith.constant 48 : i32
        %dma_start3A_1879 = arith.constant 0 : i32
        %dma_start3A_1880 = tpu.memref_slice %arg9[%dma_start3A_1878, %dma_start3A_1879] : memref<128x32xf32, #tpu.memory_space<vmem>> -> memref<8x32xf32, #tpu.memory_space<vmem>>
        %dma_start3A_1881 = arith.constant 0 : i32
        %dma_start3A_1882 = tpu.memref_slice %arg2[%multiple_of3A_1872, %dma_start3A_1881] : memref<1000000x32xf32, #tpu.memory_space<hbm>> -> memref<8x32xf32, #tpu.memory_space<hbm>>
        tpu.enqueue_dma source(%dma_start3A_1882 : memref<8x32xf32, #tpu.memory_space<hbm>>) target(%dma_start3A_1880 : memref<8x32xf32, #tpu.memory_space<vmem>>) target_semaphore(%arg15 : memref<!tpu.dma_semaphore, #tpu.memory_space<semaphore_mem>>)
        %slice3A_1883 = vector.extract_strided_slice %mul3A_1713 {offsets = [6], sizes = [1], strides = [1]} : vector<16xi32> to vector<1xi32>
        %squeeze3A_1884 = vector.extract %slice3A_1883[0] : i32 from vector<1xi32>
        %multiple_of3A_1885 = tpu.assume_multiple %squeeze3A_1884, 8 : i32
        %dma_start3A_1886 = arith.constant 48 : i32
        %dma_start3A_1887 = arith.constant 0 : i32
        %dma_start3A_1888 = tpu.memref_slice %arg10[%dma_start3A_1886, %dma_start3A_1887] : memref<128x32xf32, #tpu.memory_space<vmem>> -> memref<8x32xf32, #tpu.memory_space<vmem>>
        %dma_start3A_1889 = arith.constant 0 : i32
        %dma_start3A_1890 = tpu.memref_slice %arg2[%multiple_of3A_1885, %dma_start3A_1889] : memref<1000000x32xf32, #tpu.memory_space<hbm>> -> memref<8x32xf32, #tpu.memory_space<hbm>>
        %dma_start3A_1891 = arith.constant 48 : i32
        %dma_start3A_1892 = arith.constant 0 : i32
        %dma_start3A_1893 = tpu.memref_slice %arg10[%dma_start3A_1891, %dma_start3A_1892] : memref<128x32xf32, #tpu.memory_space<vmem>> -> memref<8x32xf32, #tpu.memory_space<vmem>>
        %dma_start3A_1894 = arith.constant 0 : i32
        %dma_start3A_1895 = tpu.memref_slice %arg2[%multiple_of3A_1885, %dma_start3A_1894] : memref<1000000x32xf32, #tpu.memory_space<hbm>> -> memref<8x32xf32, #tpu.memory_space<hbm>>
        tpu.enqueue_dma source(%dma_start3A_1895 : memref<8x32xf32, #tpu.memory_space<hbm>>) target(%dma_start3A_1893 : memref<8x32xf32, #tpu.memory_space<vmem>>) target_semaphore(%arg15 : memref<!tpu.dma_semaphore, #tpu.memory_space<semaphore_mem>>)
        %slice3A_1896 = vector.extract_strided_slice %mul3A_1707 {offsets = [7], sizes = [1], strides = [1]} : vector<16xi32> to vector<1xi32>
        %squeeze3A_1897 = vector.extract %slice3A_1896[0] : i32 from vector<1xi32>
        %multiple_of3A_1898 = tpu.assume_multiple %squeeze3A_1897, 8 : i32
        %dma_start3A_1899 = arith.constant 56 : i32
        %dma_start3A_1900 = arith.constant 0 : i32
        %dma_start3A_1901 = tpu.memref_slice %arg9[%dma_start3A_1899, %dma_start3A_1900] : memref<128x32xf32, #tpu.memory_space<vmem>> -> memref<8x32xf32, #tpu.memory_space<vmem>>
        %dma_start3A_1902 = arith.constant 0 : i32
        %dma_start3A_1903 = tpu.memref_slice %arg2[%multiple_of3A_1898, %dma_start3A_1902] : memref<1000000x32xf32, #tpu.memory_space<hbm>> -> memref<8x32xf32, #tpu.memory_space<hbm>>
        %dma_start3A_1904 = arith.constant 56 : i32
        %dma_start3A_1905 = arith.constant 0 : i32
        %dma_start3A_1906 = tpu.memref_slice %arg9[%dma_start3A_1904, %dma_start3A_1905] : memref<128x32xf32, #tpu.memory_space<vmem>> -> memref<8x32xf32, #tpu.memory_space<vmem>>
        %dma_start3A_1907 = arith.constant 0 : i32
        %dma_start3A_1908 = tpu.memref_slice %arg2[%multiple_of3A_1898, %dma_start3A_1907] : memref<1000000x32xf32, #tpu.memory_space<hbm>> -> memref<8x32xf32, #tpu.memory_space<hbm>>
        tpu.enqueue_dma source(%dma_start3A_1908 : memref<8x32xf32, #tpu.memory_space<hbm>>) target(%dma_start3A_1906 : memref<8x32xf32, #tpu.memory_space<vmem>>) target_semaphore(%arg15 : memref<!tpu.dma_semaphore, #tpu.memory_space<semaphore_mem>>)
        %slice3A_1909 = vector.extract_strided_slice %mul3A_1713 {offsets = [7], sizes = [1], strides = [1]} : vector<16xi32> to vector<1xi32>
        %squeeze3A_1910 = vector.extract %slice3A_1909[0] : i32 from vector<1xi32>
        %multiple_of3A_1911 = tpu.assume_multiple %squeeze3A_1910, 8 : i32
        %dma_start3A_1912 = arith.constant 56 : i32
        %dma_start3A_1913 = arith.constant 0 : i32
        %dma_start3A_1914 = tpu.memref_slice %arg10[%dma_start3A_1912, %dma_start3A_1913] : memref<128x32xf32, #tpu.memory_space<vmem>> -> memref<8x32xf32, #tpu.memory_space<vmem>>
        %dma_start3A_1915 = arith.constant 0 : i32
        %dma_start3A_1916 = tpu.memref_slice %arg2[%multiple_of3A_1911, %dma_start3A_1915] : memref<1000000x32xf32, #tpu.memory_space<hbm>> -> memref<8x32xf32, #tpu.memory_space<hbm>>
        %dma_start3A_1917 = arith.constant 56 : i32
        %dma_start3A_1918 = arith.constant 0 : i32
        %dma_start3A_1919 = tpu.memref_slice %arg10[%dma_start3A_1917, %dma_start3A_1918] : memref<128x32xf32, #tpu.memory_space<vmem>> -> memref<8x32xf32, #tpu.memory_space<vmem>>
        %dma_start3A_1920 = arith.constant 0 : i32
        %dma_start3A_1921 = tpu.memref_slice %arg2[%multiple_of3A_1911, %dma_start3A_1920] : memref<1000000x32xf32, #tpu.memory_space<hbm>> -> memref<8x32xf32, #tpu.memory_space<hbm>>
        tpu.enqueue_dma source(%dma_start3A_1921 : memref<8x32xf32, #tpu.memory_space<hbm>>) target(%dma_start3A_1919 : memref<8x32xf32, #tpu.memory_space<vmem>>) target_semaphore(%arg15 : memref<!tpu.dma_semaphore, #tpu.memory_space<semaphore_mem>>)
        %slice3A_1922 = vector.extract_strided_slice %mul3A_1707 {offsets = [8], sizes = [1], strides = [1]} : vector<16xi32> to vector<1xi32>
        %squeeze3A_1923 = vector.extract %slice3A_1922[0] : i32 from vector<1xi32>
        %multiple_of3A_1924 = tpu.assume_multiple %squeeze3A_1923, 8 : i32
        %dma_start3A_1925 = arith.constant 64 : i32
        %dma_start3A_1926 = arith.constant 0 : i32
        %dma_start3A_1927 = tpu.memref_slice %arg9[%dma_start3A_1925, %dma_start3A_1926] : memref<128x32xf32, #tpu.memory_space<vmem>> -> memref<8x32xf32, #tpu.memory_space<vmem>>
        %dma_start3A_1928 = arith.constant 0 : i32
        %dma_start3A_1929 = tpu.memref_slice %arg2[%multiple_of3A_1924, %dma_start3A_1928] : memref<1000000x32xf32, #tpu.memory_space<hbm>> -> memref<8x32xf32, #tpu.memory_space<hbm>>
        %dma_start3A_1930 = arith.constant 64 : i32
        %dma_start3A_1931 = arith.constant 0 : i32
        %dma_start3A_1932 = tpu.memref_slice %arg9[%dma_start3A_1930, %dma_start3A_1931] : memref<128x32xf32, #tpu.memory_space<vmem>> -> memref<8x32xf32, #tpu.memory_space<vmem>>
        %dma_start3A_1933 = arith.constant 0 : i32
        %dma_start3A_1934 = tpu.memref_slice %arg2[%multiple_of3A_1924, %dma_start3A_1933] : memref<1000000x32xf32, #tpu.memory_space<hbm>> -> memref<8x32xf32, #tpu.memory_space<hbm>>
        tpu.enqueue_dma source(%dma_start3A_1934 : memref<8x32xf32, #tpu.memory_space<hbm>>) target(%dma_start3A_1932 : memref<8x32xf32, #tpu.memory_space<vmem>>) target_semaphore(%arg15 : memref<!tpu.dma_semaphore, #tpu.memory_space<semaphore_mem>>)
        %slice3A_1935 = vector.extract_strided_slice %mul3A_1713 {offsets = [8], sizes = [1], strides = [1]} : vector<16xi32> to vector<1xi32>
        %squeeze3A_1936 = vector.extract %slice3A_1935[0] : i32 from vector<1xi32>
        %multiple_of3A_1937 = tpu.assume_multiple %squeeze3A_1936, 8 : i32
        %dma_start3A_1938 = arith.constant 64 : i32
        %dma_start3A_1939 = arith.constant 0 : i32
        %dma_start3A_1940 = tpu.memref_slice %arg10[%dma_start3A_1938, %dma_start3A_1939] : memref<128x32xf32, #tpu.memory_space<vmem>> -> memref<8x32xf32, #tpu.memory_space<vmem>>
        %dma_start3A_1941 = arith.constant 0 : i32
        %dma_start3A_1942 = tpu.memref_slice %arg2[%multiple_of3A_1937, %dma_start3A_1941] : memref<1000000x32xf32, #tpu.memory_space<hbm>> -> memref<8x32xf32, #tpu.memory_space<hbm>>
        %dma_start3A_1943 = arith.constant 64 : i32
        %dma_start3A_1944 = arith.constant 0 : i32
        %dma_start3A_1945 = tpu.memref_slice %arg10[%dma_start3A_1943, %dma_start3A_1944] : memref<128x32xf32, #tpu.memory_space<vmem>> -> memref<8x32xf32, #tpu.memory_space<vmem>>
        %dma_start3A_1946 = arith.constant 0 : i32
        %dma_start3A_1947 = tpu.memref_slice %arg2[%multiple_of3A_1937, %dma_start3A_1946] : memref<1000000x32xf32, #tpu.memory_space<hbm>> -> memref<8x32xf32, #tpu.memory_space<hbm>>
        tpu.enqueue_dma source(%dma_start3A_1947 : memref<8x32xf32, #tpu.memory_space<hbm>>) target(%dma_start3A_1945 : memref<8x32xf32, #tpu.memory_space<vmem>>) target_semaphore(%arg15 : memref<!tpu.dma_semaphore, #tpu.memory_space<semaphore_mem>>)
        %slice3A_1948 = vector.extract_strided_slice %mul3A_1707 {offsets = [9], sizes = [1], strides = [1]} : vector<16xi32> to vector<1xi32>
        %squeeze3A_1949 = vector.extract %slice3A_1948[0] : i32 from vector<1xi32>
        %multiple_of3A_1950 = tpu.assume_multiple %squeeze3A_1949, 8 : i32
        %dma_start3A_1951 = arith.constant 72 : i32
        %dma_start3A_1952 = arith.constant 0 : i32
        %dma_start3A_1953 = tpu.memref_slice %arg9[%dma_start3A_1951, %dma_start3A_1952] : memref<128x32xf32, #tpu.memory_space<vmem>> -> memref<8x32xf32, #tpu.memory_space<vmem>>
        %dma_start3A_1954 = arith.constant 0 : i32
        %dma_start3A_1955 = tpu.memref_slice %arg2[%multiple_of3A_1950, %dma_start3A_1954] : memref<1000000x32xf32, #tpu.memory_space<hbm>> -> memref<8x32xf32, #tpu.memory_space<hbm>>
        %dma_start3A_1956 = arith.constant 72 : i32
        %dma_start3A_1957 = arith.constant 0 : i32
        %dma_start3A_1958 = tpu.memref_slice %arg9[%dma_start3A_1956, %dma_start3A_1957] : memref<128x32xf32, #tpu.memory_space<vmem>> -> memref<8x32xf32, #tpu.memory_space<vmem>>
        %dma_start3A_1959 = arith.constant 0 : i32
        %dma_start3A_1960 = tpu.memref_slice %arg2[%multiple_of3A_1950, %dma_start3A_1959] : memref<1000000x32xf32, #tpu.memory_space<hbm>> -> memref<8x32xf32, #tpu.memory_space<hbm>>
        tpu.enqueue_dma source(%dma_start3A_1960 : memref<8x32xf32, #tpu.memory_space<hbm>>) target(%dma_start3A_1958 : memref<8x32xf32, #tpu.memory_space<vmem>>) target_semaphore(%arg15 : memref<!tpu.dma_semaphore, #tpu.memory_space<semaphore_mem>>)
        %slice3A_1961 = vector.extract_strided_slice %mul3A_1713 {offsets = [9], sizes = [1], strides = [1]} : vector<16xi32> to vector<1xi32>
        %squeeze3A_1962 = vector.extract %slice3A_1961[0] : i32 from vector<1xi32>
        %multiple_of3A_1963 = tpu.assume_multiple %squeeze3A_1962, 8 : i32
        %dma_start3A_1964 = arith.constant 72 : i32
        %dma_start3A_1965 = arith.constant 0 : i32
        %dma_start3A_1966 = tpu.memref_slice %arg10[%dma_start3A_1964, %dma_start3A_1965] : memref<128x32xf32, #tpu.memory_space<vmem>> -> memref<8x32xf32, #tpu.memory_space<vmem>>
        %dma_start3A_1967 = arith.constant 0 : i32
        %dma_start3A_1968 = tpu.memref_slice %arg2[%multiple_of3A_1963, %dma_start3A_1967] : memref<1000000x32xf32, #tpu.memory_space<hbm>> -> memref<8x32xf32, #tpu.memory_space<hbm>>
        %dma_start3A_1969 = arith.constant 72 : i32
        %dma_start3A_1970 = arith.constant 0 : i32
        %dma_start3A_1971 = tpu.memref_slice %arg10[%dma_start3A_1969, %dma_start3A_1970] : memref<128x32xf32, #tpu.memory_space<vmem>> -> memref<8x32xf32, #tpu.memory_space<vmem>>
        %dma_start3A_1972 = arith.constant 0 : i32
        %dma_start3A_1973 = tpu.memref_slice %arg2[%multiple_of3A_1963, %dma_start3A_1972] : memref<1000000x32xf32, #tpu.memory_space<hbm>> -> memref<8x32xf32, #tpu.memory_space<hbm>>
        tpu.enqueue_dma source(%dma_start3A_1973 : memref<8x32xf32, #tpu.memory_space<hbm>>) target(%dma_start3A_1971 : memref<8x32xf32, #tpu.memory_space<vmem>>) target_semaphore(%arg15 : memref<!tpu.dma_semaphore, #tpu.memory_space<semaphore_mem>>)
        %slice3A_1974 = vector.extract_strided_slice %mul3A_1707 {offsets = [10], sizes = [1], strides = [1]} : vector<16xi32> to vector<1xi32>
        %squeeze3A_1975 = vector.extract %slice3A_1974[0] : i32 from vector<1xi32>
        %multiple_of3A_1976 = tpu.assume_multiple %squeeze3A_1975, 8 : i32
        %dma_start3A_1977 = arith.constant 80 : i32
        %dma_start3A_1978 = arith.constant 0 : i32
        %dma_start3A_1979 = tpu.memref_slice %arg9[%dma_start3A_1977, %dma_start3A_1978] : memref<128x32xf32, #tpu.memory_space<vmem>> -> memref<8x32xf32, #tpu.memory_space<vmem>>
        %dma_start3A_1980 = arith.constant 0 : i32
        %dma_start3A_1981 = tpu.memref_slice %arg2[%multiple_of3A_1976, %dma_start3A_1980] : memref<1000000x32xf32, #tpu.memory_space<hbm>> -> memref<8x32xf32, #tpu.memory_space<hbm>>
        %dma_start3A_1982 = arith.constant 80 : i32
        %dma_start3A_1983 = arith.constant 0 : i32
        %dma_start3A_1984 = tpu.memref_slice %arg9[%dma_start3A_1982, %dma_start3A_1983] : memref<128x32xf32, #tpu.memory_space<vmem>> -> memref<8x32xf32, #tpu.memory_space<vmem>>
        %dma_start3A_1985 = arith.constant 0 : i32
        %dma_start3A_1986 = tpu.memref_slice %arg2[%multiple_of3A_1976, %dma_start3A_1985] : memref<1000000x32xf32, #tpu.memory_space<hbm>> -> memref<8x32xf32, #tpu.memory_space<hbm>>
        tpu.enqueue_dma source(%dma_start3A_1986 : memref<8x32xf32, #tpu.memory_space<hbm>>) target(%dma_start3A_1984 : memref<8x32xf32, #tpu.memory_space<vmem>>) target_semaphore(%arg15 : memref<!tpu.dma_semaphore, #tpu.memory_space<semaphore_mem>>)
        %slice3A_1987 = vector.extract_strided_slice %mul3A_1713 {offsets = [10], sizes = [1], strides = [1]} : vector<16xi32> to vector<1xi32>
        %squeeze3A_1988 = vector.extract %slice3A_1987[0] : i32 from vector<1xi32>
        %multiple_of3A_1989 = tpu.assume_multiple %squeeze3A_1988, 8 : i32
        %dma_start3A_1990 = arith.constant 80 : i32
        %dma_start3A_1991 = arith.constant 0 : i32
        %dma_start3A_1992 = tpu.memref_slice %arg10[%dma_start3A_1990, %dma_start3A_1991] : memref<128x32xf32, #tpu.memory_space<vmem>> -> memref<8x32xf32, #tpu.memory_space<vmem>>
        %dma_start3A_1993 = arith.constant 0 : i32
        %dma_start3A_1994 = tpu.memref_slice %arg2[%multiple_of3A_1989, %dma_start3A_1993] : memref<1000000x32xf32, #tpu.memory_space<hbm>> -> memref<8x32xf32, #tpu.memory_space<hbm>>
        %dma_start3A_1995 = arith.constant 80 : i32
        %dma_start3A_1996 = arith.constant 0 : i32
        %dma_start3A_1997 = tpu.memref_slice %arg10[%dma_start3A_1995, %dma_start3A_1996] : memref<128x32xf32, #tpu.memory_space<vmem>> -> memref<8x32xf32, #tpu.memory_space<vmem>>
        %dma_start3A_1998 = arith.constant 0 : i32
        %dma_start3A_1999 = tpu.memref_slice %arg2[%multiple_of3A_1989, %dma_start3A_1998] : memref<1000000x32xf32, #tpu.memory_space<hbm>> -> memref<8x32xf32, #tpu.memory_space<hbm>>
        tpu.enqueue_dma source(%dma_start3A_1999 : memref<8x32xf32, #tpu.memory_space<hbm>>) target(%dma_start3A_1997 : memref<8x32xf32, #tpu.memory_space<vmem>>) target_semaphore(%arg15 : memref<!tpu.dma_semaphore, #tpu.memory_space<semaphore_mem>>)
        %slice3A_2000 = vector.extract_strided_slice %mul3A_1707 {offsets = [11], sizes = [1], strides = [1]} : vector<16xi32> to vector<1xi32>
        %squeeze3A_2001 = vector.extract %slice3A_2000[0] : i32 from vector<1xi32>
        %multiple_of3A_2002 = tpu.assume_multiple %squeeze3A_2001, 8 : i32
        %dma_start3A_2003 = arith.constant 88 : i32
        %dma_start3A_2004 = arith.constant 0 : i32
        %dma_start3A_2005 = tpu.memref_slice %arg9[%dma_start3A_2003, %dma_start3A_2004] : memref<128x32xf32, #tpu.memory_space<vmem>> -> memref<8x32xf32, #tpu.memory_space<vmem>>
        %dma_start3A_2006 = arith.constant 0 : i32
        %dma_start3A_2007 = tpu.memref_slice %arg2[%multiple_of3A_2002, %dma_start3A_2006] : memref<1000000x32xf32, #tpu.memory_space<hbm>> -> memref<8x32xf32, #tpu.memory_space<hbm>>
        %dma_start3A_2008 = arith.constant 88 : i32
        %dma_start3A_2009 = arith.constant 0 : i32
        %dma_start3A_2010 = tpu.memref_slice %arg9[%dma_start3A_2008, %dma_start3A_2009] : memref<128x32xf32, #tpu.memory_space<vmem>> -> memref<8x32xf32, #tpu.memory_space<vmem>>
        %dma_start3A_2011 = arith.constant 0 : i32
        %dma_start3A_2012 = tpu.memref_slice %arg2[%multiple_of3A_2002, %dma_start3A_2011] : memref<1000000x32xf32, #tpu.memory_space<hbm>> -> memref<8x32xf32, #tpu.memory_space<hbm>>
        tpu.enqueue_dma source(%dma_start3A_2012 : memref<8x32xf32, #tpu.memory_space<hbm>>) target(%dma_start3A_2010 : memref<8x32xf32, #tpu.memory_space<vmem>>) target_semaphore(%arg15 : memref<!tpu.dma_semaphore, #tpu.memory_space<semaphore_mem>>)
        %slice3A_2013 = vector.extract_strided_slice %mul3A_1713 {offsets = [11], sizes = [1], strides = [1]} : vector<16xi32> to vector<1xi32>
        %squeeze3A_2014 = vector.extract %slice3A_2013[0] : i32 from vector<1xi32>
        %multiple_of3A_2015 = tpu.assume_multiple %squeeze3A_2014, 8 : i32
        %dma_start3A_2016 = arith.constant 88 : i32
        %dma_start3A_2017 = arith.constant 0 : i32
        %dma_start3A_2018 = tpu.memref_slice %arg10[%dma_start3A_2016, %dma_start3A_2017] : memref<128x32xf32, #tpu.memory_space<vmem>> -> memref<8x32xf32, #tpu.memory_space<vmem>>
        %dma_start3A_2019 = arith.constant 0 : i32
        %dma_start3A_2020 = tpu.memref_slice %arg2[%multiple_of3A_2015, %dma_start3A_2019] : memref<1000000x32xf32, #tpu.memory_space<hbm>> -> memref<8x32xf32, #tpu.memory_space<hbm>>
        %dma_start3A_2021 = arith.constant 88 : i32
        %dma_start3A_2022 = arith.constant 0 : i32
        %dma_start3A_2023 = tpu.memref_slice %arg10[%dma_start3A_2021, %dma_start3A_2022] : memref<128x32xf32, #tpu.memory_space<vmem>> -> memref<8x32xf32, #tpu.memory_space<vmem>>
        %dma_start3A_2024 = arith.constant 0 : i32
        %dma_start3A_2025 = tpu.memref_slice %arg2[%multiple_of3A_2015, %dma_start3A_2024] : memref<1000000x32xf32, #tpu.memory_space<hbm>> -> memref<8x32xf32, #tpu.memory_space<hbm>>
        tpu.enqueue_dma source(%dma_start3A_2025 : memref<8x32xf32, #tpu.memory_space<hbm>>) target(%dma_start3A_2023 : memref<8x32xf32, #tpu.memory_space<vmem>>) target_semaphore(%arg15 : memref<!tpu.dma_semaphore, #tpu.memory_space<semaphore_mem>>)
        %slice3A_2026 = vector.extract_strided_slice %mul3A_1707 {offsets = [12], sizes = [1], strides = [1]} : vector<16xi32> to vector<1xi32>
        %squeeze3A_2027 = vector.extract %slice3A_2026[0] : i32 from vector<1xi32>
        %multiple_of3A_2028 = tpu.assume_multiple %squeeze3A_2027, 8 : i32
        %dma_start3A_2029 = arith.constant 96 : i32
        %dma_start3A_2030 = arith.constant 0 : i32
        %dma_start3A_2031 = tpu.memref_slice %arg9[%dma_start3A_2029, %dma_start3A_2030] : memref<128x32xf32, #tpu.memory_space<vmem>> -> memref<8x32xf32, #tpu.memory_space<vmem>>
        %dma_start3A_2032 = arith.constant 0 : i32
        %dma_start3A_2033 = tpu.memref_slice %arg2[%multiple_of3A_2028, %dma_start3A_2032] : memref<1000000x32xf32, #tpu.memory_space<hbm>> -> memref<8x32xf32, #tpu.memory_space<hbm>>
        %dma_start3A_2034 = arith.constant 96 : i32
        %dma_start3A_2035 = arith.constant 0 : i32
        %dma_start3A_2036 = tpu.memref_slice %arg9[%dma_start3A_2034, %dma_start3A_2035] : memref<128x32xf32, #tpu.memory_space<vmem>> -> memref<8x32xf32, #tpu.memory_space<vmem>>
        %dma_start3A_2037 = arith.constant 0 : i32
        %dma_start3A_2038 = tpu.memref_slice %arg2[%multiple_of3A_2028, %dma_start3A_2037] : memref<1000000x32xf32, #tpu.memory_space<hbm>> -> memref<8x32xf32, #tpu.memory_space<hbm>>
        tpu.enqueue_dma source(%dma_start3A_2038 : memref<8x32xf32, #tpu.memory_space<hbm>>) target(%dma_start3A_2036 : memref<8x32xf32, #tpu.memory_space<vmem>>) target_semaphore(%arg15 : memref<!tpu.dma_semaphore, #tpu.memory_space<semaphore_mem>>)
        %slice3A_2039 = vector.extract_strided_slice %mul3A_1713 {offsets = [12], sizes = [1], strides = [1]} : vector<16xi32> to vector<1xi32>
        %squeeze3A_2040 = vector.extract %slice3A_2039[0] : i32 from vector<1xi32>
        %multiple_of3A_2041 = tpu.assume_multiple %squeeze3A_2040, 8 : i32
        %dma_start3A_2042 = arith.constant 96 : i32
        %dma_start3A_2043 = arith.constant 0 : i32
        %dma_start3A_2044 = tpu.memref_slice %arg10[%dma_start3A_2042, %dma_start3A_2043] : memref<128x32xf32, #tpu.memory_space<vmem>> -> memref<8x32xf32, #tpu.memory_space<vmem>>
        %dma_start3A_2045 = arith.constant 0 : i32
        %dma_start3A_2046 = tpu.memref_slice %arg2[%multiple_of3A_2041, %dma_start3A_2045] : memref<1000000x32xf32, #tpu.memory_space<hbm>> -> memref<8x32xf32, #tpu.memory_space<hbm>>
        %dma_start3A_2047 = arith.constant 96 : i32
        %dma_start3A_2048 = arith.constant 0 : i32
        %dma_start3A_2049 = tpu.memref_slice %arg10[%dma_start3A_2047, %dma_start3A_2048] : memref<128x32xf32, #tpu.memory_space<vmem>> -> memref<8x32xf32, #tpu.memory_space<vmem>>
        %dma_start3A_2050 = arith.constant 0 : i32
        %dma_start3A_2051 = tpu.memref_slice %arg2[%multiple_of3A_2041, %dma_start3A_2050] : memref<1000000x32xf32, #tpu.memory_space<hbm>> -> memref<8x32xf32, #tpu.memory_space<hbm>>
        tpu.enqueue_dma source(%dma_start3A_2051 : memref<8x32xf32, #tpu.memory_space<hbm>>) target(%dma_start3A_2049 : memref<8x32xf32, #tpu.memory_space<vmem>>) target_semaphore(%arg15 : memref<!tpu.dma_semaphore, #tpu.memory_space<semaphore_mem>>)
        %slice3A_2052 = vector.extract_strided_slice %mul3A_1707 {offsets = [13], sizes = [1], strides = [1]} : vector<16xi32> to vector<1xi32>
        %squeeze3A_2053 = vector.extract %slice3A_2052[0] : i32 from vector<1xi32>
        %multiple_of3A_2054 = tpu.assume_multiple %squeeze3A_2053, 8 : i32
        %dma_start3A_2055 = arith.constant 104 : i32
        %dma_start3A_2056 = arith.constant 0 : i32
        %dma_start3A_2057 = tpu.memref_slice %arg9[%dma_start3A_2055, %dma_start3A_2056] : memref<128x32xf32, #tpu.memory_space<vmem>> -> memref<8x32xf32, #tpu.memory_space<vmem>>
        %dma_start3A_2058 = arith.constant 0 : i32
        %dma_start3A_2059 = tpu.memref_slice %arg2[%multiple_of3A_2054, %dma_start3A_2058] : memref<1000000x32xf32, #tpu.memory_space<hbm>> -> memref<8x32xf32, #tpu.memory_space<hbm>>
        %dma_start3A_2060 = arith.constant 104 : i32
        %dma_start3A_2061 = arith.constant 0 : i32
        %dma_start3A_2062 = tpu.memref_slice %arg9[%dma_start3A_2060, %dma_start3A_2061] : memref<128x32xf32, #tpu.memory_space<vmem>> -> memref<8x32xf32, #tpu.memory_space<vmem>>
        %dma_start3A_2063 = arith.constant 0 : i32
        %dma_start3A_2064 = tpu.memref_slice %arg2[%multiple_of3A_2054, %dma_start3A_2063] : memref<1000000x32xf32, #tpu.memory_space<hbm>> -> memref<8x32xf32, #tpu.memory_space<hbm>>
        tpu.enqueue_dma source(%dma_start3A_2064 : memref<8x32xf32, #tpu.memory_space<hbm>>) target(%dma_start3A_2062 : memref<8x32xf32, #tpu.memory_space<vmem>>) target_semaphore(%arg15 : memref<!tpu.dma_semaphore, #tpu.memory_space<semaphore_mem>>)
        %slice3A_2065 = vector.extract_strided_slice %mul3A_1713 {offsets = [13], sizes = [1], strides = [1]} : vector<16xi32> to vector<1xi32>
        %squeeze3A_2066 = vector.extract %slice3A_2065[0] : i32 from vector<1xi32>
        %multiple_of3A_2067 = tpu.assume_multiple %squeeze3A_2066, 8 : i32
        %dma_start3A_2068 = arith.constant 104 : i32
        %dma_start3A_2069 = arith.constant 0 : i32
        %dma_start3A_2070 = tpu.memref_slice %arg10[%dma_start3A_2068, %dma_start3A_2069] : memref<128x32xf32, #tpu.memory_space<vmem>> -> memref<8x32xf32, #tpu.memory_space<vmem>>
        %dma_start3A_2071 = arith.constant 0 : i32
        %dma_start3A_2072 = tpu.memref_slice %arg2[%multiple_of3A_2067, %dma_start3A_2071] : memref<1000000x32xf32, #tpu.memory_space<hbm>> -> memref<8x32xf32, #tpu.memory_space<hbm>>
        %dma_start3A_2073 = arith.constant 104 : i32
        %dma_start3A_2074 = arith.constant 0 : i32
        %dma_start3A_2075 = tpu.memref_slice %arg10[%dma_start3A_2073, %dma_start3A_2074] : memref<128x32xf32, #tpu.memory_space<vmem>> -> memref<8x32xf32, #tpu.memory_space<vmem>>
        %dma_start3A_2076 = arith.constant 0 : i32
        %dma_start3A_2077 = tpu.memref_slice %arg2[%multiple_of3A_2067, %dma_start3A_2076] : memref<1000000x32xf32, #tpu.memory_space<hbm>> -> memref<8x32xf32, #tpu.memory_space<hbm>>
        tpu.enqueue_dma source(%dma_start3A_2077 : memref<8x32xf32, #tpu.memory_space<hbm>>) target(%dma_start3A_2075 : memref<8x32xf32, #tpu.memory_space<vmem>>) target_semaphore(%arg15 : memref<!tpu.dma_semaphore, #tpu.memory_space<semaphore_mem>>)
        %slice3A_2078 = vector.extract_strided_slice %mul3A_1707 {offsets = [14], sizes = [1], strides = [1]} : vector<16xi32> to vector<1xi32>
        %squeeze3A_2079 = vector.extract %slice3A_2078[0] : i32 from vector<1xi32>
        %multiple_of3A_2080 = tpu.assume_multiple %squeeze3A_2079, 8 : i32
        %dma_start3A_2081 = arith.constant 112 : i32
        %dma_start3A_2082 = arith.constant 0 : i32
        %dma_start3A_2083 = tpu.memref_slice %arg9[%dma_start3A_2081, %dma_start3A_2082] : memref<128x32xf32, #tpu.memory_space<vmem>> -> memref<8x32xf32, #tpu.memory_space<vmem>>
        %dma_start3A_2084 = arith.constant 0 : i32
        %dma_start3A_2085 = tpu.memref_slice %arg2[%multiple_of3A_2080, %dma_start3A_2084] : memref<1000000x32xf32, #tpu.memory_space<hbm>> -> memref<8x32xf32, #tpu.memory_space<hbm>>
        %dma_start3A_2086 = arith.constant 112 : i32
        %dma_start3A_2087 = arith.constant 0 : i32
        %dma_start3A_2088 = tpu.memref_slice %arg9[%dma_start3A_2086, %dma_start3A_2087] : memref<128x32xf32, #tpu.memory_space<vmem>> -> memref<8x32xf32, #tpu.memory_space<vmem>>
        %dma_start3A_2089 = arith.constant 0 : i32
        %dma_start3A_2090 = tpu.memref_slice %arg2[%multiple_of3A_2080, %dma_start3A_2089] : memref<1000000x32xf32, #tpu.memory_space<hbm>> -> memref<8x32xf32, #tpu.memory_space<hbm>>
        tpu.enqueue_dma source(%dma_start3A_2090 : memref<8x32xf32, #tpu.memory_space<hbm>>) target(%dma_start3A_2088 : memref<8x32xf32, #tpu.memory_space<vmem>>) target_semaphore(%arg15 : memref<!tpu.dma_semaphore, #tpu.memory_space<semaphore_mem>>)
        %slice3A_2091 = vector.extract_strided_slice %mul3A_1713 {offsets = [14], sizes = [1], strides = [1]} : vector<16xi32> to vector<1xi32>
        %squeeze3A_2092 = vector.extract %slice3A_2091[0] : i32 from vector<1xi32>
        %multiple_of3A_2093 = tpu.assume_multiple %squeeze3A_2092, 8 : i32
        %dma_start3A_2094 = arith.constant 112 : i32
        %dma_start3A_2095 = arith.constant 0 : i32
        %dma_start3A_2096 = tpu.memref_slice %arg10[%dma_start3A_2094, %dma_start3A_2095] : memref<128x32xf32, #tpu.memory_space<vmem>> -> memref<8x32xf32, #tpu.memory_space<vmem>>
        %dma_start3A_2097 = arith.constant 0 : i32
        %dma_start3A_2098 = tpu.memref_slice %arg2[%multiple_of3A_2093, %dma_start3A_2097] : memref<1000000x32xf32, #tpu.memory_space<hbm>> -> memref<8x32xf32, #tpu.memory_space<hbm>>
        %dma_start3A_2099 = arith.constant 112 : i32
        %dma_start3A_2100 = arith.constant 0 : i32
        %dma_start3A_2101 = tpu.memref_slice %arg10[%dma_start3A_2099, %dma_start3A_2100] : memref<128x32xf32, #tpu.memory_space<vmem>> -> memref<8x32xf32, #tpu.memory_space<vmem>>
        %dma_start3A_2102 = arith.constant 0 : i32
        %dma_start3A_2103 = tpu.memref_slice %arg2[%multiple_of3A_2093, %dma_start3A_2102] : memref<1000000x32xf32, #tpu.memory_space<hbm>> -> memref<8x32xf32, #tpu.memory_space<hbm>>
        tpu.enqueue_dma source(%dma_start3A_2103 : memref<8x32xf32, #tpu.memory_space<hbm>>) target(%dma_start3A_2101 : memref<8x32xf32, #tpu.memory_space<vmem>>) target_semaphore(%arg15 : memref<!tpu.dma_semaphore, #tpu.memory_space<semaphore_mem>>)
        %slice3A_2104 = vector.extract_strided_slice %mul3A_1707 {offsets = [15], sizes = [1], strides = [1]} : vector<16xi32> to vector<1xi32>
        %squeeze3A_2105 = vector.extract %slice3A_2104[0] : i32 from vector<1xi32>
        %multiple_of3A_2106 = tpu.assume_multiple %squeeze3A_2105, 8 : i32
        %dma_start3A_2107 = arith.constant 120 : i32
        %dma_start3A_2108 = arith.constant 0 : i32
        %dma_start3A_2109 = tpu.memref_slice %arg9[%dma_start3A_2107, %dma_start3A_2108] : memref<128x32xf32, #tpu.memory_space<vmem>> -> memref<8x32xf32, #tpu.memory_space<vmem>>
        %dma_start3A_2110 = arith.constant 0 : i32
        %dma_start3A_2111 = tpu.memref_slice %arg2[%multiple_of3A_2106, %dma_start3A_2110] : memref<1000000x32xf32, #tpu.memory_space<hbm>> -> memref<8x32xf32, #tpu.memory_space<hbm>>
        %dma_start3A_2112 = arith.constant 120 : i32
        %dma_start3A_2113 = arith.constant 0 : i32
        %dma_start3A_2114 = tpu.memref_slice %arg9[%dma_start3A_2112, %dma_start3A_2113] : memref<128x32xf32, #tpu.memory_space<vmem>> -> memref<8x32xf32, #tpu.memory_space<vmem>>
        %dma_start3A_2115 = arith.constant 0 : i32
        %dma_start3A_2116 = tpu.memref_slice %arg2[%multiple_of3A_2106, %dma_start3A_2115] : memref<1000000x32xf32, #tpu.memory_space<hbm>> -> memref<8x32xf32, #tpu.memory_space<hbm>>
        tpu.enqueue_dma source(%dma_start3A_2116 : memref<8x32xf32, #tpu.memory_space<hbm>>) target(%dma_start3A_2114 : memref<8x32xf32, #tpu.memory_space<vmem>>) target_semaphore(%arg15 : memref<!tpu.dma_semaphore, #tpu.memory_space<semaphore_mem>>)
        %slice3A_2117 = vector.extract_strided_slice %mul3A_1713 {offsets = [15], sizes = [1], strides = [1]} : vector<16xi32> to vector<1xi32>
        %squeeze3A_2118 = vector.extract %slice3A_2117[0] : i32 from vector<1xi32>
        %multiple_of3A_2119 = tpu.assume_multiple %squeeze3A_2118, 8 : i32
        %dma_start3A_2120 = arith.constant 120 : i32
        %dma_start3A_2121 = arith.constant 0 : i32
        %dma_start3A_2122 = tpu.memref_slice %arg10[%dma_start3A_2120, %dma_start3A_2121] : memref<128x32xf32, #tpu.memory_space<vmem>> -> memref<8x32xf32, #tpu.memory_space<vmem>>
        %dma_start3A_2123 = arith.constant 0 : i32
        %dma_start3A_2124 = tpu.memref_slice %arg2[%multiple_of3A_2119, %dma_start3A_2123] : memref<1000000x32xf32, #tpu.memory_space<hbm>> -> memref<8x32xf32, #tpu.memory_space<hbm>>
        %dma_start3A_2125 = arith.constant 120 : i32
        %dma_start3A_2126 = arith.constant 0 : i32
        %dma_start3A_2127 = tpu.memref_slice %arg10[%dma_start3A_2125, %dma_start3A_2126] : memref<128x32xf32, #tpu.memory_space<vmem>> -> memref<8x32xf32, #tpu.memory_space<vmem>>
        %dma_start3A_2128 = arith.constant 0 : i32
        %dma_start3A_2129 = tpu.memref_slice %arg2[%multiple_of3A_2119, %dma_start3A_2128] : memref<1000000x32xf32, #tpu.memory_space<hbm>> -> memref<8x32xf32, #tpu.memory_space<hbm>>
        tpu.enqueue_dma source(%dma_start3A_2129 : memref<8x32xf32, #tpu.memory_space<hbm>>) target(%dma_start3A_2127 : memref<8x32xf32, #tpu.memory_space<vmem>>) target_semaphore(%arg15 : memref<!tpu.dma_semaphore, #tpu.memory_space<semaphore_mem>>)
      } else {
      }
      %dma_wait3A_1279 = arith.constant 0 : i32
      %dma_wait3A_1280 = arith.constant 0 : i32
      %dma_wait3A_1281 = tpu.memref_slice %arg2[%dma_wait3A_1279, %dma_wait3A_1280] : memref<1000000x32xf32, #tpu.memory_space<hbm>> -> memref<128x32xf32, #tpu.memory_space<hbm>>
      %dma_wait3A_1282 = arith.constant 0 : i32
      %dma_wait3A_1283 = arith.constant 0 : i32
      %dma_wait3A_1284 = tpu.memref_slice %arg2[%dma_wait3A_1282, %dma_wait3A_1283] : memref<1000000x32xf32, #tpu.memory_space<hbm>> -> memref<128x32xf32, #tpu.memory_space<hbm>>
      tpu.wait_dma2 semaphore(%arg16 : memref<!tpu.dma_semaphore, #tpu.memory_space<semaphore_mem>>) src(%dma_wait3A_1284 : memref<128x32xf32, #tpu.memory_space<hbm>>) dst(%arg11 : memref<128x32xf32, #tpu.memory_space<vmem>>)
      %dma_wait3A_1285 = arith.constant 0 : i32
      %dma_wait3A_1286 = arith.constant 0 : i32
      %dma_wait3A_1287 = tpu.memref_slice %arg2[%dma_wait3A_1285, %dma_wait3A_1286] : memref<1000000x32xf32, #tpu.memory_space<hbm>> -> memref<128x32xf32, #tpu.memory_space<hbm>>
      %dma_wait3A_1288 = arith.constant 0 : i32
      %dma_wait3A_1289 = arith.constant 0 : i32
      %dma_wait3A_1290 = tpu.memref_slice %arg2[%dma_wait3A_1288, %dma_wait3A_1289] : memref<1000000x32xf32, #tpu.memory_space<hbm>> -> memref<128x32xf32, #tpu.memory_space<hbm>>
      tpu.wait_dma2 semaphore(%arg16 : memref<!tpu.dma_semaphore, #tpu.memory_space<semaphore_mem>>) src(%dma_wait3A_1290 : memref<128x32xf32, #tpu.memory_space<hbm>>) dst(%arg12 : memref<128x32xf32, #tpu.memory_space<vmem>>)
      %mul3A_1291 = arith.constant 2 : i32
      %mul3A_1292 = arith.muli %mul3A_1291, %scan3A_434 : i32
      %add3A_1293 = arith.constant 1 : i32
      %add3A_1294 = arith.addi %mul3A_1292, %add3A_1293 : i32
      %mul3A_1295 = arith.constant 16 : i32
      %mul3A_1296 = arith.muli %add3A_1294, %mul3A_1295 : i32
      %get3A_1297 = arith.index_cast %mul3A_1296 : i32 to index
      %get3A_1298 = tpu.vector_load %arg7[%get3A_1297] {strides = array<i32>} : memref<512xi32, #tpu.memory_space<vmem>>, vector<16xi32>,
      %get3A_1299 = arith.index_cast %mul3A_1296 : i32 to index
      %get3A_1300 = tpu.vector_load %arg8[%get3A_1299] {strides = array<i32>} : memref<512xi32, #tpu.memory_space<vmem>>, vector<16xi32>,
      %mul3A_1301 = arith.constant 8 : i32
      %mul3A_1302 = vector.broadcast %mul3A_1301 : i32 to vector<16xi32>
      %mul3A_1303 = arith.muli %iota3A, %mul3A_1302 : vector<16xi32>
      %and3A_1304 = arith.constant 7 : i32
      %and3A_1305 = vector.broadcast %and3A_1304 : i32 to vector<16xi32>
      %and3A_1306 = arith.andi %get3A_1298, %and3A_1305 : vector<16xi32>
      %add3A_1307 = arith.addi %mul3A_1303, %and3A_1306 : vector<16xi32>
      %mul3A_1308 = arith.constant 8 : i32
      %mul3A_1309 = vector.broadcast %mul3A_1308 : i32 to vector<16xi32>
      %mul3A_1310 = arith.muli %iota3A, %mul3A_1309 : vector<16xi32>
      %and3A_1311 = arith.constant 7 : i32
      %and3A_1312 = vector.broadcast %and3A_1311 : i32 to vector<16xi32>
      %and3A_1313 = arith.andi %get3A_1300, %and3A_1312 : vector<16xi32>
      %add3A_1314 = arith.addi %mul3A_1310, %and3A_1313 : vector<16xi32>
      %broadcast_in_dim3A_1315 = arith.constant 0.000000e+00 : f32
      %broadcast_in_dim3A_1316 = vector.broadcast %broadcast_in_dim3A_1315 : f32 to vector<16xf32>
      %broadcast_in_dim3A_1317 = arith.constant 0.000000e+00 : f32
      %broadcast_in_dim3A_1318 = vector.broadcast %broadcast_in_dim3A_1317 : f32 to vector<16xf32>
      %broadcast_in_dim3A_1319 = arith.constant 0.000000e+00 : f32
      %broadcast_in_dim3A_1320 = vector.broadcast %broadcast_in_dim3A_1319 : f32 to vector<16xf32>
      %broadcast_in_dim3A_1321 = arith.constant 0 : i32
      %broadcast_in_dim3A_1322 = vector.broadcast %broadcast_in_dim3A_1321 : i32 to vector<16xi32>
      %gather3A_1323 = tpu.vector_load_idx %arg11[%add3A_1307, %broadcast_in_dim3A_1322] : memref<128x32xf32, #tpu.memory_space<vmem>>[vector<16xi32>, vector<16xi32>], vector<16xf32>,
      %gather3A_1324 = tpu.vector_load_idx %arg12[%add3A_1314, %broadcast_in_dim3A_1322] : memref<128x32xf32, #tpu.memory_space<vmem>>[vector<16xi32>, vector<16xi32>], vector<16xf32>,
      %mul3A_1325 = arith.mulf %gather3A_1323, %gather3A_1323 : vector<16xf32>
      %add3A_1326 = arith.addf %broadcast_in_dim3A_1316, %mul3A_1325 : vector<16xf32>
      %mul3A_1327 = arith.mulf %gather3A_1324, %gather3A_1324 : vector<16xf32>
      %add3A_1328 = arith.addf %broadcast_in_dim3A_1318, %mul3A_1327 : vector<16xf32>
      %sub3A_1329 = arith.subf %gather3A_1323, %gather3A_1324 : vector<16xf32>
      %mul3A_1330 = arith.mulf %sub3A_1329, %sub3A_1329 : vector<16xf32>
      %add3A_1331 = arith.addf %broadcast_in_dim3A_1320, %mul3A_1330 : vector<16xf32>
      %broadcast_in_dim3A_1332 = arith.constant 1 : i32
      %broadcast_in_dim3A_1333 = vector.broadcast %broadcast_in_dim3A_1332 : i32 to vector<16xi32>
      %gather3A_1334 = tpu.vector_load_idx %arg11[%add3A_1307, %broadcast_in_dim3A_1333] : memref<128x32xf32, #tpu.memory_space<vmem>>[vector<16xi32>, vector<16xi32>], vector<16xf32>,
      %gather3A_1335 = tpu.vector_load_idx %arg12[%add3A_1314, %broadcast_in_dim3A_1333] : memref<128x32xf32, #tpu.memory_space<vmem>>[vector<16xi32>, vector<16xi32>], vector<16xf32>,
      %mul3A_1336 = arith.mulf %gather3A_1334, %gather3A_1334 : vector<16xf32>
      %add3A_1337 = arith.addf %add3A_1326, %mul3A_1336 : vector<16xf32>
      %mul3A_1338 = arith.mulf %gather3A_1335, %gather3A_1335 : vector<16xf32>
      %add3A_1339 = arith.addf %add3A_1328, %mul3A_1338 : vector<16xf32>
      %sub3A_1340 = arith.subf %gather3A_1334, %gather3A_1335 : vector<16xf32>
      %mul3A_1341 = arith.mulf %sub3A_1340, %sub3A_1340 : vector<16xf32>
      %add3A_1342 = arith.addf %add3A_1331, %mul3A_1341 : vector<16xf32>
      %broadcast_in_dim3A_1343 = arith.constant 2 : i32
      %broadcast_in_dim3A_1344 = vector.broadcast %broadcast_in_dim3A_1343 : i32 to vector<16xi32>
      %gather3A_1345 = tpu.vector_load_idx %arg11[%add3A_1307, %broadcast_in_dim3A_1344] : memref<128x32xf32, #tpu.memory_space<vmem>>[vector<16xi32>, vector<16xi32>], vector<16xf32>,
      %gather3A_1346 = tpu.vector_load_idx %arg12[%add3A_1314, %broadcast_in_dim3A_1344] : memref<128x32xf32, #tpu.memory_space<vmem>>[vector<16xi32>, vector<16xi32>], vector<16xf32>,
      %mul3A_1347 = arith.mulf %gather3A_1345, %gather3A_1345 : vector<16xf32>
      %add3A_1348 = arith.addf %add3A_1337, %mul3A_1347 : vector<16xf32>
      %mul3A_1349 = arith.mulf %gather3A_1346, %gather3A_1346 : vector<16xf32>
      %add3A_1350 = arith.addf %add3A_1339, %mul3A_1349 : vector<16xf32>
      %sub3A_1351 = arith.subf %gather3A_1345, %gather3A_1346 : vector<16xf32>
      %mul3A_1352 = arith.mulf %sub3A_1351, %sub3A_1351 : vector<16xf32>
      %add3A_1353 = arith.addf %add3A_1342, %mul3A_1352 : vector<16xf32>
      %broadcast_in_dim3A_1354 = arith.constant 3 : i32
      %broadcast_in_dim3A_1355 = vector.broadcast %broadcast_in_dim3A_1354 : i32 to vector<16xi32>
      %gather3A_1356 = tpu.vector_load_idx %arg11[%add3A_1307, %broadcast_in_dim3A_1355] : memref<128x32xf32, #tpu.memory_space<vmem>>[vector<16xi32>, vector<16xi32>], vector<16xf32>,
      %gather3A_1357 = tpu.vector_load_idx %arg12[%add3A_1314, %broadcast_in_dim3A_1355] : memref<128x32xf32, #tpu.memory_space<vmem>>[vector<16xi32>, vector<16xi32>], vector<16xf32>,
      %mul3A_1358 = arith.mulf %gather3A_1356, %gather3A_1356 : vector<16xf32>
      %add3A_1359 = arith.addf %add3A_1348, %mul3A_1358 : vector<16xf32>
      %mul3A_1360 = arith.mulf %gather3A_1357, %gather3A_1357 : vector<16xf32>
      %add3A_1361 = arith.addf %add3A_1350, %mul3A_1360 : vector<16xf32>
      %sub3A_1362 = arith.subf %gather3A_1356, %gather3A_1357 : vector<16xf32>
      %mul3A_1363 = arith.mulf %sub3A_1362, %sub3A_1362 : vector<16xf32>
      %add3A_1364 = arith.addf %add3A_1353, %mul3A_1363 : vector<16xf32>
      %broadcast_in_dim3A_1365 = arith.constant 4 : i32
      %broadcast_in_dim3A_1366 = vector.broadcast %broadcast_in_dim3A_1365 : i32 to vector<16xi32>
      %gather3A_1367 = tpu.vector_load_idx %arg11[%add3A_1307, %broadcast_in_dim3A_1366] : memref<128x32xf32, #tpu.memory_space<vmem>>[vector<16xi32>, vector<16xi32>], vector<16xf32>,
      %gather3A_1368 = tpu.vector_load_idx %arg12[%add3A_1314, %broadcast_in_dim3A_1366] : memref<128x32xf32, #tpu.memory_space<vmem>>[vector<16xi32>, vector<16xi32>], vector<16xf32>,
      %mul3A_1369 = arith.mulf %gather3A_1367, %gather3A_1367 : vector<16xf32>
      %add3A_1370 = arith.addf %add3A_1359, %mul3A_1369 : vector<16xf32>
      %mul3A_1371 = arith.mulf %gather3A_1368, %gather3A_1368 : vector<16xf32>
      %add3A_1372 = arith.addf %add3A_1361, %mul3A_1371 : vector<16xf32>
      %sub3A_1373 = arith.subf %gather3A_1367, %gather3A_1368 : vector<16xf32>
      %mul3A_1374 = arith.mulf %sub3A_1373, %sub3A_1373 : vector<16xf32>
      %add3A_1375 = arith.addf %add3A_1364, %mul3A_1374 : vector<16xf32>
      %broadcast_in_dim3A_1376 = arith.constant 5 : i32
      %broadcast_in_dim3A_1377 = vector.broadcast %broadcast_in_dim3A_1376 : i32 to vector<16xi32>
      %gather3A_1378 = tpu.vector_load_idx %arg11[%add3A_1307, %broadcast_in_dim3A_1377] : memref<128x32xf32, #tpu.memory_space<vmem>>[vector<16xi32>, vector<16xi32>], vector<16xf32>,
      %gather3A_1379 = tpu.vector_load_idx %arg12[%add3A_1314, %broadcast_in_dim3A_1377] : memref<128x32xf32, #tpu.memory_space<vmem>>[vector<16xi32>, vector<16xi32>], vector<16xf32>,
      %mul3A_1380 = arith.mulf %gather3A_1378, %gather3A_1378 : vector<16xf32>
      %add3A_1381 = arith.addf %add3A_1370, %mul3A_1380 : vector<16xf32>
      %mul3A_1382 = arith.mulf %gather3A_1379, %gather3A_1379 : vector<16xf32>
      %add3A_1383 = arith.addf %add3A_1372, %mul3A_1382 : vector<16xf32>
      %sub3A_1384 = arith.subf %gather3A_1378, %gather3A_1379 : vector<16xf32>
      %mul3A_1385 = arith.mulf %sub3A_1384, %sub3A_1384 : vector<16xf32>
      %add3A_1386 = arith.addf %add3A_1375, %mul3A_1385 : vector<16xf32>
      %broadcast_in_dim3A_1387 = arith.constant 6 : i32
      %broadcast_in_dim3A_1388 = vector.broadcast %broadcast_in_dim3A_1387 : i32 to vector<16xi32>
      %gather3A_1389 = tpu.vector_load_idx %arg11[%add3A_1307, %broadcast_in_dim3A_1388] : memref<128x32xf32, #tpu.memory_space<vmem>>[vector<16xi32>, vector<16xi32>], vector<16xf32>,
      %gather3A_1390 = tpu.vector_load_idx %arg12[%add3A_1314, %broadcast_in_dim3A_1388] : memref<128x32xf32, #tpu.memory_space<vmem>>[vector<16xi32>, vector<16xi32>], vector<16xf32>,
      %mul3A_1391 = arith.mulf %gather3A_1389, %gather3A_1389 : vector<16xf32>
      %add3A_1392 = arith.addf %add3A_1381, %mul3A_1391 : vector<16xf32>
      %mul3A_1393 = arith.mulf %gather3A_1390, %gather3A_1390 : vector<16xf32>
      %add3A_1394 = arith.addf %add3A_1383, %mul3A_1393 : vector<16xf32>
      %sub3A_1395 = arith.subf %gather3A_1389, %gather3A_1390 : vector<16xf32>
      %mul3A_1396 = arith.mulf %sub3A_1395, %sub3A_1395 : vector<16xf32>
      %add3A_1397 = arith.addf %add3A_1386, %mul3A_1396 : vector<16xf32>
      %broadcast_in_dim3A_1398 = arith.constant 7 : i32
      %broadcast_in_dim3A_1399 = vector.broadcast %broadcast_in_dim3A_1398 : i32 to vector<16xi32>
      %gather3A_1400 = tpu.vector_load_idx %arg11[%add3A_1307, %broadcast_in_dim3A_1399] : memref<128x32xf32, #tpu.memory_space<vmem>>[vector<16xi32>, vector<16xi32>], vector<16xf32>,
      %gather3A_1401 = tpu.vector_load_idx %arg12[%add3A_1314, %broadcast_in_dim3A_1399] : memref<128x32xf32, #tpu.memory_space<vmem>>[vector<16xi32>, vector<16xi32>], vector<16xf32>,
      %mul3A_1402 = arith.mulf %gather3A_1400, %gather3A_1400 : vector<16xf32>
      %add3A_1403 = arith.addf %add3A_1392, %mul3A_1402 : vector<16xf32>
      %mul3A_1404 = arith.mulf %gather3A_1401, %gather3A_1401 : vector<16xf32>
      %add3A_1405 = arith.addf %add3A_1394, %mul3A_1404 : vector<16xf32>
      %sub3A_1406 = arith.subf %gather3A_1400, %gather3A_1401 : vector<16xf32>
      %mul3A_1407 = arith.mulf %sub3A_1406, %sub3A_1406 : vector<16xf32>
      %add3A_1408 = arith.addf %add3A_1397, %mul3A_1407 : vector<16xf32>
      %broadcast_in_dim3A_1409 = arith.constant 8 : i32
      %broadcast_in_dim3A_1410 = vector.broadcast %broadcast_in_dim3A_1409 : i32 to vector<16xi32>
      %gather3A_1411 = tpu.vector_load_idx %arg11[%add3A_1307, %broadcast_in_dim3A_1410] : memref<128x32xf32, #tpu.memory_space<vmem>>[vector<16xi32>, vector<16xi32>], vector<16xf32>,
      %gather3A_1412 = tpu.vector_load_idx %arg12[%add3A_1314, %broadcast_in_dim3A_1410] : memref<128x32xf32, #tpu.memory_space<vmem>>[vector<16xi32>, vector<16xi32>], vector<16xf32>,
      %mul3A_1413 = arith.mulf %gather3A_1411, %gather3A_1411 : vector<16xf32>
      %add3A_1414 = arith.addf %add3A_1403, %mul3A_1413 : vector<16xf32>
      %mul3A_1415 = arith.mulf %gather3A_1412, %gather3A_1412 : vector<16xf32>
      %add3A_1416 = arith.addf %add3A_1405, %mul3A_1415 : vector<16xf32>
      %sub3A_1417 = arith.subf %gather3A_1411, %gather3A_1412 : vector<16xf32>
      %mul3A_1418 = arith.mulf %sub3A_1417, %sub3A_1417 : vector<16xf32>
      %add3A_1419 = arith.addf %add3A_1408, %mul3A_1418 : vector<16xf32>
      %broadcast_in_dim3A_1420 = arith.constant 9 : i32
      %broadcast_in_dim3A_1421 = vector.broadcast %broadcast_in_dim3A_1420 : i32 to vector<16xi32>
      %gather3A_1422 = tpu.vector_load_idx %arg11[%add3A_1307, %broadcast_in_dim3A_1421] : memref<128x32xf32, #tpu.memory_space<vmem>>[vector<16xi32>, vector<16xi32>], vector<16xf32>,
      %gather3A_1423 = tpu.vector_load_idx %arg12[%add3A_1314, %broadcast_in_dim3A_1421] : memref<128x32xf32, #tpu.memory_space<vmem>>[vector<16xi32>, vector<16xi32>], vector<16xf32>,
      %mul3A_1424 = arith.mulf %gather3A_1422, %gather3A_1422 : vector<16xf32>
      %add3A_1425 = arith.addf %add3A_1414, %mul3A_1424 : vector<16xf32>
      %mul3A_1426 = arith.mulf %gather3A_1423, %gather3A_1423 : vector<16xf32>
      %add3A_1427 = arith.addf %add3A_1416, %mul3A_1426 : vector<16xf32>
      %sub3A_1428 = arith.subf %gather3A_1422, %gather3A_1423 : vector<16xf32>
      %mul3A_1429 = arith.mulf %sub3A_1428, %sub3A_1428 : vector<16xf32>
      %add3A_1430 = arith.addf %add3A_1419, %mul3A_1429 : vector<16xf32>
      %broadcast_in_dim3A_1431 = arith.constant 10 : i32
      %broadcast_in_dim3A_1432 = vector.broadcast %broadcast_in_dim3A_1431 : i32 to vector<16xi32>
      %gather3A_1433 = tpu.vector_load_idx %arg11[%add3A_1307, %broadcast_in_dim3A_1432] : memref<128x32xf32, #tpu.memory_space<vmem>>[vector<16xi32>, vector<16xi32>], vector<16xf32>,
      %gather3A_1434 = tpu.vector_load_idx %arg12[%add3A_1314, %broadcast_in_dim3A_1432] : memref<128x32xf32, #tpu.memory_space<vmem>>[vector<16xi32>, vector<16xi32>], vector<16xf32>,
      %mul3A_1435 = arith.mulf %gather3A_1433, %gather3A_1433 : vector<16xf32>
      %add3A_1436 = arith.addf %add3A_1425, %mul3A_1435 : vector<16xf32>
      %mul3A_1437 = arith.mulf %gather3A_1434, %gather3A_1434 : vector<16xf32>
      %add3A_1438 = arith.addf %add3A_1427, %mul3A_1437 : vector<16xf32>
      %sub3A_1439 = arith.subf %gather3A_1433, %gather3A_1434 : vector<16xf32>
      %mul3A_1440 = arith.mulf %sub3A_1439, %sub3A_1439 : vector<16xf32>
      %add3A_1441 = arith.addf %add3A_1430, %mul3A_1440 : vector<16xf32>
      %broadcast_in_dim3A_1442 = arith.constant 11 : i32
      %broadcast_in_dim3A_1443 = vector.broadcast %broadcast_in_dim3A_1442 : i32 to vector<16xi32>
      %gather3A_1444 = tpu.vector_load_idx %arg11[%add3A_1307, %broadcast_in_dim3A_1443] : memref<128x32xf32, #tpu.memory_space<vmem>>[vector<16xi32>, vector<16xi32>], vector<16xf32>,
      %gather3A_1445 = tpu.vector_load_idx %arg12[%add3A_1314, %broadcast_in_dim3A_1443] : memref<128x32xf32, #tpu.memory_space<vmem>>[vector<16xi32>, vector<16xi32>], vector<16xf32>,
      %mul3A_1446 = arith.mulf %gather3A_1444, %gather3A_1444 : vector<16xf32>
      %add3A_1447 = arith.addf %add3A_1436, %mul3A_1446 : vector<16xf32>
      %mul3A_1448 = arith.mulf %gather3A_1445, %gather3A_1445 : vector<16xf32>
      %add3A_1449 = arith.addf %add3A_1438, %mul3A_1448 : vector<16xf32>
      %sub3A_1450 = arith.subf %gather3A_1444, %gather3A_1445 : vector<16xf32>
      %mul3A_1451 = arith.mulf %sub3A_1450, %sub3A_1450 : vector<16xf32>
      %add3A_1452 = arith.addf %add3A_1441, %mul3A_1451 : vector<16xf32>
      %broadcast_in_dim3A_1453 = arith.constant 12 : i32
      %broadcast_in_dim3A_1454 = vector.broadcast %broadcast_in_dim3A_1453 : i32 to vector<16xi32>
      %gather3A_1455 = tpu.vector_load_idx %arg11[%add3A_1307, %broadcast_in_dim3A_1454] : memref<128x32xf32, #tpu.memory_space<vmem>>[vector<16xi32>, vector<16xi32>], vector<16xf32>,
      %gather3A_1456 = tpu.vector_load_idx %arg12[%add3A_1314, %broadcast_in_dim3A_1454] : memref<128x32xf32, #tpu.memory_space<vmem>>[vector<16xi32>, vector<16xi32>], vector<16xf32>,
      %mul3A_1457 = arith.mulf %gather3A_1455, %gather3A_1455 : vector<16xf32>
      %add3A_1458 = arith.addf %add3A_1447, %mul3A_1457 : vector<16xf32>
      %mul3A_1459 = arith.mulf %gather3A_1456, %gather3A_1456 : vector<16xf32>
      %add3A_1460 = arith.addf %add3A_1449, %mul3A_1459 : vector<16xf32>
      %sub3A_1461 = arith.subf %gather3A_1455, %gather3A_1456 : vector<16xf32>
      %mul3A_1462 = arith.mulf %sub3A_1461, %sub3A_1461 : vector<16xf32>
      %add3A_1463 = arith.addf %add3A_1452, %mul3A_1462 : vector<16xf32>
      %broadcast_in_dim3A_1464 = arith.constant 13 : i32
      %broadcast_in_dim3A_1465 = vector.broadcast %broadcast_in_dim3A_1464 : i32 to vector<16xi32>
      %gather3A_1466 = tpu.vector_load_idx %arg11[%add3A_1307, %broadcast_in_dim3A_1465] : memref<128x32xf32, #tpu.memory_space<vmem>>[vector<16xi32>, vector<16xi32>], vector<16xf32>,
      %gather3A_1467 = tpu.vector_load_idx %arg12[%add3A_1314, %broadcast_in_dim3A_1465] : memref<128x32xf32, #tpu.memory_space<vmem>>[vector<16xi32>, vector<16xi32>], vector<16xf32>,
      %mul3A_1468 = arith.mulf %gather3A_1466, %gather3A_1466 : vector<16xf32>
      %add3A_1469 = arith.addf %add3A_1458, %mul3A_1468 : vector<16xf32>
      %mul3A_1470 = arith.mulf %gather3A_1467, %gather3A_1467 : vector<16xf32>
      %add3A_1471 = arith.addf %add3A_1460, %mul3A_1470 : vector<16xf32>
      %sub3A_1472 = arith.subf %gather3A_1466, %gather3A_1467 : vector<16xf32>
      %mul3A_1473 = arith.mulf %sub3A_1472, %sub3A_1472 : vector<16xf32>
      %add3A_1474 = arith.addf %add3A_1463, %mul3A_1473 : vector<16xf32>
      %broadcast_in_dim3A_1475 = arith.constant 14 : i32
      %broadcast_in_dim3A_1476 = vector.broadcast %broadcast_in_dim3A_1475 : i32 to vector<16xi32>
      %gather3A_1477 = tpu.vector_load_idx %arg11[%add3A_1307, %broadcast_in_dim3A_1476] : memref<128x32xf32, #tpu.memory_space<vmem>>[vector<16xi32>, vector<16xi32>], vector<16xf32>,
      %gather3A_1478 = tpu.vector_load_idx %arg12[%add3A_1314, %broadcast_in_dim3A_1476] : memref<128x32xf32, #tpu.memory_space<vmem>>[vector<16xi32>, vector<16xi32>], vector<16xf32>,
      %mul3A_1479 = arith.mulf %gather3A_1477, %gather3A_1477 : vector<16xf32>
      %add3A_1480 = arith.addf %add3A_1469, %mul3A_1479 : vector<16xf32>
      %mul3A_1481 = arith.mulf %gather3A_1478, %gather3A_1478 : vector<16xf32>
      %add3A_1482 = arith.addf %add3A_1471, %mul3A_1481 : vector<16xf32>
      %sub3A_1483 = arith.subf %gather3A_1477, %gather3A_1478 : vector<16xf32>
      %mul3A_1484 = arith.mulf %sub3A_1483, %sub3A_1483 : vector<16xf32>
      %add3A_1485 = arith.addf %add3A_1474, %mul3A_1484 : vector<16xf32>
      %broadcast_in_dim3A_1486 = arith.constant 15 : i32
      %broadcast_in_dim3A_1487 = vector.broadcast %broadcast_in_dim3A_1486 : i32 to vector<16xi32>
      %gather3A_1488 = tpu.vector_load_idx %arg11[%add3A_1307, %broadcast_in_dim3A_1487] : memref<128x32xf32, #tpu.memory_space<vmem>>[vector<16xi32>, vector<16xi32>], vector<16xf32>,
      %gather3A_1489 = tpu.vector_load_idx %arg12[%add3A_1314, %broadcast_in_dim3A_1487] : memref<128x32xf32, #tpu.memory_space<vmem>>[vector<16xi32>, vector<16xi32>], vector<16xf32>,
      %mul3A_1490 = arith.mulf %gather3A_1488, %gather3A_1488 : vector<16xf32>
      %add3A_1491 = arith.addf %add3A_1480, %mul3A_1490 : vector<16xf32>
      %mul3A_1492 = arith.mulf %gather3A_1489, %gather3A_1489 : vector<16xf32>
      %add3A_1493 = arith.addf %add3A_1482, %mul3A_1492 : vector<16xf32>
      %sub3A_1494 = arith.subf %gather3A_1488, %gather3A_1489 : vector<16xf32>
      %mul3A_1495 = arith.mulf %sub3A_1494, %sub3A_1494 : vector<16xf32>
      %add3A_1496 = arith.addf %add3A_1485, %mul3A_1495 : vector<16xf32>
      %broadcast_in_dim3A_1497 = arith.constant 16 : i32
      %broadcast_in_dim3A_1498 = vector.broadcast %broadcast_in_dim3A_1497 : i32 to vector<16xi32>
      %gather3A_1499 = tpu.vector_load_idx %arg11[%add3A_1307, %broadcast_in_dim3A_1498] : memref<128x32xf32, #tpu.memory_space<vmem>>[vector<16xi32>, vector<16xi32>], vector<16xf32>,
      %gather3A_1500 = tpu.vector_load_idx %arg12[%add3A_1314, %broadcast_in_dim3A_1498] : memref<128x32xf32, #tpu.memory_space<vmem>>[vector<16xi32>, vector<16xi32>], vector<16xf32>,
      %mul3A_1501 = arith.mulf %gather3A_1499, %gather3A_1499 : vector<16xf32>
      %add3A_1502 = arith.addf %add3A_1491, %mul3A_1501 : vector<16xf32>
      %mul3A_1503 = arith.mulf %gather3A_1500, %gather3A_1500 : vector<16xf32>
      %add3A_1504 = arith.addf %add3A_1493, %mul3A_1503 : vector<16xf32>
      %sub3A_1505 = arith.subf %gather3A_1499, %gather3A_1500 : vector<16xf32>
      %mul3A_1506 = arith.mulf %sub3A_1505, %sub3A_1505 : vector<16xf32>
      %add3A_1507 = arith.addf %add3A_1496, %mul3A_1506 : vector<16xf32>
      %broadcast_in_dim3A_1508 = arith.constant 17 : i32
      %broadcast_in_dim3A_1509 = vector.broadcast %broadcast_in_dim3A_1508 : i32 to vector<16xi32>
      %gather3A_1510 = tpu.vector_load_idx %arg11[%add3A_1307, %broadcast_in_dim3A_1509] : memref<128x32xf32, #tpu.memory_space<vmem>>[vector<16xi32>, vector<16xi32>], vector<16xf32>,
      %gather3A_1511 = tpu.vector_load_idx %arg12[%add3A_1314, %broadcast_in_dim3A_1509] : memref<128x32xf32, #tpu.memory_space<vmem>>[vector<16xi32>, vector<16xi32>], vector<16xf32>,
      %mul3A_1512 = arith.mulf %gather3A_1510, %gather3A_1510 : vector<16xf32>
      %add3A_1513 = arith.addf %add3A_1502, %mul3A_1512 : vector<16xf32>
      %mul3A_1514 = arith.mulf %gather3A_1511, %gather3A_1511 : vector<16xf32>
      %add3A_1515 = arith.addf %add3A_1504, %mul3A_1514 : vector<16xf32>
      %sub3A_1516 = arith.subf %gather3A_1510, %gather3A_1511 : vector<16xf32>
      %mul3A_1517 = arith.mulf %sub3A_1516, %sub3A_1516 : vector<16xf32>
      %add3A_1518 = arith.addf %add3A_1507, %mul3A_1517 : vector<16xf32>
      %broadcast_in_dim3A_1519 = arith.constant 18 : i32
      %broadcast_in_dim3A_1520 = vector.broadcast %broadcast_in_dim3A_1519 : i32 to vector<16xi32>
      %gather3A_1521 = tpu.vector_load_idx %arg11[%add3A_1307, %broadcast_in_dim3A_1520] : memref<128x32xf32, #tpu.memory_space<vmem>>[vector<16xi32>, vector<16xi32>], vector<16xf32>,
      %gather3A_1522 = tpu.vector_load_idx %arg12[%add3A_1314, %broadcast_in_dim3A_1520] : memref<128x32xf32, #tpu.memory_space<vmem>>[vector<16xi32>, vector<16xi32>], vector<16xf32>,
      %mul3A_1523 = arith.mulf %gather3A_1521, %gather3A_1521 : vector<16xf32>
      %add3A_1524 = arith.addf %add3A_1513, %mul3A_1523 : vector<16xf32>
      %mul3A_1525 = arith.mulf %gather3A_1522, %gather3A_1522 : vector<16xf32>
      %add3A_1526 = arith.addf %add3A_1515, %mul3A_1525 : vector<16xf32>
      %sub3A_1527 = arith.subf %gather3A_1521, %gather3A_1522 : vector<16xf32>
      %mul3A_1528 = arith.mulf %sub3A_1527, %sub3A_1527 : vector<16xf32>
      %add3A_1529 = arith.addf %add3A_1518, %mul3A_1528 : vector<16xf32>
      %broadcast_in_dim3A_1530 = arith.constant 19 : i32
      %broadcast_in_dim3A_1531 = vector.broadcast %broadcast_in_dim3A_1530 : i32 to vector<16xi32>
      %gather3A_1532 = tpu.vector_load_idx %arg11[%add3A_1307, %broadcast_in_dim3A_1531] : memref<128x32xf32, #tpu.memory_space<vmem>>[vector<16xi32>, vector<16xi32>], vector<16xf32>,
      %gather3A_1533 = tpu.vector_load_idx %arg12[%add3A_1314, %broadcast_in_dim3A_1531] : memref<128x32xf32, #tpu.memory_space<vmem>>[vector<16xi32>, vector<16xi32>], vector<16xf32>,
      %mul3A_1534 = arith.mulf %gather3A_1532, %gather3A_1532 : vector<16xf32>
      %add3A_1535 = arith.addf %add3A_1524, %mul3A_1534 : vector<16xf32>
      %mul3A_1536 = arith.mulf %gather3A_1533, %gather3A_1533 : vector<16xf32>
      %add3A_1537 = arith.addf %add3A_1526, %mul3A_1536 : vector<16xf32>
      %sub3A_1538 = arith.subf %gather3A_1532, %gather3A_1533 : vector<16xf32>
      %mul3A_1539 = arith.mulf %sub3A_1538, %sub3A_1538 : vector<16xf32>
      %add3A_1540 = arith.addf %add3A_1529, %mul3A_1539 : vector<16xf32>
      %broadcast_in_dim3A_1541 = arith.constant 20 : i32
      %broadcast_in_dim3A_1542 = vector.broadcast %broadcast_in_dim3A_1541 : i32 to vector<16xi32>
      %gather3A_1543 = tpu.vector_load_idx %arg11[%add3A_1307, %broadcast_in_dim3A_1542] : memref<128x32xf32, #tpu.memory_space<vmem>>[vector<16xi32>, vector<16xi32>], vector<16xf32>,
      %gather3A_1544 = tpu.vector_load_idx %arg12[%add3A_1314, %broadcast_in_dim3A_1542] : memref<128x32xf32, #tpu.memory_space<vmem>>[vector<16xi32>, vector<16xi32>], vector<16xf32>,
      %mul3A_1545 = arith.mulf %gather3A_1543, %gather3A_1543 : vector<16xf32>
      %add3A_1546 = arith.addf %add3A_1535, %mul3A_1545 : vector<16xf32>
      %mul3A_1547 = arith.mulf %gather3A_1544, %gather3A_1544 : vector<16xf32>
      %add3A_1548 = arith.addf %add3A_1537, %mul3A_1547 : vector<16xf32>
      %sub3A_1549 = arith.subf %gather3A_1543, %gather3A_1544 : vector<16xf32>
      %mul3A_1550 = arith.mulf %sub3A_1549, %sub3A_1549 : vector<16xf32>
      %add3A_1551 = arith.addf %add3A_1540, %mul3A_1550 : vector<16xf32>
      %broadcast_in_dim3A_1552 = arith.constant 21 : i32
      %broadcast_in_dim3A_1553 = vector.broadcast %broadcast_in_dim3A_1552 : i32 to vector<16xi32>
      %gather3A_1554 = tpu.vector_load_idx %arg11[%add3A_1307, %broadcast_in_dim3A_1553] : memref<128x32xf32, #tpu.memory_space<vmem>>[vector<16xi32>, vector<16xi32>], vector<16xf32>,
      %gather3A_1555 = tpu.vector_load_idx %arg12[%add3A_1314, %broadcast_in_dim3A_1553] : memref<128x32xf32, #tpu.memory_space<vmem>>[vector<16xi32>, vector<16xi32>], vector<16xf32>,
      %mul3A_1556 = arith.mulf %gather3A_1554, %gather3A_1554 : vector<16xf32>
      %add3A_1557 = arith.addf %add3A_1546, %mul3A_1556 : vector<16xf32>
      %mul3A_1558 = arith.mulf %gather3A_1555, %gather3A_1555 : vector<16xf32>
      %add3A_1559 = arith.addf %add3A_1548, %mul3A_1558 : vector<16xf32>
      %sub3A_1560 = arith.subf %gather3A_1554, %gather3A_1555 : vector<16xf32>
      %mul3A_1561 = arith.mulf %sub3A_1560, %sub3A_1560 : vector<16xf32>
      %add3A_1562 = arith.addf %add3A_1551, %mul3A_1561 : vector<16xf32>
      %broadcast_in_dim3A_1563 = arith.constant 22 : i32
      %broadcast_in_dim3A_1564 = vector.broadcast %broadcast_in_dim3A_1563 : i32 to vector<16xi32>
      %gather3A_1565 = tpu.vector_load_idx %arg11[%add3A_1307, %broadcast_in_dim3A_1564] : memref<128x32xf32, #tpu.memory_space<vmem>>[vector<16xi32>, vector<16xi32>], vector<16xf32>,
      %gather3A_1566 = tpu.vector_load_idx %arg12[%add3A_1314, %broadcast_in_dim3A_1564] : memref<128x32xf32, #tpu.memory_space<vmem>>[vector<16xi32>, vector<16xi32>], vector<16xf32>,
      %mul3A_1567 = arith.mulf %gather3A_1565, %gather3A_1565 : vector<16xf32>
      %add3A_1568 = arith.addf %add3A_1557, %mul3A_1567 : vector<16xf32>
      %mul3A_1569 = arith.mulf %gather3A_1566, %gather3A_1566 : vector<16xf32>
      %add3A_1570 = arith.addf %add3A_1559, %mul3A_1569 : vector<16xf32>
      %sub3A_1571 = arith.subf %gather3A_1565, %gather3A_1566 : vector<16xf32>
      %mul3A_1572 = arith.mulf %sub3A_1571, %sub3A_1571 : vector<16xf32>
      %add3A_1573 = arith.addf %add3A_1562, %mul3A_1572 : vector<16xf32>
      %broadcast_in_dim3A_1574 = arith.constant 23 : i32
      %broadcast_in_dim3A_1575 = vector.broadcast %broadcast_in_dim3A_1574 : i32 to vector<16xi32>
      %gather3A_1576 = tpu.vector_load_idx %arg11[%add3A_1307, %broadcast_in_dim3A_1575] : memref<128x32xf32, #tpu.memory_space<vmem>>[vector<16xi32>, vector<16xi32>], vector<16xf32>,
      %gather3A_1577 = tpu.vector_load_idx %arg12[%add3A_1314, %broadcast_in_dim3A_1575] : memref<128x32xf32, #tpu.memory_space<vmem>>[vector<16xi32>, vector<16xi32>], vector<16xf32>,
      %mul3A_1578 = arith.mulf %gather3A_1576, %gather3A_1576 : vector<16xf32>
      %add3A_1579 = arith.addf %add3A_1568, %mul3A_1578 : vector<16xf32>
      %mul3A_1580 = arith.mulf %gather3A_1577, %gather3A_1577 : vector<16xf32>
      %add3A_1581 = arith.addf %add3A_1570, %mul3A_1580 : vector<16xf32>
      %sub3A_1582 = arith.subf %gather3A_1576, %gather3A_1577 : vector<16xf32>
      %mul3A_1583 = arith.mulf %sub3A_1582, %sub3A_1582 : vector<16xf32>
      %add3A_1584 = arith.addf %add3A_1573, %mul3A_1583 : vector<16xf32>
      %broadcast_in_dim3A_1585 = arith.constant 24 : i32
      %broadcast_in_dim3A_1586 = vector.broadcast %broadcast_in_dim3A_1585 : i32 to vector<16xi32>
      %gather3A_1587 = tpu.vector_load_idx %arg11[%add3A_1307, %broadcast_in_dim3A_1586] : memref<128x32xf32, #tpu.memory_space<vmem>>[vector<16xi32>, vector<16xi32>], vector<16xf32>,
      %gather3A_1588 = tpu.vector_load_idx %arg12[%add3A_1314, %broadcast_in_dim3A_1586] : memref<128x32xf32, #tpu.memory_space<vmem>>[vector<16xi32>, vector<16xi32>], vector<16xf32>,
      %mul3A_1589 = arith.mulf %gather3A_1587, %gather3A_1587 : vector<16xf32>
      %add3A_1590 = arith.addf %add3A_1579, %mul3A_1589 : vector<16xf32>
      %mul3A_1591 = arith.mulf %gather3A_1588, %gather3A_1588 : vector<16xf32>
      %add3A_1592 = arith.addf %add3A_1581, %mul3A_1591 : vector<16xf32>
      %sub3A_1593 = arith.subf %gather3A_1587, %gather3A_1588 : vector<16xf32>
      %mul3A_1594 = arith.mulf %sub3A_1593, %sub3A_1593 : vector<16xf32>
      %add3A_1595 = arith.addf %add3A_1584, %mul3A_1594 : vector<16xf32>
      %broadcast_in_dim3A_1596 = arith.constant 25 : i32
      %broadcast_in_dim3A_1597 = vector.broadcast %broadcast_in_dim3A_1596 : i32 to vector<16xi32>
      %gather3A_1598 = tpu.vector_load_idx %arg11[%add3A_1307, %broadcast_in_dim3A_1597] : memref<128x32xf32, #tpu.memory_space<vmem>>[vector<16xi32>, vector<16xi32>], vector<16xf32>,
      %gather3A_1599 = tpu.vector_load_idx %arg12[%add3A_1314, %broadcast_in_dim3A_1597] : memref<128x32xf32, #tpu.memory_space<vmem>>[vector<16xi32>, vector<16xi32>], vector<16xf32>,
      %mul3A_1600 = arith.mulf %gather3A_1598, %gather3A_1598 : vector<16xf32>
      %add3A_1601 = arith.addf %add3A_1590, %mul3A_1600 : vector<16xf32>
      %mul3A_1602 = arith.mulf %gather3A_1599, %gather3A_1599 : vector<16xf32>
      %add3A_1603 = arith.addf %add3A_1592, %mul3A_1602 : vector<16xf32>
      %sub3A_1604 = arith.subf %gather3A_1598, %gather3A_1599 : vector<16xf32>
      %mul3A_1605 = arith.mulf %sub3A_1604, %sub3A_1604 : vector<16xf32>
      %add3A_1606 = arith.addf %add3A_1595, %mul3A_1605 : vector<16xf32>
      %broadcast_in_dim3A_1607 = arith.constant 26 : i32
      %broadcast_in_dim3A_1608 = vector.broadcast %broadcast_in_dim3A_1607 : i32 to vector<16xi32>
      %gather3A_1609 = tpu.vector_load_idx %arg11[%add3A_1307, %broadcast_in_dim3A_1608] : memref<128x32xf32, #tpu.memory_space<vmem>>[vector<16xi32>, vector<16xi32>], vector<16xf32>,
      %gather3A_1610 = tpu.vector_load_idx %arg12[%add3A_1314, %broadcast_in_dim3A_1608] : memref<128x32xf32, #tpu.memory_space<vmem>>[vector<16xi32>, vector<16xi32>], vector<16xf32>,
      %mul3A_1611 = arith.mulf %gather3A_1609, %gather3A_1609 : vector<16xf32>
      %add3A_1612 = arith.addf %add3A_1601, %mul3A_1611 : vector<16xf32>
      %mul3A_1613 = arith.mulf %gather3A_1610, %gather3A_1610 : vector<16xf32>
      %add3A_1614 = arith.addf %add3A_1603, %mul3A_1613 : vector<16xf32>
      %sub3A_1615 = arith.subf %gather3A_1609, %gather3A_1610 : vector<16xf32>
      %mul3A_1616 = arith.mulf %sub3A_1615, %sub3A_1615 : vector<16xf32>
      %add3A_1617 = arith.addf %add3A_1606, %mul3A_1616 : vector<16xf32>
      %broadcast_in_dim3A_1618 = arith.constant 27 : i32
      %broadcast_in_dim3A_1619 = vector.broadcast %broadcast_in_dim3A_1618 : i32 to vector<16xi32>
      %gather3A_1620 = tpu.vector_load_idx %arg11[%add3A_1307, %broadcast_in_dim3A_1619] : memref<128x32xf32, #tpu.memory_space<vmem>>[vector<16xi32>, vector<16xi32>], vector<16xf32>,
      %gather3A_1621 = tpu.vector_load_idx %arg12[%add3A_1314, %broadcast_in_dim3A_1619] : memref<128x32xf32, #tpu.memory_space<vmem>>[vector<16xi32>, vector<16xi32>], vector<16xf32>,
      %mul3A_1622 = arith.mulf %gather3A_1620, %gather3A_1620 : vector<16xf32>
      %add3A_1623 = arith.addf %add3A_1612, %mul3A_1622 : vector<16xf32>
      %mul3A_1624 = arith.mulf %gather3A_1621, %gather3A_1621 : vector<16xf32>
      %add3A_1625 = arith.addf %add3A_1614, %mul3A_1624 : vector<16xf32>
      %sub3A_1626 = arith.subf %gather3A_1620, %gather3A_1621 : vector<16xf32>
      %mul3A_1627 = arith.mulf %sub3A_1626, %sub3A_1626 : vector<16xf32>
      %add3A_1628 = arith.addf %add3A_1617, %mul3A_1627 : vector<16xf32>
      %broadcast_in_dim3A_1629 = arith.constant 28 : i32
      %broadcast_in_dim3A_1630 = vector.broadcast %broadcast_in_dim3A_1629 : i32 to vector<16xi32>
      %gather3A_1631 = tpu.vector_load_idx %arg11[%add3A_1307, %broadcast_in_dim3A_1630] : memref<128x32xf32, #tpu.memory_space<vmem>>[vector<16xi32>, vector<16xi32>], vector<16xf32>,
      %gather3A_1632 = tpu.vector_load_idx %arg12[%add3A_1314, %broadcast_in_dim3A_1630] : memref<128x32xf32, #tpu.memory_space<vmem>>[vector<16xi32>, vector<16xi32>], vector<16xf32>,
      %mul3A_1633 = arith.mulf %gather3A_1631, %gather3A_1631 : vector<16xf32>
      %add3A_1634 = arith.addf %add3A_1623, %mul3A_1633 : vector<16xf32>
      %mul3A_1635 = arith.mulf %gather3A_1632, %gather3A_1632 : vector<16xf32>
      %add3A_1636 = arith.addf %add3A_1625, %mul3A_1635 : vector<16xf32>
      %sub3A_1637 = arith.subf %gather3A_1631, %gather3A_1632 : vector<16xf32>
      %mul3A_1638 = arith.mulf %sub3A_1637, %sub3A_1637 : vector<16xf32>
      %add3A_1639 = arith.addf %add3A_1628, %mul3A_1638 : vector<16xf32>
      %broadcast_in_dim3A_1640 = arith.constant 29 : i32
      %broadcast_in_dim3A_1641 = vector.broadcast %broadcast_in_dim3A_1640 : i32 to vector<16xi32>
      %gather3A_1642 = tpu.vector_load_idx %arg11[%add3A_1307, %broadcast_in_dim3A_1641] : memref<128x32xf32, #tpu.memory_space<vmem>>[vector<16xi32>, vector<16xi32>], vector<16xf32>,
      %gather3A_1643 = tpu.vector_load_idx %arg12[%add3A_1314, %broadcast_in_dim3A_1641] : memref<128x32xf32, #tpu.memory_space<vmem>>[vector<16xi32>, vector<16xi32>], vector<16xf32>,
      %mul3A_1644 = arith.mulf %gather3A_1642, %gather3A_1642 : vector<16xf32>
      %add3A_1645 = arith.addf %add3A_1634, %mul3A_1644 : vector<16xf32>
      %mul3A_1646 = arith.mulf %gather3A_1643, %gather3A_1643 : vector<16xf32>
      %add3A_1647 = arith.addf %add3A_1636, %mul3A_1646 : vector<16xf32>
      %sub3A_1648 = arith.subf %gather3A_1642, %gather3A_1643 : vector<16xf32>
      %mul3A_1649 = arith.mulf %sub3A_1648, %sub3A_1648 : vector<16xf32>
      %add3A_1650 = arith.addf %add3A_1639, %mul3A_1649 : vector<16xf32>
      %broadcast_in_dim3A_1651 = arith.constant 30 : i32
      %broadcast_in_dim3A_1652 = vector.broadcast %broadcast_in_dim3A_1651 : i32 to vector<16xi32>
      %gather3A_1653 = tpu.vector_load_idx %arg11[%add3A_1307, %broadcast_in_dim3A_1652] : memref<128x32xf32, #tpu.memory_space<vmem>>[vector<16xi32>, vector<16xi32>], vector<16xf32>,
      %gather3A_1654 = tpu.vector_load_idx %arg12[%add3A_1314, %broadcast_in_dim3A_1652] : memref<128x32xf32, #tpu.memory_space<vmem>>[vector<16xi32>, vector<16xi32>], vector<16xf32>,
      %mul3A_1655 = arith.mulf %gather3A_1653, %gather3A_1653 : vector<16xf32>
      %add3A_1656 = arith.addf %add3A_1645, %mul3A_1655 : vector<16xf32>
      %mul3A_1657 = arith.mulf %gather3A_1654, %gather3A_1654 : vector<16xf32>
      %add3A_1658 = arith.addf %add3A_1647, %mul3A_1657 : vector<16xf32>
      %sub3A_1659 = arith.subf %gather3A_1653, %gather3A_1654 : vector<16xf32>
      %mul3A_1660 = arith.mulf %sub3A_1659, %sub3A_1659 : vector<16xf32>
      %add3A_1661 = arith.addf %add3A_1650, %mul3A_1660 : vector<16xf32>
      %broadcast_in_dim3A_1662 = arith.constant 31 : i32
      %broadcast_in_dim3A_1663 = vector.broadcast %broadcast_in_dim3A_1662 : i32 to vector<16xi32>
      %gather3A_1664 = tpu.vector_load_idx %arg11[%add3A_1307, %broadcast_in_dim3A_1663] : memref<128x32xf32, #tpu.memory_space<vmem>>[vector<16xi32>, vector<16xi32>], vector<16xf32>,
      %gather3A_1665 = tpu.vector_load_idx %arg12[%add3A_1314, %broadcast_in_dim3A_1663] : memref<128x32xf32, #tpu.memory_space<vmem>>[vector<16xi32>, vector<16xi32>], vector<16xf32>,
      %mul3A_1666 = arith.mulf %gather3A_1664, %gather3A_1664 : vector<16xf32>
      %add3A_1667 = arith.addf %add3A_1656, %mul3A_1666 : vector<16xf32>
      %mul3A_1668 = arith.mulf %gather3A_1665, %gather3A_1665 : vector<16xf32>
      %add3A_1669 = arith.addf %add3A_1658, %mul3A_1668 : vector<16xf32>
      %sub3A_1670 = arith.subf %gather3A_1664, %gather3A_1665 : vector<16xf32>
      %mul3A_1671 = arith.mulf %sub3A_1670, %sub3A_1670 : vector<16xf32>
      %add3A_1672 = arith.addf %add3A_1661, %mul3A_1671 : vector<16xf32>
      %min3A_1673 = arith.constant 0.999989986 : f32
      %min3A_1674 = vector.broadcast %min3A_1673 : f32 to vector<16xf32>
      %min3A_1675 = arith.minimumf %add3A_1667, %min3A_1674 : vector<16xf32>
      %sub3A_1676 = arith.constant 1.000000e+00 : f32
      %sub3A_1677 = vector.broadcast %sub3A_1676 : f32 to vector<16xf32>
      %sub3A_1678 = arith.subf %sub3A_1677, %min3A_1675 : vector<16xf32>
      %min3A_1679 = arith.constant 0.999989986 : f32
      %min3A_1680 = vector.broadcast %min3A_1679 : f32 to vector<16xf32>
      %min3A_1681 = arith.minimumf %add3A_1669, %min3A_1680 : vector<16xf32>
      %sub3A_1682 = arith.constant 1.000000e+00 : f32
      %sub3A_1683 = vector.broadcast %sub3A_1682 : f32 to vector<16xf32>
      %sub3A_1684 = arith.subf %sub3A_1683, %min3A_1681 : vector<16xf32>
      %swap3A_1685 = arith.index_cast %mul3A_1296 : i32 to index
      %swap3A_1686 = tpu.vector_load %arg13[%swap3A_1685] {strides = array<i32>} : memref<512xf32, #tpu.memory_space<vmem>>, vector<16xf32>,
      tpu.vector_store %arg13[%swap3A_1685], %add3A_1672 {strides = array<i32>} : memref<512xf32, #tpu.memory_space<vmem>>, vector<16xf32>,
      %mul3A_1687 = arith.mulf %sub3A_1678, %sub3A_1684 : vector<16xf32>
      %swap3A_1688 = arith.index_cast %mul3A_1296 : i32 to index
      %swap3A_1689 = tpu.vector_load %arg14[%swap3A_1688] {strides = array<i32>} : memref<512xf32, #tpu.memory_space<vmem>>, vector<16xf32>,
      tpu.vector_store %arg14[%swap3A_1688], %mul3A_1687 {strides = array<i32>} : memref<512xf32, #tpu.memory_space<vmem>>, vector<16xf32>,
    }
    %scan3A_433 = arith.constant 16 : i32
    "tpu.region"() ({
      %run_scoped3A = tpu.sem_alloc : memref<!tpu.dma_semaphore, #tpu.memory_space<semaphore_mem>>
      %dma_start3A_434 = tpu.memref_slice %arg5[%mul3A_2] : memref<16384xf32, #tpu.memory_space<hbm>> -> memref<512xf32, #tpu.memory_space<hbm>>
      %dma_start3A_435 = tpu.memref_slice %arg5[%mul3A_2] : memref<16384xf32, #tpu.memory_space<hbm>> -> memref<512xf32, #tpu.memory_space<hbm>>
      tpu.enqueue_dma source(%arg13 : memref<512xf32, #tpu.memory_space<vmem>>) target(%dma_start3A_435 : memref<512xf32, #tpu.memory_space<hbm>>) target_semaphore(%run_scoped3A : memref<!tpu.dma_semaphore, #tpu.memory_space<semaphore_mem>>)
      %dma_wait3A = tpu.memref_slice %arg5[%mul3A_2] : memref<16384xf32, #tpu.memory_space<hbm>> -> memref<512xf32, #tpu.memory_space<hbm>>
      %dma_wait3A_436 = tpu.memref_slice %arg5[%mul3A_2] : memref<16384xf32, #tpu.memory_space<hbm>> -> memref<512xf32, #tpu.memory_space<hbm>>
      tpu.wait_dma2 semaphore(%run_scoped3A : memref<!tpu.dma_semaphore, #tpu.memory_space<semaphore_mem>>) src(%arg13 : memref<512xf32, #tpu.memory_space<vmem>>) dst(%dma_wait3A_436 : memref<512xf32, #tpu.memory_space<hbm>>)
      tpu.yield
    }) : () -> ()
    "tpu.region"() ({
      %run_scoped3A = tpu.sem_alloc : memref<!tpu.dma_semaphore, #tpu.memory_space<semaphore_mem>>
      %dma_start3A_434 = tpu.memref_slice %arg6[%mul3A_2] : memref<16384xf32, #tpu.memory_space<hbm>> -> memref<512xf32, #tpu.memory_space<hbm>>
      %dma_start3A_435 = tpu.memref_slice %arg6[%mul3A_2] : memref<16384xf32, #tpu.memory_space<hbm>> -> memref<512xf32, #tpu.memory_space<hbm>>
      tpu.enqueue_dma source(%arg14 : memref<512xf32, #tpu.memory_space<vmem>>) target(%dma_start3A_435 : memref<512xf32, #tpu.memory_space<hbm>>) target_semaphore(%run_scoped3A : memref<!tpu.dma_semaphore, #tpu.memory_space<semaphore_mem>>)
      %dma_wait3A = tpu.memref_slice %arg6[%mul3A_2] : memref<16384xf32, #tpu.memory_space<hbm>> -> memref<512xf32, #tpu.memory_space<hbm>>
      %dma_wait3A_436 = tpu.memref_slice %arg6[%mul3A_2] : memref<16384xf32, #tpu.memory_space<hbm>> -> memref<512xf32, #tpu.memory_space<hbm>>
      tpu.wait_dma2 semaphore(%run_scoped3A : memref<!tpu.dma_semaphore, #tpu.memory_space<semaphore_mem>>) src(%arg14 : memref<512xf32, #tpu.memory_space<vmem>>) dst(%dma_wait3A_436 : memref<512xf32, #tpu.memory_space<hbm>>)
      tpu.yield
    }) : () -> ()
    return
  }
}

module attributes {stable_mosaic.version = 14 : i64} {
  func.func @_tc_body(%arg0: memref<1xf32, #tpu.memory_space<smem>>, %arg1: memref<1xf32, #tpu.memory_space<smem>>, %arg2: memref<128x128xf32, #tpu.memory_space<vmem>>, %arg3: memref<128x128xf32, #tpu.memory_space<vmem>>, %arg4: memref<128x128xf32, #tpu.memory_space<vmem>>) attributes {dimension_semantics = [], scalar_prefetch = 0 : i64, scratch_operands = 0 : i64, tpu.core_type = #tpu.core_type<tc>} {
    %get3A = arith.constant 0 : index
    %get3A_0 = memref.load %arg0[%get3A] : memref<1xf32, #tpu.memory_space<smem>>
    %get3A_1 = arith.constant 0 : index
    %get3A_2 = memref.load %arg1[%get3A_1] : memref<1xf32, #tpu.memory_space<smem>>
    %get3A_3 = arith.constant 0 : index
    %get3A_4 = arith.constant 0 : index
    %get3A_5 = vector.load %arg2[%get3A_3, %get3A_4] : memref<128x128xf32, #tpu.memory_space<vmem>>, vector<128x128xf32>
    %get3A_6 = arith.constant 0 : index
    %get3A_7 = arith.constant 0 : index
    %get3A_8 = vector.load %arg3[%get3A_6, %get3A_7] : memref<128x128xf32, #tpu.memory_space<vmem>>, vector<128x128xf32>
    %add3A = arith.constant 9.99999974E-6 : f32
    %add3A_9 = vector.broadcast %add3A : f32 to vector<128x128xf32>
    %add3A_10 = arith.addf %get3A_5, %add3A_9 : vector<128x128xf32>
    %sqrt3A = math.sqrt %add3A_10 : vector<128x128xf32>
    %mul3A = arith.constant 2.000000e+00 : f32
    %mul3A_11 = vector.broadcast %mul3A : f32 to vector<128x128xf32>
    %mul3A_12 = arith.mulf %mul3A_11, %sqrt3A : vector<128x128xf32>
    %div3A = arith.divf %mul3A_12, %get3A_8 : vector<128x128xf32>
    %add3A_13 = arith.constant 1.000000e+00 : f32
    %add3A_14 = vector.broadcast %add3A_13 : f32 to vector<128x128xf32>
    %add3A_15 = arith.addf %add3A_14, %div3A : vector<128x128xf32>
    %add3A_16 = arith.constant 2.000000e+00 : f32
    %add3A_17 = vector.broadcast %add3A_16 : f32 to vector<128x128xf32>
    %add3A_18 = arith.addf %div3A, %add3A_17 : vector<128x128xf32>
    %mul3A_19 = arith.mulf %div3A, %add3A_18 : vector<128x128xf32>
    %sqrt3A_20 = math.sqrt %mul3A_19 : vector<128x128xf32>
    %add3A_21 = arith.addf %add3A_15, %sqrt3A_20 : vector<128x128xf32>
    %log3A = math.log %add3A_21 : vector<128x128xf32>
    %sub3A = vector.broadcast %get3A_0 : f32 to vector<128x128xf32>
    %sub3A_22 = arith.subf %log3A, %sub3A : vector<128x128xf32>
    %div3A_23 = vector.broadcast %get3A_2 : f32 to vector<128x128xf32>
    %div3A_24 = arith.divf %sub3A_22, %div3A_23 : vector<128x128xf32>
    %exp3A = math.exp %div3A_24 : vector<128x128xf32>
    %add3A_25 = arith.constant 1.000000e+00 : f32
    %add3A_26 = vector.broadcast %add3A_25 : f32 to vector<128x128xf32>
    %add3A_27 = arith.addf %exp3A, %add3A_26 : vector<128x128xf32>
    %div3A_28 = arith.constant 1.000000e+00 : f32
    %div3A_29 = vector.broadcast %div3A_28 : f32 to vector<128x128xf32>
    %div3A_30 = arith.divf %div3A_29, %add3A_27 : vector<128x128xf32>
    %swap3A = arith.constant 0 : index
    %swap3A_31 = arith.constant 0 : index
    %swap3A_32 = vector.load %arg4[%swap3A, %swap3A_31] : memref<128x128xf32, #tpu.memory_space<vmem>>, vector<128x128xf32>
    tpu.vector_store %arg4[%swap3A, %swap3A_31], %div3A_30 {strides = array<i32>} : memref<128x128xf32, #tpu.memory_space<vmem>>, vector<128x128xf32>,
    return
  }
}

</mosaic_0001>

<sc_bundles>
// kernel: kernel.4.cloned.1.call-start
scs
__scs_entry_jumppad:
0x0: {  	(pc) =	sbr.rel $0x88, $3  }
0x1: {  	(tag) =	ssettag $0x0;
	lr =	simm.s32 $0x1  }
0x2: {  	[smem:$0x3F9C] =	sst lr;
	_ =	strace $0xD0000000  }
0x3: {  	_ = 	snop  }
0x4: {  	_ = 	snop  }
0x5: {  	_ = 	snop  }
0x6: {  	_ = 	snop  }
0x7: {  	_ = 	snop  }
__scs_overlays_trampoline_lowered:
0x8: {  	[smem:$0x3FAB] =	sst s0  }
0x9: {  	[smem:$0x3FAC] =	sst s1  }
0xa: {  	[smem:$0x3FAD] =	sst s2  }
0xb: {  	[smem:$0x3FAE] =	sst s3  }
0xc: {  	[smem:$0x3FAF] =	sst s4  }
0xd: {  	[smem:$0x3FB0] =	sst s5  }
0xe: {  	[smem:$0x3FB1] =	sst s6  }
0xf: {  	[smem:$0x3FB2] =	sst s7  }
0x10: {  	[smem:$0x3FB3] =	sst s8  }
0x11: {  	[smem:$0x3FB4] =	sst s9;
	s0 =	simm.s32 @!p0 $0x0  }
0x12: {  	s1 =	sld [smem:$0x3F9A];
	s0 =	simm.s32 @p0 $0x1  }
0x13: {  	[smem:$0x3FB5] =	sst s0;
	s0 =	simm.s32 @!p1 $0x0  }
0x14: {  	s2 =	sld [smem:$0x3F99];
	s0 =	simm.s32 @p1 $0x1  }
0x15: {  	[smem:$0x3FB6] =	sst s0;
	s0 =	simm.s32 @!p2 $0x0  }
0x16: {  	s3 =	sld [smem:$0x3FDB];
	s0 =	simm.s32 @p2 $0x1  }
0x17: {  	s4 =	simm.s32 $0x1BF5;
	[smem:$0x3FB8] =	sst s0  }
0x18: {  	s0 =	sld [smem:$0x3F9B];
	_ =	swait.ge [sflag:s4], $0x0  }
0x19: {  	s7 =	sld [smem:$0x3F9C]  }
0x1a: {  	s8 =	sadd.s32 $0xFFFFE003, lr  }
0x1b: {  	s9 =	sadd.s32 $0xFFFFFEF7, lr;
	s5 =	simm.s32 $0xFFFFFFFF;
	p2 =	slt.u32 s8, $0xFFFFF086  }
0x1c: {  	p1 =	slt.u32 s9, $0xF7A;
	s5 =	simm.s32 @!p2 $0x0  }
0x1d: {  	s5 =	simm.s32 @p1 $0x1;
	p0 =	seq.s32 s7, s2  }
0x1e: {  	s7 =	smul.u32 @!p0 $0xF7A, s2;
	p2 =	seq.s32 @!p0 s5, $0x0  }
0x1f: {  	s9 =	smul.u32 $0xF7A, s1;
	s8 =	simm.s32 @!p0 $0x1BF5;
	p2 =	por !p2, p0  }
0x20: {  	[sflag:s8] =	ssyncset.s32 @!p0 $0xFFFFF086;
	s6 =	sadd.s32 @!p0 s3, s7;
	s7 =	simm.s32 @!p0 $0x108  }
0x21: {  	s3 =	sadd.s32 s3, s9;
	s6 =	sadd.s32 @!p0 $0x88, s6;
	s7 =	simm.s32 @p2 $0x1082  }
0x22: {  	[simem:s7], [sflag:s8] =	dma.local @!p0 [hbm:s6], $0xF7A  }
0x23: {  	s9 =	sor.u32 $0xD0000000, s2;
	s6 =	simm.s32 $0x108;
	_ =	swait.ge @!p0 [sflag:s8], $0x0  }
0x24: {  	s3 =	sadd.s32 $0x88, s3;
	s6 =	simm.s32 @!p1 $0x1082;
	[sflag:s4] =	ssyncset.s32 $0xFFFFF086  }
0x25: {  	[simem:s6], [sflag:s4] =	dma.local [hbm:s3], $0xF7A  }
0x26: {  	[smem:$0x3F9C] =	sst s1;
	(tag) =	ssettag s2;
	_ =	strace s9  }
0x27: {  	s1 =	sld [smem:$0x3FAC]  }
0x28: {  	s2 =	sld [smem:$0x3FAD]  }
0x29: {  	s4 =	sld [smem:$0x3FAF]  }
0x2a: {  	p0 =	seq.s32 s5, $0x0;
	s5 =	sld [smem:$0x3FB0]  }
0x2b: {  	s6 =	sld [smem:$0x3FB1]  }
0x2c: {  	s7 =	sld [smem:$0x3FB2]  }
0x2d: {  	s3 =	simm.s32 $0x108;
	s8 =	sld [smem:$0x3FB3]  }
0x2e: {  	s3 =	simm.s32 @!p0 $0x1082;
	s9 =	sld [smem:$0x3FB4]  }
0x2f: {  	lr =	sadd.s32 s0, s3;
	s0 =	sld [smem:$0x3FAB]  }
0x30: {  	s3 =	sld [smem:$0x3FAE]  }
0x31: {  	[smem:$0x3FB7] =	sst s10  }
0x32: {  	s10 =	sld [smem:$0x3FB5];
	_ =	sdelay $0x3  }
0x33: {  	p0 =	seq.s32 s10, $0x1;
	s10 =	sld [smem:$0x3FB7];
	_ =	sdelay $0x3  }
0x34: {  	[smem:$0x3FB7] =	sst s10  }
0x35: {  	s10 =	sld [smem:$0x3FB6];
	_ =	sdelay $0x3  }
0x36: {  	p1 =	seq.s32 s10, $0x1;
	s10 =	sld [smem:$0x3FB7];
	_ =	sdelay $0x3  }
0x37: {  	[smem:$0x3FB7] =	sst s10  }
0x38: {  	s10 =	sld [smem:$0x3FB8]  }
0x39: {  	_ = 	snop;
	(pc) =	sbr.ind lr, $3  }
0x3a: {  	_ = 	snop  }
0x3b: {  	_ = 	snop  }
0x3c: {  	p2 =	seq.s32 s10, $0x1;
	s10 =	sld [smem:$0x3FB7]  }
0x3d: {  	_ =	shalt  }
0x3e: {  	_ =	shalt  }
0x3f: {  	_ =	shalt  }
0x40: {  	_ =	shalt  }
0x41: {  	_ =	shalt  }
0x42: {  	_ =	shalt  }
0x43: {  	_ =	shalt  }
0x44: {  	_ =	shalt  }
0x45: {  	_ =	shalt  }
0x46: {  	_ =	shalt  }
0x47: {  	_ =	shalt  }
0x48: {  	_ =	shalt  }
0x49: {  	_ =	shalt  }
0x4a: {  	_ =	shalt  }
0x4b: {  	_ =	shalt  }
0x4c: {  	_ =	shalt  }
0x4d: {  	_ =	shalt  }
0x4e: {  	_ =	shalt  }
0x4f: {  	_ =	shalt  }
0x50: {  	_ =	shalt  }
0x51: {  	_ =	shalt  }
0x52: {  	_ =	shalt  }
0x53: {  	_ =	shalt  }
0x54: {  	_ =	shalt  }
0x55: {  	_ =	shalt  }
0x56: {  	_ =	shalt  }
0x57: {  	_ =	shalt  }
0x58: {  	_ =	shalt  }
0x59: {  	_ =	shalt  }
0x5a: {  	_ =	shalt  }
0x5b: {  	_ =	shalt  }
0x5c: {  	_ =	shalt  }
0x5d: {  	_ =	shalt  }
0x5e: {  	_ =	shalt  }
0x5f: {  	_ =	shalt  }
0x60: {  	_ =	shalt  }
0x61: {  	_ =	shalt  }
0x62: {  	_ =	shalt  }
0x63: {  	_ =	shalt  }
0x64: {  	_ =	shalt  }
0x65: {  	_ =	shalt  }
0x66: {  	_ =	shalt  }
0x67: {  	_ =	shalt  }
0x68: {  	_ =	shalt  }
0x69: {  	_ =	shalt  }
0x6a: {  	_ =	shalt  }
0x6b: {  	_ =	shalt  }
0x6c: {  	_ =	shalt  }
0x6d: {  	_ =	shalt  }
0x6e: {  	_ =	shalt  }
0x6f: {  	_ =	shalt  }
0x70: {  	_ =	shalt  }
0x71: {  	_ =	shalt  }
0x72: {  	_ =	shalt  }
0x73: {  	_ =	shalt  }
0x74: {  	_ =	shalt  }
0x75: {  	_ =	shalt  }
0x76: {  	_ =	shalt  }
0x77: {  	_ =	shalt  }
0x78: {  	_ =	shalt  }
0x79: {  	_ =	shalt  }
0x7a: {  	_ =	shalt  }
0x7b: {  	_ =	shalt  }
0x7c: {  	_ =	shalt  }
0x7d: {  	_ =	shalt  }
0x7e: {  	_ =	shalt  }
0x7f: {  	_ =	shalt  }
0x80: {  	_ =	shalt  }
0x81: {  	_ =	shalt  }
0x82: {  	_ =	shalt  }
0x83: {  	_ =	shalt  }
0x84: {  	_ =	shalt  }
0x85: {  	_ =	shalt  }
0x86: {  	_ =	shalt  }
0x87: {  	_ =	shalt  }
.Lfunc_end0:
.L_simem_size_0:
called_computation_lowered:
.L_overlay_start_0:
0x88: {  	s2 =	sld [smem:$0x3FD9]  }
0x89: {  	s3 =	sld [smem:$0x3FFE];
	_ =	sdelay $0x1  }
0x8a: {  	s1 =	srdreg.scid  }
0x8b: {  	s0 =	sand.u32 $0x1, s1  }
0x8c: {  	s17 =	sshll.u32 s0, $0xA;
	s2 =	sadd.s32 s3, s2  }
0x8d: {  	s2 =	sadd.s32 s2, s17  }
0x8e: {  	[smem:$0x3FC3] =	sst s2  }
0x8f: {  	_ = 	snop  }
0x90: {  	s2 =	sld [smem:$0x3FD0];
	(tm) =	ssettm $0x1  }
0x91: {  	s18 =	sld [smem:$0x3FFB];
	_ =	sdelay $0x3  }
0x92: {  	_ =	strace s18  }
0x93: {  	s3 =	sld [smem:$0x3FFC];
	_ =	sdelay $0x3  }
0x94: {  	_ =	strace s3  }
0x95: {  	s3 =	sld [smem:$0x3FFD];
	_ =	sdelay $0x3  }
0x96: {  	_ =	strace s3  }
0x97: {  	_ =	strace $0x8FFFFFFF  }
0x98: {  	s19 =	sld [smem:$0x3FDB];
	_ =	sdelay $0x1  }
0x99: {  	s4 =	simm.s32 $_scs_section_size  }
0x9a: {  	s5 =	simm.s32 $_size__tile_overlayer_lowered;
	s6 =	simm.s32 $_tile_overlayer_lowered  }
0x9b: {  	s22 =	simm.s32 $0x1BFF;
	s21 =	sshll.u32 s6, $0x1;
	s3 =	sadd.s32 s4, s19  }
0x9c: {  	s7 =	simm.s32 $0x0;
	s20 =	sshll.u32 s5, $0x1;
	s5 =	sadd.s32 s21, s3  }
0x9d: {  	[timem:s7], [sflag:s22] =	dma.local [hbm:s5], s20  }
0x9e: {  	_ =	swait.ge [sflag:s22], s20  }
0x9f: {  	s4 =	ssub.s32 $0x0, s20;
	[sflag:s22] =	ssyncset.done $0x0  }
0xa0: {  	[sflag:s22] =	ssyncadd.s32 s4;
	_ =	sdelay $0x1  }
0xa1: {  	s23 =	simm.s32 $0x1B8B  }
0xa2: {  	_ =	swait.ge [sflag:s23], $0x1  }
0xa3: {  	[sflag:s23] =	ssyncset.done $0x0  }
0xa4: {  	s25 =	simm.s32 $0x1B8E;
	s24 =	sld [smem:$0x3FFE];
	[sflag:s23] =	ssyncadd.s32 $0xFFFFFFFF  }
0xa5: {  	s26 =	simm.s32 $execute0_lowered;
	[smem:$0x3FD2] =	sst s25  }
0xa6: {  	s5 =	sshll.u32 s26, $0x1;
	_ =	strace $0x80000046;
	[dreg:$0x1] =	wrdreg $0xFFFFFFFF  }
0xa7: {  	s28 =	simm.s32 $_size_execute0_lowered;
	s3 =	sadd.s32 s3, s5;
	[dreg:$0x0] =	wrdreg $0x0  }
0xa8: {  	s5 =	sshll.u32 s28, $0x1;
	[dreg:$0x2] =	wrdreg s3  }
0xa9: {  	[dreg:$0x3] =	wrdreg s5  }
0xaa: {  	[dreg:$0x4] =	wrdreg $0xC0  }
0xab: {  	_ =	task [dreg:s7], $0x5FFFF  }
0xac: {  	[dreg:$0x1] =	wrdreg $0xFFFFFFFF  }
0xad: {  	[dreg:$0x0] =	wrdreg $0x60  }
0xae: {  	[dreg:$0x2] =	wrdreg s24  }
0xaf: {  	[dreg:$0x3] =	wrdreg s2  }
0xb0: {  	[dreg:$0x4] =	wrdreg $0x9  }
0xb1: {  	_ =	task.clear_ibuf [dreg:s7], $0x5FFFF;
	_ =	strace $0x90000046  }
0xb2: {  	s29 =	simm.s32 $0x9;
	_ =	strace $0x80000048  }
0xb3: {  	_ =	swait.ge [sflag:s29], $0x1  }
0xb4: {  	[sflag:s29] =	ssyncadd.s32 $0xFFFFFFFF  }
0xb5: {  	_ =	strace $0x90000048  }
0xb6: {  	_ =	sfence  }
0xb7: {  	s30 =	sld [smem:$0x0];
	_ =	sdelay $0x2  }
0xb8: {  	s31 =	sshll.u32 s1, $0xD;
	s1 =	sshrl.u32 s1, $0x2  }
0xb9: {  	s3 =	sand.u32 $0x4000, s31;
	s1 =	sadd.s32 s1, s30  }
0xba: {  	s0 =	sor.u32 s3, s0;
	s1 =	sshll.u32 s1, $0x11  }
0xbb: {  	s0 =	sor.u32 s1, s0  }
0xbc: {  	s0 =	sadd.s32 $0x8F2B, s0  }
0xbd: {  	[sflag:s0] =	ssyncadd.remote.s32 $0x1  }
0xbe: {  	_ =	sfence.sel $0xFFFF  }
0xbf: {  	[dreg:$0x0] =	wrdreg $0xFFFFFFFF;
	(pc) =	sbr.abs _section_cstart, $3  }
0xc0: {  	[dreg:$0x1] =	wrdreg $0xFFFFFFFF  }
0xc1: {  	_ =	task.clear_ibuf [dreg:s7], $0x2FFFF;
	_ =	strace $0x9FFFFFFF  }
0xc2: {  	(tm) =	ssettm $0x7FFFFFFF  }
0xc3: {  	_ =	shalt  }
tec
execute0_lowered:
.L_overlay_start_1:
0x0: {  	(tag) =	ssettag $0x1  }
0x1: {  	s0 =	rddreg [dreg:$0x0];
	s1 =	srdreg.scid  }
0x2: {  	s6 =	stileid.u32;
	s4 =	rddreg [dreg:$0x1];
	s2 =	simm.s32 $0x0  }
0x3: {  	s10 =	simm.s32 $0x400;
	s29 =	simm.s32 $0x3;
	s13 =	simm.s32 $0x4400  }
0x4: {  	s17 =	simm.s32 $0x8400;
	s18 =	simm.s32 $0xC400;
	s31 =	simm.s32 $0xDC00  }
0x5: {  	s12 =	simm.s32 $0xA400;
	s9 =	simm.s32 $0xE400;
	s8 =	simm.s32 $0xB000  }
0x6: {  	s11 =	simm.s32 $0xF000;
	s14 =	simm.s32 $0xB400;
	s15 =	simm.s32 $0xF400  }
0x7: {  	s16 =	simm.s32 $0xB800;
	s19 =	simm.s32 $0xF800;
	s20 =	simm.s32 $0xBC00  }
0x8: {  	s21 =	simm.s32 $0xFC00;
	s22 =	simm.s32 $0xC000;
	s28 =	simm.s32 $0x0  }
0x9: {  	s1 =	sand.u32 $0x1, s1;
	s3 =	sshll.u32 s6, $0x1;
	[smem:$0x7FF] =	sst s2  }
0xa: {  	s6 =	sshll.u32 s6, $0x7;
	s5 =	sor.u32 s1, s3;
	_ =	strace $0x80000047  }
0xb: {  	s3 =	sadd.s32 $0x1000, s0;
	s1 =	ssub.s32 $0x2, s1;
	s7 =	sshll.u32 s5, $0x4  }
0xc: {  	s5 =	sshll.u32 s5, $0x6;
	s24 =	sshrl.u32 s1, $0x1;
	s6 =	sor.u32 s6, s7  }
0xd: {  	s1 =	ssub.s32 s1, s24;
	s7 =	simm.s32 $0xEC00;
	s24 =	simm.s32 $0x1  }
0xe: {  	s6 =	sand.u32 $0x670, s6;
	s30 =	smax.u32 s1, $0x1;
	s1 =	simm.s32 $0xA000  }
0xf: {  	s23 =	sadd.s32 s6, s0;
	s0 =	sadd.s32 s5, s0;
	s4 =	sadd.s32 s4, s6  }
.Ltmp0:
0x10: {  	[dreg:$0x7] =	wrdreg s30;
	s5 =	simm.s32 $0xE800;
	(pc) =	sbr.rel .LBB2_1-.Ltmp0, $4  }
0x11: {  	s6 =	simm.s32 $0xAC00;
	[dreg:$0x3] =	wrdreg s4;
	s25 =	sadd.s32 $0xF43400, s23  }
0x12: {  	s26 =	sadd.s32 $0xF43C00, s0;
	s0 =	sadd.s32 $0xF44400, s0;
	[dreg:$0x4] =	wrdreg s25  }
0x13: {  	v0 =	vlaneseq.u32;
	s4 =	simm.s32 $0xA800;
	s23 =	simm.s32 $0x10000;
	[dreg:$0x5] =	wrdreg s26  }
0x14: {  	v0 =	vmul.u32 $0x400, v0;
	[dreg:$0x6] =	wrdreg s0;
	s0 =	simm.s32 $0xE000;
	s25 =	simm.s32 $0x2  }
.LBB2_5:
0x15: {  	s26 =	rddreg [dreg:$0x5];
	s28 =	simm.s32 $0x10400;
	s29 =	simm.s32 $0x3  }
0x16: {  	[hbm4b:s26+s2] =	stream.linear.scatter [tilespmem:s28], [sflag:$0x3], $0x200, $0x38;
	[tilespmem:$0x10800] =	vst v63  }
0x17: {  	_ =	swait.ge [sflag:s29], $0x200  }
0x18: {  	[sflag:s29] =	ssyncset.done $0x0  }
0x19: {  	s28 =	simm.s32 $0x10600;
	s30 =	rddreg [dreg:$0x6];
	[sflag:s29] =	ssyncadd.s32 $0xFFFFFE00  }
0x1a: {  	[hbm4b:s30+s2] =	stream.linear.scatter [tilespmem:s28], [sflag:$0x3], $0x200, $0x38;
	[tilespmem:$0x10800] =	vst v63  }
0x1b: {  	_ =	swait.ge [sflag:s29], $0x200  }
0x1c: {  	s28 =	rddreg [dreg:$0x8]  }
0x1d: {  	s30 =	rddreg [dreg:$0x7];
	s28 =	sadd.s32 $0x1, s28  }
0x1e: {  	p0 =	sne.s32 s28, s30  }
.Ltmp1:
0x1f: {  	_ = 	snop;
	(pc) =	sbr.rel @!p0 .LBB2_6-.Ltmp1, $3  }
0x20: {  	_ =	sdelay $0x1  }
0x21: {  	[sflag:s29] =	ssyncset.done $0x0  }
0x22: {  	[sflag:s29] =	ssyncadd.s32 $0xFFFFFE00  }
.LBB2_1:
0x23: {  	[dreg:$0x8] =	wrdreg s28  }
0x24: {  	s26 =	rddreg [dreg:$0x3];
	s28 =	simm.s32 $0x80  }
0x25: {  	[tilespmem:s2], [sflag:$0x3] =	stream.strided.gather [hbm4b:s26+s28], $0x200, s10, s28, $0x38;
	[tilespmem:$0x10800] =	vst v63  }
0x26: {  	_ =	swait.ge [sflag:s29], $0x200  }
0x27: {  	[sflag:s29] =	ssyncset.done $0x0  }
0x28: {  	s30 =	simm.s32 $0x200;
	s26 =	rddreg [dreg:$0x4];
	[sflag:s29] =	ssyncadd.s32 $0xFFFFFE00  }
0x29: {  	[tilespmem:s30], [sflag:$0x3] =	stream.strided.gather [hbm4b:s26+s28], $0x200, s10, s28, $0x38;
	[tilespmem:$0x10800] =	vst v63  }
0x2a: {  	_ =	swait.ge [sflag:s29], $0x200  }
0x2b: {  	[sflag:s29] =	ssyncset.done $0x0  }
0x2c: {  	[sflag:s29] =	ssyncadd.s32 $0xFFFFFE00  }
0x2d: {  	v1 =	vld [tilespmem:$0x0];
	_ =	sdelay $0x1  }
0x2e: {  	v2 =	vld [tilespmem:$0x200];
	_ =	sdelay $0x2  }
0x2f: {  	v1 =	vand.u32 $0xFFFFFFF8, v1  }
0x30: {  	v1 =	vshll.u32 v1, $0x4  }
0x31: {  	v2 =	vand.u32 $0xFFFFFFF8, v2;
	v1 =	vadd.s32 s3, v1  }
0x32: {  	v2 =	vshll.u32 v2, $0x4;
	(v2sf) =	vpush v1, $0x0  }
0x33: {  	v2 =	vadd.s32 s3, v2  }
0x34: {  	(v2sf) =	vpush v2, $0x0;
	_ =	sdelay $0x1  }
0x35: {  	(v2sf) =	vpush v1, $0x1;
	_ =	sdelay $0x1  }
0x36: {  	(v2sf) =	vpush v2, $0x1;
	_ =	sdelay $0x1  }
0x37: {  	(v2sf) =	vpush v1, $0x2;
	_ =	sdelay $0x1  }
0x38: {  	(v2sf) =	vpush v2, $0x2;
	_ =	sdelay $0x1  }
0x39: {  	(v2sf) =	vpush v1, $0x3;
	_ =	sdelay $0x1  }
0x3a: {  	(v2sf) =	vpush v2, $0x3  }
0x3b: {  	s30 =	spop (v2sf)  }
0x3c: {  	(v2sf) =	vpush v1, $0x4;
	[tilespmem:s10], [sflag:$0x1] =	stream.linear.gather [hbm4b:s30+s2], $0x400, $0x38;
	[tilespmem:$0x10800] =	vst v63  }
0x3d: {  	s29 =	spop (v2sf)  }
0x3e: {  	(v2sf) =	vpush v2, $0x4;
	[tilespmem:s13], [sflag:$0x1] =	stream.linear.gather [hbm4b:s29+s2], $0x400, $0x38;
	[tilespmem:$0x10800] =	vst v63  }
0x3f: {  	s28 =	simm.s32 $0x800;
	s30 =	spop (v2sf)  }
0x40: {  	(v2sf) =	vpush v1, $0x5;
	[tilespmem:s28], [sflag:$0x1] =	stream.linear.gather [hbm4b:s30+s2], $0x400, $0x38;
	[tilespmem:$0x10800] =	vst v63  }
0x41: {  	s29 =	spop (v2sf);
	s30 =	simm.s32 $0x4800  }
0x42: {  	(v2sf) =	vpush v2, $0x5;
	[tilespmem:s30], [sflag:$0x1] =	stream.linear.gather [hbm4b:s29+s2], $0x400, $0x38;
	[tilespmem:$0x10800] =	vst v63  }
0x43: {  	s29 =	spop (v2sf);
	s30 =	simm.s32 $0xC00  }
0x44: {  	(v2sf) =	vpush v1, $0x6;
	[tilespmem:s30], [sflag:$0x1] =	stream.linear.gather [hbm4b:s29+s2], $0x400, $0x38;
	[tilespmem:$0x10800] =	vst v63  }
0x45: {  	s29 =	spop (v2sf);
	s30 =	simm.s32 $0x4C00  }
0x46: {  	(v2sf) =	vpush v2, $0x6;
	[tilespmem:s30], [sflag:$0x1] =	stream.linear.gather [hbm4b:s29+s2], $0x400, $0x38;
	[tilespmem:$0x10800] =	vst v63  }
0x47: {  	s29 =	spop (v2sf);
	s30 =	simm.s32 $0x1000  }
0x48: {  	(v2sf) =	vpush v1, $0x7;
	[tilespmem:s30], [sflag:$0x1] =	stream.linear.gather [hbm4b:s29+s2], $0x400, $0x38;
	[tilespmem:$0x10800] =	vst v63  }
0x49: {  	s29 =	spop (v2sf);
	s30 =	simm.s32 $0x5000  }
0x4a: {  	(v2sf) =	vpush v2, $0x7;
	[tilespmem:s30], [sflag:$0x1] =	stream.linear.gather [hbm4b:s29+s2], $0x400, $0x38;
	[tilespmem:$0x10800] =	vst v63  }
0x4b: {  	s29 =	spop (v2sf);
	s30 =	simm.s32 $0x1400  }
0x4c: {  	(v2sf) =	vpush v1, $0x8;
	[tilespmem:s30], [sflag:$0x1] =	stream.linear.gather [hbm4b:s29+s2], $0x400, $0x38;
	[tilespmem:$0x10800] =	vst v63  }
0x4d: {  	s29 =	spop (v2sf);
	s30 =	simm.s32 $0x5400  }
0x4e: {  	(v2sf) =	vpush v2, $0x8;
	[tilespmem:s30], [sflag:$0x1] =	stream.linear.gather [hbm4b:s29+s2], $0x400, $0x38;
	[tilespmem:$0x10800] =	vst v63  }
0x4f: {  	s29 =	spop (v2sf);
	s30 =	simm.s32 $0x1800  }
0x50: {  	(v2sf) =	vpush v1, $0x9;
	[tilespmem:s30], [sflag:$0x1] =	stream.linear.gather [hbm4b:s29+s2], $0x400, $0x38;
	[tilespmem:$0x10800] =	vst v63  }
0x51: {  	s29 =	spop (v2sf);
	s30 =	simm.s32 $0x5800  }
0x52: {  	(v2sf) =	vpush v2, $0x9;
	[tilespmem:s30], [sflag:$0x1] =	stream.linear.gather [hbm4b:s29+s2], $0x400, $0x38;
	[tilespmem:$0x10800] =	vst v63  }
0x53: {  	s29 =	spop (v2sf);
	s30 =	simm.s32 $0x1C00  }
0x54: {  	(v2sf) =	vpush v1, $0xA;
	[tilespmem:s30], [sflag:$0x1] =	stream.linear.gather [hbm4b:s29+s2], $0x400, $0x38;
	[tilespmem:$0x10800] =	vst v63  }
0x55: {  	s29 =	spop (v2sf);
	s30 =	simm.s32 $0x5C00  }
0x56: {  	(v2sf) =	vpush v2, $0xA;
	[tilespmem:s30], [sflag:$0x1] =	stream.linear.gather [hbm4b:s29+s2], $0x400, $0x38;
	[tilespmem:$0x10800] =	vst v63  }
0x57: {  	s29 =	spop (v2sf);
	s30 =	simm.s32 $0x2000  }
0x58: {  	(v2sf) =	vpush v1, $0xB;
	[tilespmem:s30], [sflag:$0x1] =	stream.linear.gather [hbm4b:s29+s2], $0x400, $0x38;
	[tilespmem:$0x10800] =	vst v63  }
0x59: {  	s29 =	spop (v2sf);
	s30 =	simm.s32 $0x6000  }
0x5a: {  	(v2sf) =	vpush v2, $0xB;
	[tilespmem:s30], [sflag:$0x1] =	stream.linear.gather [hbm4b:s29+s2], $0x400, $0x38;
	[tilespmem:$0x10800] =	vst v63  }
0x5b: {  	s29 =	spop (v2sf);
	s30 =	simm.s32 $0x2400  }
0x5c: {  	(v2sf) =	vpush v1, $0xC;
	[tilespmem:s30], [sflag:$0x1] =	stream.linear.gather [hbm4b:s29+s2], $0x400, $0x38;
	[tilespmem:$0x10800] =	vst v63  }
0x5d: {  	s29 =	spop (v2sf);
	s30 =	simm.s32 $0x6400  }
0x5e: {  	(v2sf) =	vpush v2, $0xC;
	[tilespmem:s30], [sflag:$0x1] =	stream.linear.gather [hbm4b:s29+s2], $0x400, $0x38;
	[tilespmem:$0x10800] =	vst v63  }
0x5f: {  	s29 =	spop (v2sf);
	s30 =	simm.s32 $0x2800  }
0x60: {  	(v2sf) =	vpush v1, $0xD;
	[tilespmem:s30], [sflag:$0x1] =	stream.linear.gather [hbm4b:s29+s2], $0x400, $0x38;
	[tilespmem:$0x10800] =	vst v63  }
0x61: {  	s29 =	spop (v2sf);
	s30 =	simm.s32 $0x6800  }
0x62: {  	(v2sf) =	vpush v2, $0xD;
	[tilespmem:s30], [sflag:$0x1] =	stream.linear.gather [hbm4b:s29+s2], $0x400, $0x38;
	[tilespmem:$0x10800] =	vst v63  }
0x63: {  	s29 =	spop (v2sf);
	s30 =	simm.s32 $0x2C00  }
0x64: {  	(v2sf) =	vpush v1, $0xE;
	[tilespmem:s30], [sflag:$0x1] =	stream.linear.gather [hbm4b:s29+s2], $0x400, $0x38;
	[tilespmem:$0x10800] =	vst v63  }
0x65: {  	s29 =	spop (v2sf);
	s30 =	simm.s32 $0x6C00  }
0x66: {  	(v2sf) =	vpush v2, $0xE;
	[tilespmem:s30], [sflag:$0x1] =	stream.linear.gather [hbm4b:s29+s2], $0x400, $0x38;
	[tilespmem:$0x10800] =	vst v63  }
0x67: {  	s29 =	spop (v2sf);
	s30 =	simm.s32 $0x3000  }
0x68: {  	[tilespmem:s30], [sflag:$0x1] =	stream.linear.gather [hbm4b:s29+s2], $0x400, $0x38;
	[tilespmem:$0x10800] =	vst v63  }
0x69: {  	(v2sf) =	vpush v1, $0xF;
	s29 =	spop (v2sf);
	s30 =	simm.s32 $0x7000  }
0x6a: {  	[tilespmem:s30], [sflag:$0x1] =	stream.linear.gather [hbm4b:s29+s2], $0x400, $0x38;
	[tilespmem:$0x10800] =	vst v63  }
0x6b: {  	(v2sf) =	vpush v2, $0xF;
	s29 =	spop (v2sf);
	s30 =	simm.s32 $0x3400  }
0x6c: {  	[tilespmem:s30], [sflag:$0x1] =	stream.linear.gather [hbm4b:s29+s2], $0x400, $0x38;
	[tilespmem:$0x10800] =	vst v63  }
0x6d: {  	s29 =	spop (v2sf);
	s30 =	simm.s32 $0x7400  }
0x6e: {  	[tilespmem:s30], [sflag:$0x1] =	stream.linear.gather [hbm4b:s29+s2], $0x400, $0x38;
	[tilespmem:$0x10800] =	vst v63  }
0x6f: {  	s29 =	spop (v2sf);
	s30 =	simm.s32 $0x3800  }
0x70: {  	[tilespmem:s30], [sflag:$0x1] =	stream.linear.gather [hbm4b:s29+s2], $0x400, $0x38;
	[tilespmem:$0x10800] =	vst v63  }
0x71: {  	s29 =	spop (v2sf);
	s30 =	simm.s32 $0x7800  }
0x72: {  	[tilespmem:s30], [sflag:$0x1] =	stream.linear.gather [hbm4b:s29+s2], $0x400, $0x38;
	[tilespmem:$0x10800] =	vst v63  }
0x73: {  	s29 =	spop (v2sf);
	s30 =	simm.s32 $0x3C00  }
0x74: {  	[tilespmem:s30], [sflag:$0x1] =	stream.linear.gather [hbm4b:s29+s2], $0x400, $0x38;
	[tilespmem:$0x10800] =	vst v63  }
0x75: {  	s29 =	spop (v2sf);
	s30 =	simm.s32 $0x7C00  }
0x76: {  	[tilespmem:s30], [sflag:$0x1] =	stream.linear.gather [hbm4b:s29+s2], $0x400, $0x38;
	[tilespmem:$0x10800] =	vst v63  }
.Ltmp2:
0x77: {  	_ = 	snop;
	(pc) =	sbr.rel .LBB2_2-.Ltmp2, $4  }
0x78: {  	s29 =	spop (v2sf);
	s30 =	simm.s32 $0x4000  }
0x79: {  	[tilespmem:s30], [sflag:$0x1] =	stream.linear.gather [hbm4b:s29+s2], $0x400, $0x38;
	[tilespmem:$0x10800] =	vst v63  }
0x7a: {  	s26 =	simm.s32 $0x0;
	s29 =	spop (v2sf);
	s30 =	simm.s32 $0x8000  }
0x7b: {  	[tilespmem:s30], [sflag:$0x1] =	stream.linear.gather [hbm4b:s29+s2], $0x400, $0x38;
	[tilespmem:$0x10800] =	vst v63  }
.LBB2_4:
0x7c: {  	_ =	swait.ge [sflag:s25], $0x4000  }
0x7d: {  	[sflag:s25] =	ssyncset.done $0x0  }
0x7e: {  	[sflag:s25] =	ssyncadd.s32 $0xFFFFC000  }
0x7f: {  	_ =	swait.ge [sflag:s25], $0x4000  }
0x80: {  	[sflag:s25] =	ssyncset.done $0x0  }
0x81: {  	[sflag:s25] =	ssyncadd.s32 $0xFFFFC000  }
0x82: {  	v1 =	vld [tilespmem:s28+$0x10]  }
0x83: {  	v2 =	vld [tilespmem:s28+$0x210];
	_ =	sdelay $0x3  }
0x84: {  	v1 =	vand.u32 $0x7, v1  }
0x85: {  	v2 =	vand.u32 $0x7, v2;
	v1 =	vshll.u32 v1, $0x7  }
0x86: {  	v3 =	vshll.u32 v2, $0x7;
	v2 =	vor.u32 v0, v1  }
0x87: {  	v1 =	vor.u32 v0, v3  }
0x88: {  	v3 =	vor.u32 $0x1, v2  }
0x89: {  	v4 =	vor.u32 $0x1, v1  }
0x8a: {  	v6 =	vor.u32 $0x2, v2  }
0x8b: {  	v8 =	vor.u32 $0x2, v1;
	v5 =	vld.idx.msk [tilespmem:v2+s17+$0x0], $0xffff  }
0x8c: {  	v9 =	vor.u32 $0x3, v2;
	v7 =	vld.idx.msk [tilespmem:v1+s18+$0x0], $0xffff  }
0x8d: {  	v10 =	vor.u32 $0x3, v1;
	v3 =	vld.idx.msk [tilespmem:v3+s17+$0x0], $0xffff  }
0x8e: {  	v12 =	vor.u32 $0x4, v2;
	v4 =	vld.idx.msk [tilespmem:v4+s18+$0x0], $0xffff  }
0x8f: {  	v14 =	vor.u32 $0x4, v1;
	v6 =	vld.idx.msk [tilespmem:v6+s17+$0x0], $0xffff  }
0x90: {  	v15 =	vor.u32 $0x5, v2;
	v8 =	vld.idx.msk [tilespmem:v8+s18+$0x0], $0xffff  }
0x91: {  	v41 =	vor.u32 $0x5, v1;
	v9 =	vld.idx.msk [tilespmem:v9+s17+$0x0], $0xffff  }
0x92: {  	v45 =	vor.u32 $0x6, v2;
	v10 =	vld.idx.msk [tilespmem:v10+s18+$0x0], $0xffff  }
0x93: {  	v49 =	vor.u32 $0x7, v2;
	v40 =	vld.idx.msk [tilespmem:v12+s17+$0x0], $0xffff  }
0x94: {  	v16 =	vor.u32 $0x7, v1;
	v43 =	vld.idx.msk [tilespmem:v14+s18+$0x0], $0xffff  }
0x95: {  	v53 =	vor.u32 $0x8, v2;
	v48 =	vld.idx.msk [tilespmem:v15+s17+$0x0], $0xffff  }
0x96: {  	v55 =	vor.u32 $0x8, v1;
	v12 =	vld.idx.msk [tilespmem:v41+s18+$0x0], $0xffff  }
0x97: {  	v47 =	vor.u32 $0x6, v1;
	v59 =	vor.u32 $0x9, v2;
	v52 =	vld.idx.msk [tilespmem:v45+s17+$0x0], $0xffff  }
0x98: {  	v61 =	vor.u32 $0x9, v1;
	v21 =	vor.u32 $0xA, v2;
	v24 =	vor.u32 $0xA, v1;
	v56 =	vld.idx.msk [tilespmem:v49+s17+$0x0], $0xffff  }
0x99: {  	v28 =	vor.u32 $0xB, v2;
	v30 =	vor.u32 $0xB, v1;
	v33 =	vor.u32 $0xC, v2;
	v58 =	vld.idx.msk [tilespmem:v16+s18+$0x0], $0xffff  }
0x9a: {  	v35 =	vor.u32 $0xC, v1;
	v38 =	vor.u32 $0xD, v2;
	v63 =	vld.idx.msk [tilespmem:v53+s17+$0x0], $0xffff;
	v11 =	vmul.f32 v5, v5  }
0x9b: {  	v19 =	vld.idx.msk [tilespmem:v55+s18+$0x0], $0xffff;
	v5 =	vsub.f32 v5, v7;
	v7 =	vmul.f32 v7, v7;
	v13 =	vmul.f32 v3, v3  }
0x9c: {  	v23 =	vld.idx.msk [tilespmem:v59+s17+$0x0], $0xffff;
	v3 =	vsub.f32 v3, v4;
	v4 =	vmul.f32 v4, v4;
	v39 =	vmul.f32 v6, v6  }
0x9d: {  	v26 =	vld.idx.msk [tilespmem:v61+s18+$0x0], $0xffff;
	v6 =	vsub.f32 v6, v8;
	v8 =	vmul.f32 v8, v8;
	v44 =	vmul.f32 v9, v9  }
0x9e: {  	v37 =	vld.idx.msk [tilespmem:v28+s17+$0x0], $0xffff;
	v46 =	vsub.f32 v9, v10;
	v10 =	vmul.f32 v10, v10;
	v50 =	vmul.f32 v40, v40  }
0x9f: {  	v45 =	vor.u32 $0xE, v1;
	v51 =	vmul.f32 v43, v43;
	v54 =	vmul.f32 v48, v48  }
0xa0: {  	v31 =	vld.idx.msk [tilespmem:v21+s17+$0x0], $0xffff;
	v21 =	vor.u32 $0x11, v1;
	v57 =	vmul.f32 v12, v12;
	v60 =	vmul.f32 v52, v52  }
0xa1: {  	v32 =	vld.idx.msk [tilespmem:v24+s18+$0x0], $0xffff;
	v24 =	vor.u32 $0x12, v2;
	v20 =	vmul.f32 v56, v56;
	v25 =	vmul.f32 v58, v58  }
0xa2: {  	v22 =	vsub.f32 v56, v58;
	v27 =	vmul.f32 v63, v63;
	v34 =	vmul.f32 v23, v23  }
0xa3: {  	v29 =	vsub.f32 v63, v19;
	v36 =	vmul.f32 v26, v26;
	v15 =	vmul.f32 v37, v37  }
0xa4: {  	v9 =	vld.idx.msk [tilespmem:v47+s18+$0x0], $0xffff;
	v58 =	vor.u32 $0x10, v2;
	v63 =	vor.u32 $0x11, v2;
	v5 =	vmul.f32 v5, v5  }
0xa5: {  	v11 =	vadd.f32 v13, v11;
	v3 =	vmul.f32 v3, v3;
	v4 =	vadd.f32 v4, v7  }
0xa6: {  	v41 =	vld.idx.msk [tilespmem:v33+s17+$0x0], $0xffff;
	v6 =	vmul.f32 v6, v6;
	v7 =	vsub.f32 v40, v43;
	v40 =	vor.u32 $0xD, v1  }
0xa7: {  	v43 =	vld.idx.msk [tilespmem:v35+s18+$0x0], $0xffff;
	v3 =	vadd.f32 v3, v5;
	v4 =	vadd.f32 v8, v4;
	v8 =	vmul.f32 v46, v46  }
0xa8: {  	v33 =	vld.idx.msk [tilespmem:v24+s17+$0x0], $0xffff;
	v42 =	vadd.f32 v39, v11;
	v7 =	vmul.f32 v7, v7;
	v39 =	vmul.f32 v31, v31  }
0xa9: {  	v62 =	vsub.f32 v52, v9;
	v18 =	vmul.f32 v9, v9;
	v3 =	vadd.f32 v6, v3  }
0xaa: {  	v9 =	vmul.f32 v19, v19;
	v5 =	vadd.f32 v44, v42;
	v4 =	vadd.f32 v10, v4  }
0xab: {  	v47 =	vld.idx.msk [tilespmem:v38+s17+$0x0], $0xffff;
	v6 =	vsub.f32 v48, v12;
	v42 =	vmul.f32 v32, v32;
	v44 =	vor.u32 $0xE, v2  }
0xac: {  	v10 =	vld.idx.msk [tilespmem:v30+s18+$0x0], $0xffff;
	v30 =	vor.u32 $0x13, v2;
	v52 =	vsub.f32 v41, v43;
	v55 =	vmul.f32 v43, v43  }
0xad: {  	v49 =	vld.idx.msk [tilespmem:v40+s18+$0x0], $0xffff;
	v40 =	vor.u32 $0x14, v1;
	v43 =	vmul.f32 v33, v33;
	v3 =	vadd.f32 v8, v3  }
0xae: {  	v5 =	vadd.f32 v50, v5;
	v4 =	vadd.f32 v51, v4;
	v6 =	vmul.f32 v6, v6  }
0xaf: {  	v8 =	vmul.f32 v62, v62;
	v50 =	vmul.f32 v41, v41;
	v3 =	vadd.f32 v7, v3  }
0xb0: {  	v51 =	vor.u32 $0xF, v2;
	v5 =	vadd.f32 v54, v5;
	v4 =	vadd.f32 v57, v4  }
0xb1: {  	v56 =	vld.idx.msk [tilespmem:v45+s18+$0x0], $0xffff;
	v7 =	vsub.f32 v23, v26;
	v54 =	vor.u32 $0xF, v1;
	v57 =	vmul.f32 v47, v47  }
0xb2: {  	v26 =	vor.u32 $0x12, v1;
	v46 =	vsub.f32 v37, v10;
	v48 =	vmul.f32 v10, v10  }
0xb3: {  	v53 =	vld.idx.msk [tilespmem:v44+s17+$0x0], $0xffff;
	v37 =	vor.u32 $0x14, v2;
	v44 =	vor.u32 $0x15, v2;
	v3 =	vadd.f32 v6, v3  }
0xb4: {  	v5 =	vadd.f32 v60, v5;
	v4 =	vadd.f32 v18, v4;
	v6 =	vmul.f32 v22, v22  }
0xb5: {  	v7 =	vmul.f32 v7, v7;
	v59 =	vsub.f32 v47, v49;
	v60 =	vor.u32 $0x10, v1  }
0xb6: {  	v10 =	vmul.f32 v49, v49;
	v22 =	vmul.f32 v56, v56;
	v61 =	vld.idx.msk [tilespmem:v51+s17+$0x0], $0xffff;
	v3 =	vadd.f32 v8, v3  }
0xb7: {  	v5 =	vadd.f32 v20, v5;
	v4 =	vadd.f32 v25, v4;
	v8 =	vmul.f32 v29, v29;
	v29 =	vld.idx.msk [tilespmem:v21+s18+$0x0], $0xffff  }
0xb8: {  	v49 =	vor.u32 $0x16, v2;
	v51 =	vor.u32 $0x16, v1;
	v62 =	vld.idx.msk [tilespmem:v54+s18+$0x0], $0xffff;
	v3 =	vadd.f32 v6, v3  }
0xb9: {  	v35 =	vld.idx.msk [tilespmem:v26+s18+$0x0], $0xffff;
	v54 =	vor.u32 $0x17, v2;
	v5 =	vadd.f32 v27, v5;
	v4 =	vadd.f32 v9, v4  }
0xba: {  	v6 =	vsub.f32 v31, v32;
	v20 =	vmul.f32 v53, v53;
	v31 =	vor.u32 $0x13, v1;
	v47 =	vld.idx.msk [tilespmem:v37+s17+$0x0], $0xffff  }
0xbb: {  	v37 =	vor.u32 $0x1C, v2;
	v9 =	vld.idx.msk [tilespmem:v60+s18+$0x0], $0xffff;
	v60 =	vor.u32 $0x18, v2;
	v3 =	vadd.f32 v8, v3  }
0xbc: {  	v27 =	vld.idx.msk [tilespmem:v63+s17+$0x0], $0xffff;
	v5 =	vadd.f32 v34, v5;
	v4 =	vadd.f32 v36, v4;
	v6 =	vmul.f32 v6, v6  }
0xbd: {  	v8 =	vmul.f32 v46, v46;
	v25 =	vmul.f32 v61, v61;
	v46 =	vor.u32 $0x15, v1  }
0xbe: {  	v41 =	vmul.f32 v29, v29;
	v3 =	vadd.f32 v7, v3;
	v5 =	vadd.f32 v39, v5  }
0xbf: {  	v23 =	vld.idx.msk [tilespmem:v58+s17+$0x0], $0xffff;
	v4 =	vadd.f32 v42, v4;
	v7 =	vsub.f32 v53, v56;
	v28 =	vmul.f32 v62, v62  }
0xc0: {  	v45 =	vsub.f32 v33, v35;
	v53 =	vld.idx.msk [tilespmem:v44+s17+$0x0], $0xffff;
	v56 =	vor.u32 $0x17, v1;
	v44 =	vor.u32 $0x1D, v1  }
0xc1: {  	v36 =	vmul.f32 v27, v27;
	v38 =	vsub.f32 v27, v29;
	v27 =	vor.u32 $0x1A, v2  }
0xc2: {  	v39 =	vld.idx.msk [tilespmem:v30+s17+$0x0], $0xffff;
	v29 =	vor.u32 $0x1A, v1;
	v3 =	vadd.f32 v6, v3;
	v5 =	vadd.f32 v15, v5  }
0xc3: {  	v63 =	vld.idx.msk [tilespmem:v54+s17+$0x0], $0xffff;
	v4 =	vadd.f32 v48, v4;
	v6 =	vmul.f32 v52, v52;
	v7 =	vmul.f32 v7, v7  }
0xc4: {  	v42 =	vld.idx.msk [tilespmem:v31+s18+$0x0], $0xffff;
	v15 =	vmul.f32 v23, v23;
	v32 =	vsub.f32 v23, v9;
	v34 =	vmul.f32 v9, v9  }
0xc5: {  	v9 =	vmul.f32 v35, v35;
	v48 =	vld.idx.msk [tilespmem:v40+s18+$0x0], $0xffff;
	v23 =	vor.u32 $0x19, v1;
	v3 =	vadd.f32 v8, v3  }
0xc6: {  	v5 =	vadd.f32 v50, v5;
	v4 =	vadd.f32 v55, v4;
	v8 =	vmul.f32 v59, v59  }
0xc7: {  	v55 =	vmul.f32 v47, v47;
	v59 =	vld.idx.msk [tilespmem:v51+s18+$0x0], $0xffff;
	v50 =	vmul.f32 v39, v39;
	v3 =	vadd.f32 v6, v3  }
0xc8: {  	v18 =	vld.idx.msk [tilespmem:v56+s18+$0x0], $0xffff;
	v26 =	vmul.f32 v63, v63;
	v5 =	vadd.f32 v57, v5;
	v4 =	vadd.f32 v10, v4  }
0xc9: {  	v6 =	vsub.f32 v61, v62;
	v52 =	vmul.f32 v42, v42;
	v10 =	vld.idx.msk [tilespmem:v46+s18+$0x0], $0xffff;
	v61 =	vor.u32 $0x18, v1  }
0xca: {  	v57 =	vld.idx.msk [tilespmem:v49+s17+$0x0], $0xffff;
	v49 =	vor.u32 $0x1E, v1;
	v58 =	vmul.f32 v48, v48;
	v3 =	vadd.f32 v8, v3  }
0xcb: {  	v5 =	vadd.f32 v20, v5;
	v4 =	vadd.f32 v22, v4;
	v6 =	vmul.f32 v6, v6  }
0xcc: {  	v8 =	vmul.f32 v32, v32;
	v20 =	vor.u32 $0x19, v2;
	v3 =	vadd.f32 v7, v3  }
0xcd: {  	v32 =	vor.u32 $0x1B, v2;
	v5 =	vadd.f32 v25, v5;
	v4 =	vadd.f32 v28, v4  }
0xce: {  	v24 =	vmul.f32 v59, v59;
	v7 =	vsub.f32 v39, v42;
	v28 =	vsub.f32 v63, v18  }
0xcf: {  	v31 =	vld.idx.msk [tilespmem:v23+s18+$0x0], $0xffff;
	v39 =	vor.u32 $0x1C, v1;
	v62 =	vsub.f32 v53, v10;
	v17 =	vmul.f32 v10, v10  }
0xd0: {  	v22 =	vld.idx.msk [tilespmem:v60+s17+$0x0], $0xffff;
	v19 =	vmul.f32 v57, v57;
	v10 =	vmul.f32 v18, v18;
	v3 =	vadd.f32 v6, v3  }
0xd1: {  	v5 =	vadd.f32 v15, v5;
	v4 =	vadd.f32 v34, v4;
	v6 =	vmul.f32 v38, v38  }
0xd2: {  	v21 =	vsub.f32 v57, v59;
	v25 =	vld.idx.msk [tilespmem:v61+s18+$0x0], $0xffff;
	v7 =	vmul.f32 v7, v7;
	v15 =	vmul.f32 v53, v53  }
0xd3: {  	v11 =	vld.idx.msk [tilespmem:v49+s18+$0x0], $0xffff;
	v34 =	vor.u32 $0x1B, v1;
	v5 =	vadd.f32 v36, v5;
	v4 =	vadd.f32 v41, v4  }
0xd4: {  	v42 =	vmul.f32 v31, v31;
	v1 =	vor.u32 $0x1F, v1;
	v30 =	vld.idx.msk [tilespmem:v20+s17+$0x0], $0xffff;
	v3 =	vadd.f32 v8, v3  }
0xd5: {  	v33 =	vmul.f32 v22, v22;
	v40 =	vld.idx.msk [tilespmem:v32+s17+$0x0], $0xffff;
	v5 =	vadd.f32 v43, v5;
	v4 =	vadd.f32 v9, v4  }
0xd6: {  	v8 =	vmul.f32 v45, v45;
	v36 =	vld.idx.msk [tilespmem:v27+s17+$0x0], $0xffff;
	v3 =	vadd.f32 v6, v3;
	v6 =	vsub.f32 v47, v48  }
0xd7: {  	v41 =	vor.u32 $0x1D, v2;
	v9 =	vld.idx.msk [tilespmem:v29+s18+$0x0], $0xffff;
	v5 =	vadd.f32 v50, v5;
	v4 =	vadd.f32 v52, v4  }
0xd8: {  	v35 =	vmul.f32 v25, v25;
	v60 =	vmul.f32 v11, v11;
	v3 =	vadd.f32 v8, v3  }
0xd9: {  	v6 =	vmul.f32 v6, v6;
	v5 =	vadd.f32 v55, v5;
	v4 =	vadd.f32 v58, v4  }
0xda: {  	v47 =	vld.idx.msk [tilespmem:v37+s17+$0x0], $0xffff;
	v8 =	vmul.f32 v62, v62;
	v3 =	vadd.f32 v7, v3;
	v7 =	vsub.f32 v22, v25  }
0xdb: {  	v38 =	vmul.f32 v30, v30;
	v5 =	vadd.f32 v15, v5;
	v4 =	vadd.f32 v17, v4  }
0xdc: {  	v51 =	vmul.f32 v40, v40;
	v46 =	vsub.f32 v36, v9;
	v3 =	vadd.f32 v6, v3  }
0xdd: {  	v45 =	vmul.f32 v36, v36;
	v5 =	vadd.f32 v19, v5;
	v4 =	vadd.f32 v24, v4  }
0xde: {  	v43 =	vld.idx.msk [tilespmem:v34+s18+$0x0], $0xffff;
	v9 =	vmul.f32 v9, v9;
	v6 =	vmul.f32 v21, v21;
	v3 =	vadd.f32 v8, v3  }
0xdf: {  	v1 =	vld.idx.msk [tilespmem:v1+s18+$0x0], $0xffff;
	v54 =	vmul.f32 v47, v47;
	v5 =	vadd.f32 v26, v5;
	v4 =	vadd.f32 v10, v4  }
0xe0: {  	v50 =	vld.idx.msk [tilespmem:v41+s17+$0x0], $0xffff;
	v7 =	vmul.f32 v7, v7;
	v8 =	vmul.f32 v28, v28;
	v3 =	vadd.f32 v6, v3  }
0xe1: {  	v17 =	vor.u32 $0x1E, v2;
	v5 =	vadd.f32 v33, v5;
	v4 =	vadd.f32 v35, v4  }
0xe2: {  	v48 =	vld.idx.msk [tilespmem:v39+s18+$0x0], $0xffff;
	v2 =	vor.u32 $0x1F, v2;
	v6 =	vsub.f32 v30, v31;
	v3 =	vadd.f32 v8, v3  }
0xe3: {  	v52 =	vmul.f32 v43, v43;
	v5 =	vadd.f32 v38, v5;
	v4 =	vadd.f32 v42, v4  }
0xe4: {  	v15 =	vld.idx.msk [tilespmem:v44+s18+$0x0], $0xffff;
	v62 =	vmul.f32 v1, v1;
	v6 =	vmul.f32 v6, v6;
	v3 =	vadd.f32 v7, v3  }
0xe5: {  	v55 =	vmul.f32 v50, v50;
	v5 =	vadd.f32 v45, v5;
	v4 =	vadd.f32 v9, v4  }
0xe6: {  	v53 =	vld.idx.msk [tilespmem:v17+s17+$0x0], $0xffff;
	v8 =	vmul.f32 v46, v46;
	v7 =	vsub.f32 v40, v43;
	v3 =	vadd.f32 v6, v3  }
0xe7: {  	v6 =	vmul.f32 v48, v48;
	v5 =	vadd.f32 v51, v5;
	v4 =	vadd.f32 v52, v4  }
0xe8: {  	v10 =	vsub.f32 v47, v48;
	v2 =	vld.idx.msk [tilespmem:v2+s17+$0x0], $0xffff;
	v7 =	vmul.f32 v7, v7;
	v3 =	vadd.f32 v8, v3  }
0xe9: {  	v57 =	vmul.f32 v15, v15;
	v5 =	vadd.f32 v54, v5;
	v4 =	vadd.f32 v6, v4  }
0xea: {  	v59 =	vsub.f32 v50, v15;
	v56 =	vmul.f32 v10, v10;
	v3 =	vadd.f32 v7, v3  }
0xeb: {  	v58 =	vmul.f32 v53, v53;
	v5 =	vadd.f32 v55, v5;
	v4 =	vadd.f32 v57, v4  }
0xec: {  	v8 =	vsub.f32 v53, v11;
	v6 =	vmul.f32 v59, v59;
	v3 =	vadd.f32 v56, v3  }
0xed: {  	v61 =	vmul.f32 v2, v2;
	v5 =	vadd.f32 v58, v5;
	v4 =	vadd.f32 v60, v4  }
0xee: {  	v1 =	vsub.f32 v2, v1;
	v3 =	vadd.f32 v6, v3  }
0xef: {  	v63 =	vmul.f32 v8, v8;
	v5 =	vadd.f32 v61, v5;
	v4 =	vadd.f32 v62, v4  }
0xf0: {  	s26 =	sadd.s32 $0x80, s26;
	v1 =	vmul.f32 v1, v1  }
0xf1: {  	p0 =	sne.s32 s26, $0x800;
	v2 =	vadd.f32 v63, v3;
	v3 =	vmin.f32 v5, $9.999899860e-01;
	v4 =	vmin.f32 v4, $9.999899860e-01  }
.Ltmp3:
0xf2: {  	v3 =	vsub.f32 $1.000000000e+00, v3;
	v4 =	vsub.f32 $1.000000000e+00, v4;
	(pc) =	sbr.rel @!p0 .LBB2_5-.Ltmp3, $4  }
0xf3: {  	v1 =	vadd.f32 v1, v2  }
0xf4: {  	v2 =	vmul.f32 v4, v3  }
0xf5: {  	[tilespmem:s28+$0x10410] =	vst v1  }
0xf6: {  	[tilespmem:s28+$0x10610] =	vst v2  }
.LBB2_2:
0xf7: {  	s28 =	sshra.s32 s26, $0x2  }
0xf8: {  	v1 =	vld [tilespmem:s28+$0x10];
	_ =	sdelay $0x1  }
0xf9: {  	v2 =	vld [tilespmem:s28+$0x210];
	_ =	sdelay $0x2  }
0xfa: {  	v1 =	vand.u32 $0xFFFFFFF8, v1  }
0xfb: {  	v1 =	vshll.u32 v1, $0x4  }
0xfc: {  	v2 =	vand.u32 $0xFFFFFFF8, v2;
	v1 =	vadd.s32 s3, v1  }
0xfd: {  	v2 =	vshll.u32 v2, $0x4;
	(v2sf) =	vpush v1, $0x0  }
0xfe: {  	v2 =	vadd.s32 s3, v2  }
0xff: {  	(v2sf) =	vpush v2, $0x0;
	_ =	sdelay $0x1  }
0x100: {  	(v2sf) =	vpush v1, $0x1;
	_ =	sdelay $0x1  }
0x101: {  	(v2sf) =	vpush v2, $0x1;
	_ =	sdelay $0x1  }
0x102: {  	(v2sf) =	vpush v1, $0x2;
	_ =	sdelay $0x1  }
0x103: {  	(v2sf) =	vpush v2, $0x2;
	_ =	sdelay $0x1  }
0x104: {  	(v2sf) =	vpush v1, $0x3;
	_ =	sdelay $0x1  }
0x105: {  	(v2sf) =	vpush v2, $0x3  }
0x106: {  	s29 =	spop (v2sf)  }
0x107: {  	(v2sf) =	vpush v1, $0x4;
	[tilespmem:s17], [sflag:$0x2] =	stream.linear.gather [hbm4b:s29+s2], $0x400, $0x38;
	[tilespmem:$0x10800] =	vst v63  }
0x108: {  	s30 =	spop (v2sf)  }
0x109: {  	(v2sf) =	vpush v2, $0x4;
	[tilespmem:s18], [sflag:$0x2] =	stream.linear.gather [hbm4b:s30+s2], $0x400, $0x38;
	[tilespmem:$0x10800] =	vst v63  }
0x10a: {  	s29 =	spop (v2sf);
	s30 =	simm.s32 $0x8800  }
0x10b: {  	(v2sf) =	vpush v1, $0x5;
	[tilespmem:s30], [sflag:$0x2] =	stream.linear.gather [hbm4b:s29+s2], $0x400, $0x38;
	[tilespmem:$0x10800] =	vst v63  }
0x10c: {  	s29 =	spop (v2sf);
	s30 =	simm.s32 $0xC800  }
0x10d: {  	(v2sf) =	vpush v2, $0x5;
	[tilespmem:s30], [sflag:$0x2] =	stream.linear.gather [hbm4b:s29+s2], $0x400, $0x38;
	[tilespmem:$0x10800] =	vst v63  }
0x10e: {  	s29 =	spop (v2sf);
	s30 =	simm.s32 $0x8C00  }
0x10f: {  	(v2sf) =	vpush v1, $0x6;
	[tilespmem:s30], [sflag:$0x2] =	stream.linear.gather [hbm4b:s29+s2], $0x400, $0x38;
	[tilespmem:$0x10800] =	vst v63  }
0x110: {  	s29 =	spop (v2sf);
	s30 =	simm.s32 $0xCC00  }
0x111: {  	(v2sf) =	vpush v2, $0x6;
	[tilespmem:s30], [sflag:$0x2] =	stream.linear.gather [hbm4b:s29+s2], $0x400, $0x38;
	[tilespmem:$0x10800] =	vst v63  }
0x112: {  	s29 =	spop (v2sf);
	s30 =	simm.s32 $0x9000  }
0x113: {  	(v2sf) =	vpush v1, $0x7;
	[tilespmem:s30], [sflag:$0x2] =	stream.linear.gather [hbm4b:s29+s2], $0x400, $0x38;
	[tilespmem:$0x10800] =	vst v63  }
0x114: {  	s29 =	spop (v2sf);
	s30 =	simm.s32 $0xD000  }
0x115: {  	(v2sf) =	vpush v2, $0x7;
	[tilespmem:s30], [sflag:$0x2] =	stream.linear.gather [hbm4b:s29+s2], $0x400, $0x38;
	[tilespmem:$0x10800] =	vst v63  }
0x116: {  	s29 =	spop (v2sf);
	s30 =	simm.s32 $0x9400  }
0x117: {  	(v2sf) =	vpush v1, $0x8;
	[tilespmem:s30], [sflag:$0x2] =	stream.linear.gather [hbm4b:s29+s2], $0x400, $0x38;
	[tilespmem:$0x10800] =	vst v63  }
0x118: {  	s29 =	spop (v2sf);
	s30 =	simm.s32 $0xD400  }
0x119: {  	(v2sf) =	vpush v2, $0x8;
	[tilespmem:s30], [sflag:$0x2] =	stream.linear.gather [hbm4b:s29+s2], $0x400, $0x38;
	[tilespmem:$0x10800] =	vst v63  }
0x11a: {  	s29 =	spop (v2sf);
	s30 =	simm.s32 $0x9800  }
0x11b: {  	(v2sf) =	vpush v1, $0x9;
	[tilespmem:s30], [sflag:$0x2] =	stream.linear.gather [hbm4b:s29+s2], $0x400, $0x38;
	[tilespmem:$0x10800] =	vst v63  }
0x11c: {  	s29 =	spop (v2sf);
	s30 =	simm.s32 $0xD800  }
0x11d: {  	(v2sf) =	vpush v2, $0x9;
	[tilespmem:s30], [sflag:$0x2] =	stream.linear.gather [hbm4b:s29+s2], $0x400, $0x38;
	[tilespmem:$0x10800] =	vst v63  }
0x11e: {  	s29 =	spop (v2sf);
	s30 =	simm.s32 $0x9C00  }
0x11f: {  	(v2sf) =	vpush v1, $0xA;
	[tilespmem:s30], [sflag:$0x2] =	stream.linear.gather [hbm4b:s29+s2], $0x400, $0x38;
	[tilespmem:$0x10800] =	vst v63  }
0x120: {  	s30 =	spop (v2sf)  }
0x121: {  	(v2sf) =	vpush v2, $0xA;
	[tilespmem:s31], [sflag:$0x2] =	stream.linear.gather [hbm4b:s30+s2], $0x400, $0x38;
	[tilespmem:$0x10800] =	vst v63  }
0x122: {  	s30 =	spop (v2sf)  }
0x123: {  	(v2sf) =	vpush v1, $0xB;
	[tilespmem:s1], [sflag:$0x2] =	stream.linear.gather [hbm4b:s30+s2], $0x400, $0x38;
	[tilespmem:$0x10800] =	vst v63  }
0x124: {  	s30 =	spop (v2sf)  }
0x125: {  	(v2sf) =	vpush v2, $0xB;
	[tilespmem:s0], [sflag:$0x2] =	stream.linear.gather [hbm4b:s30+s2], $0x400, $0x38;
	[tilespmem:$0x10800] =	vst v63  }
0x126: {  	s30 =	spop (v2sf)  }
0x127: {  	(v2sf) =	vpush v1, $0xC;
	[tilespmem:s12], [sflag:$0x2] =	stream.linear.gather [hbm4b:s30+s2], $0x400, $0x38;
	[tilespmem:$0x10800] =	vst v63  }
0x128: {  	s30 =	spop (v2sf)  }
0x129: {  	(v2sf) =	vpush v2, $0xC;
	[tilespmem:s9], [sflag:$0x2] =	stream.linear.gather [hbm4b:s30+s2], $0x400, $0x38;
	[tilespmem:$0x10800] =	vst v63  }
0x12a: {  	s30 =	spop (v2sf)  }
0x12b: {  	(v2sf) =	vpush v1, $0xD;
	[tilespmem:s4], [sflag:$0x2] =	stream.linear.gather [hbm4b:s30+s2], $0x400, $0x38;
	[tilespmem:$0x10800] =	vst v63  }
0x12c: {  	s30 =	spop (v2sf)  }
0x12d: {  	(v2sf) =	vpush v2, $0xD;
	[tilespmem:s5], [sflag:$0x2] =	stream.linear.gather [hbm4b:s30+s2], $0x400, $0x38;
	[tilespmem:$0x10800] =	vst v63  }
0x12e: {  	s30 =	spop (v2sf)  }
0x12f: {  	(v2sf) =	vpush v1, $0xE;
	[tilespmem:s6], [sflag:$0x2] =	stream.linear.gather [hbm4b:s30+s2], $0x400, $0x38;
	[tilespmem:$0x10800] =	vst v63  }
0x130: {  	s30 =	spop (v2sf)  }
0x131: {  	(v2sf) =	vpush v2, $0xE;
	[tilespmem:s7], [sflag:$0x2] =	stream.linear.gather [hbm4b:s30+s2], $0x400, $0x38;
	[tilespmem:$0x10800] =	vst v63  }
0x132: {  	s30 =	spop (v2sf)  }
0x133: {  	(v2sf) =	vpush v1, $0xF;
	[tilespmem:s8], [sflag:$0x2] =	stream.linear.gather [hbm4b:s30+s2], $0x400, $0x38;
	[tilespmem:$0x10800] =	vst v63  }
0x134: {  	s30 =	spop (v2sf)  }
0x135: {  	(v2sf) =	vpush v2, $0xF;
	[tilespmem:s11], [sflag:$0x2] =	stream.linear.gather [hbm4b:s30+s2], $0x400, $0x38;
	[tilespmem:$0x10800] =	vst v63  }
0x136: {  	s30 =	spop (v2sf)  }
0x137: {  	[tilespmem:s14], [sflag:$0x2] =	stream.linear.gather [hbm4b:s30+s2], $0x400, $0x38;
	[tilespmem:$0x10800] =	vst v63  }
0x138: {  	s30 =	spop (v2sf)  }
0x139: {  	[tilespmem:s15], [sflag:$0x2] =	stream.linear.gather [hbm4b:s30+s2], $0x400, $0x38;
	[tilespmem:$0x10800] =	vst v63  }
0x13a: {  	s30 =	spop (v2sf)  }
0x13b: {  	[tilespmem:s16], [sflag:$0x2] =	stream.linear.gather [hbm4b:s30+s2], $0x400, $0x38;
	[tilespmem:$0x10800] =	vst v63  }
0x13c: {  	s30 =	spop (v2sf)  }
0x13d: {  	[tilespmem:s19], [sflag:$0x2] =	stream.linear.gather [hbm4b:s30+s2], $0x400, $0x38;
	[tilespmem:$0x10800] =	vst v63  }
0x13e: {  	s30 =	spop (v2sf)  }
0x13f: {  	[tilespmem:s20], [sflag:$0x2] =	stream.linear.gather [hbm4b:s30+s2], $0x400, $0x38;
	[tilespmem:$0x10800] =	vst v63  }
0x140: {  	s30 =	spop (v2sf)  }
0x141: {  	[tilespmem:s21], [sflag:$0x2] =	stream.linear.gather [hbm4b:s30+s2], $0x400, $0x38;
	[tilespmem:$0x10800] =	vst v63  }
0x142: {  	s30 =	spop (v2sf)  }
0x143: {  	[tilespmem:s22], [sflag:$0x2] =	stream.linear.gather [hbm4b:s30+s2], $0x400, $0x38;
	[tilespmem:$0x10800] =	vst v63  }
0x144: {  	s30 =	spop (v2sf)  }
0x145: {  	[tilespmem:s23], [sflag:$0x2] =	stream.linear.gather [hbm4b:s30+s2], $0x400, $0x38;
	[tilespmem:$0x10800] =	vst v63  }
0x146: {  	_ =	swait.ge [sflag:s24], $0x4000  }
0x147: {  	[sflag:s24] =	ssyncset.done $0x0  }
0x148: {  	[sflag:s24] =	ssyncadd.s32 $0xFFFFC000  }
0x149: {  	_ =	swait.ge [sflag:s24], $0x4000  }
0x14a: {  	[sflag:s24] =	ssyncset.done $0x0  }
0x14b: {  	[sflag:s24] =	ssyncadd.s32 $0xFFFFC000  }
0x14c: {  	v1 =	vld [tilespmem:s28+$0x0]  }
0x14d: {  	v2 =	vld [tilespmem:s28+$0x200];
	_ =	sdelay $0x3  }
0x14e: {  	v1 =	vand.u32 $0x7, v1  }
0x14f: {  	v2 =	vand.u32 $0x7, v2;
	v1 =	vshll.u32 v1, $0x7  }
0x150: {  	v3 =	vshll.u32 v2, $0x7;
	v2 =	vor.u32 v0, v1  }
0x151: {  	v1 =	vor.u32 v0, v3  }
0x152: {  	v3 =	vor.u32 $0x1, v2  }
0x153: {  	v4 =	vor.u32 $0x1, v1  }
0x154: {  	v6 =	vor.u32 $0x2, v2  }
0x155: {  	v8 =	vor.u32 $0x2, v1;
	v5 =	vld.idx.msk [tilespmem:v2+s10+$0x0], $0xffff  }
0x156: {  	v9 =	vor.u32 $0x3, v2;
	v7 =	vld.idx.msk [tilespmem:v1+s13+$0x0], $0xffff  }
0x157: {  	v10 =	vor.u32 $0x3, v1;
	v3 =	vld.idx.msk [tilespmem:v3+s10+$0x0], $0xffff  }
0x158: {  	v12 =	vor.u32 $0x4, v2;
	v4 =	vld.idx.msk [tilespmem:v4+s13+$0x0], $0xffff  }
0x159: {  	v14 =	vor.u32 $0x4, v1;
	v6 =	vld.idx.msk [tilespmem:v6+s10+$0x0], $0xffff  }
0x15a: {  	v15 =	vor.u32 $0x5, v2;
	v8 =	vld.idx.msk [tilespmem:v8+s13+$0x0], $0xffff  }
0x15b: {  	v41 =	vor.u32 $0x5, v1;
	v9 =	vld.idx.msk [tilespmem:v9+s10+$0x0], $0xffff  }
0x15c: {  	v45 =	vor.u32 $0x6, v2;
	v10 =	vld.idx.msk [tilespmem:v10+s13+$0x0], $0xffff  }
0x15d: {  	v49 =	vor.u32 $0x7, v2;
	v40 =	vld.idx.msk [tilespmem:v12+s10+$0x0], $0xffff  }
0x15e: {  	v16 =	vor.u32 $0x7, v1;
	v43 =	vld.idx.msk [tilespmem:v14+s13+$0x0], $0xffff  }
0x15f: {  	v53 =	vor.u32 $0x8, v2;
	v48 =	vld.idx.msk [tilespmem:v15+s10+$0x0], $0xffff  }
0x160: {  	v55 =	vor.u32 $0x8, v1;
	v12 =	vld.idx.msk [tilespmem:v41+s13+$0x0], $0xffff  }
0x161: {  	v47 =	vor.u32 $0x6, v1;
	v59 =	vor.u32 $0x9, v2;
	v52 =	vld.idx.msk [tilespmem:v45+s10+$0x0], $0xffff  }
0x162: {  	v61 =	vor.u32 $0x9, v1;
	v21 =	vor.u32 $0xA, v2;
	v24 =	vor.u32 $0xA, v1;
	v56 =	vld.idx.msk [tilespmem:v49+s10+$0x0], $0xffff  }
0x163: {  	v28 =	vor.u32 $0xB, v2;
	v30 =	vor.u32 $0xB, v1;
	v33 =	vor.u32 $0xC, v2;
	v58 =	vld.idx.msk [tilespmem:v16+s13+$0x0], $0xffff  }
0x164: {  	v35 =	vor.u32 $0xC, v1;
	v38 =	vor.u32 $0xD, v2;
	v63 =	vld.idx.msk [tilespmem:v53+s10+$0x0], $0xffff;
	v11 =	vmul.f32 v5, v5  }
0x165: {  	v19 =	vld.idx.msk [tilespmem:v55+s13+$0x0], $0xffff;
	v5 =	vsub.f32 v5, v7;
	v7 =	vmul.f32 v7, v7;
	v13 =	vmul.f32 v3, v3  }
0x166: {  	v23 =	vld.idx.msk [tilespmem:v59+s10+$0x0], $0xffff;
	v3 =	vsub.f32 v3, v4;
	v4 =	vmul.f32 v4, v4;
	v39 =	vmul.f32 v6, v6  }
0x167: {  	v26 =	vld.idx.msk [tilespmem:v61+s13+$0x0], $0xffff;
	v6 =	vsub.f32 v6, v8;
	v8 =	vmul.f32 v8, v8;
	v44 =	vmul.f32 v9, v9  }
0x168: {  	v37 =	vld.idx.msk [tilespmem:v28+s10+$0x0], $0xffff;
	v46 =	vsub.f32 v9, v10;
	v10 =	vmul.f32 v10, v10;
	v50 =	vmul.f32 v40, v40  }
0x169: {  	v45 =	vor.u32 $0xE, v1;
	v51 =	vmul.f32 v43, v43;
	v54 =	vmul.f32 v48, v48  }
0x16a: {  	v31 =	vld.idx.msk [tilespmem:v21+s10+$0x0], $0xffff;
	v21 =	vor.u32 $0x11, v1;
	v57 =	vmul.f32 v12, v12;
	v60 =	vmul.f32 v52, v52  }
0x16b: {  	v32 =	vld.idx.msk [tilespmem:v24+s13+$0x0], $0xffff;
	v24 =	vor.u32 $0x12, v2;
	v20 =	vmul.f32 v56, v56;
	v25 =	vmul.f32 v58, v58  }
0x16c: {  	v22 =	vsub.f32 v56, v58;
	v27 =	vmul.f32 v63, v63;
	v34 =	vmul.f32 v23, v23  }
0x16d: {  	v29 =	vsub.f32 v63, v19;
	v36 =	vmul.f32 v26, v26;
	v15 =	vmul.f32 v37, v37  }
0x16e: {  	v9 =	vld.idx.msk [tilespmem:v47+s13+$0x0], $0xffff;
	v58 =	vor.u32 $0x10, v2;
	v63 =	vor.u32 $0x11, v2;
	v5 =	vmul.f32 v5, v5  }
0x16f: {  	v11 =	vadd.f32 v13, v11;
	v3 =	vmul.f32 v3, v3;
	v4 =	vadd.f32 v4, v7  }
0x170: {  	v41 =	vld.idx.msk [tilespmem:v33+s10+$0x0], $0xffff;
	v6 =	vmul.f32 v6, v6;
	v7 =	vsub.f32 v40, v43;
	v40 =	vor.u32 $0xD, v1  }
0x171: {  	v43 =	vld.idx.msk [tilespmem:v35+s13+$0x0], $0xffff;
	v3 =	vadd.f32 v3, v5;
	v4 =	vadd.f32 v8, v4;
	v8 =	vmul.f32 v46, v46  }
0x172: {  	v33 =	vld.idx.msk [tilespmem:v24+s10+$0x0], $0xffff;
	v42 =	vadd.f32 v39, v11;
	v7 =	vmul.f32 v7, v7;
	v39 =	vmul.f32 v31, v31  }
0x173: {  	v62 =	vsub.f32 v52, v9;
	v18 =	vmul.f32 v9, v9;
	v3 =	vadd.f32 v6, v3  }
0x174: {  	v9 =	vmul.f32 v19, v19;
	v5 =	vadd.f32 v44, v42;
	v4 =	vadd.f32 v10, v4  }
0x175: {  	v47 =	vld.idx.msk [tilespmem:v38+s10+$0x0], $0xffff;
	v6 =	vsub.f32 v48, v12;
	v42 =	vmul.f32 v32, v32;
	v44 =	vor.u32 $0xE, v2  }
0x176: {  	v10 =	vld.idx.msk [tilespmem:v30+s13+$0x0], $0xffff;
	v30 =	vor.u32 $0x13, v2;
	v52 =	vsub.f32 v41, v43;
	v55 =	vmul.f32 v43, v43  }
0x177: {  	v49 =	vld.idx.msk [tilespmem:v40+s13+$0x0], $0xffff;
	v40 =	vor.u32 $0x14, v1;
	v43 =	vmul.f32 v33, v33;
	v3 =	vadd.f32 v8, v3  }
0x178: {  	v5 =	vadd.f32 v50, v5;
	v4 =	vadd.f32 v51, v4;
	v6 =	vmul.f32 v6, v6  }
0x179: {  	v8 =	vmul.f32 v62, v62;
	v50 =	vmul.f32 v41, v41;
	v3 =	vadd.f32 v7, v3  }
0x17a: {  	v51 =	vor.u32 $0xF, v2;
	v5 =	vadd.f32 v54, v5;
	v4 =	vadd.f32 v57, v4  }
0x17b: {  	v56 =	vld.idx.msk [tilespmem:v45+s13+$0x0], $0xffff;
	v7 =	vsub.f32 v23, v26;
	v54 =	vor.u32 $0xF, v1;
	v57 =	vmul.f32 v47, v47  }
0x17c: {  	v26 =	vor.u32 $0x12, v1;
	v46 =	vsub.f32 v37, v10;
	v48 =	vmul.f32 v10, v10  }
0x17d: {  	v53 =	vld.idx.msk [tilespmem:v44+s10+$0x0], $0xffff;
	v37 =	vor.u32 $0x14, v2;
	v44 =	vor.u32 $0x15, v2;
	v3 =	vadd.f32 v6, v3  }
0x17e: {  	v5 =	vadd.f32 v60, v5;
	v4 =	vadd.f32 v18, v4;
	v6 =	vmul.f32 v22, v22  }
0x17f: {  	v7 =	vmul.f32 v7, v7;
	v59 =	vsub.f32 v47, v49;
	v60 =	vor.u32 $0x10, v1  }
0x180: {  	v10 =	vmul.f32 v49, v49;
	v22 =	vmul.f32 v56, v56;
	v61 =	vld.idx.msk [tilespmem:v51+s10+$0x0], $0xffff;
	v3 =	vadd.f32 v8, v3  }
0x181: {  	v5 =	vadd.f32 v20, v5;
	v4 =	vadd.f32 v25, v4;
	v8 =	vmul.f32 v29, v29;
	v29 =	vld.idx.msk [tilespmem:v21+s13+$0x0], $0xffff  }
0x182: {  	v49 =	vor.u32 $0x16, v2;
	v51 =	vor.u32 $0x16, v1;
	v62 =	vld.idx.msk [tilespmem:v54+s13+$0x0], $0xffff;
	v3 =	vadd.f32 v6, v3  }
0x183: {  	v35 =	vld.idx.msk [tilespmem:v26+s13+$0x0], $0xffff;
	v54 =	vor.u32 $0x17, v2;
	v5 =	vadd.f32 v27, v5;
	v4 =	vadd.f32 v9, v4  }
0x184: {  	v6 =	vsub.f32 v31, v32;
	v20 =	vmul.f32 v53, v53;
	v31 =	vor.u32 $0x13, v1;
	v47 =	vld.idx.msk [tilespmem:v37+s10+$0x0], $0xffff  }
0x185: {  	v37 =	vor.u32 $0x1C, v2;
	v9 =	vld.idx.msk [tilespmem:v60+s13+$0x0], $0xffff;
	v60 =	vor.u32 $0x18, v2;
	v3 =	vadd.f32 v8, v3  }
0x186: {  	v27 =	vld.idx.msk [tilespmem:v63+s10+$0x0], $0xffff;
	v5 =	vadd.f32 v34, v5;
	v4 =	vadd.f32 v36, v4;
	v6 =	vmul.f32 v6, v6  }
0x187: {  	v8 =	vmul.f32 v46, v46;
	v25 =	vmul.f32 v61, v61;
	v46 =	vor.u32 $0x15, v1  }
0x188: {  	v41 =	vmul.f32 v29, v29;
	v3 =	vadd.f32 v7, v3;
	v5 =	vadd.f32 v39, v5  }
0x189: {  	v23 =	vld.idx.msk [tilespmem:v58+s10+$0x0], $0xffff;
	v4 =	vadd.f32 v42, v4;
	v7 =	vsub.f32 v53, v56;
	v28 =	vmul.f32 v62, v62  }
0x18a: {  	v45 =	vsub.f32 v33, v35;
	v53 =	vld.idx.msk [tilespmem:v44+s10+$0x0], $0xffff;
	v56 =	vor.u32 $0x17, v1;
	v44 =	vor.u32 $0x1D, v1  }
0x18b: {  	v36 =	vmul.f32 v27, v27;
	v38 =	vsub.f32 v27, v29;
	v27 =	vor.u32 $0x1A, v2  }
0x18c: {  	v39 =	vld.idx.msk [tilespmem:v30+s10+$0x0], $0xffff;
	v29 =	vor.u32 $0x1A, v1;
	v3 =	vadd.f32 v6, v3;
	v5 =	vadd.f32 v15, v5  }
0x18d: {  	v63 =	vld.idx.msk [tilespmem:v54+s10+$0x0], $0xffff;
	v4 =	vadd.f32 v48, v4;
	v6 =	vmul.f32 v52, v52;
	v7 =	vmul.f32 v7, v7  }
0x18e: {  	v42 =	vld.idx.msk [tilespmem:v31+s13+$0x0], $0xffff;
	v15 =	vmul.f32 v23, v23;
	v32 =	vsub.f32 v23, v9;
	v34 =	vmul.f32 v9, v9  }
0x18f: {  	v9 =	vmul.f32 v35, v35;
	v48 =	vld.idx.msk [tilespmem:v40+s13+$0x0], $0xffff;
	v23 =	vor.u32 $0x19, v1;
	v3 =	vadd.f32 v8, v3  }
0x190: {  	v5 =	vadd.f32 v50, v5;
	v4 =	vadd.f32 v55, v4;
	v8 =	vmul.f32 v59, v59  }
0x191: {  	v55 =	vmul.f32 v47, v47;
	v59 =	vld.idx.msk [tilespmem:v51+s13+$0x0], $0xffff;
	v50 =	vmul.f32 v39, v39;
	v3 =	vadd.f32 v6, v3  }
0x192: {  	v18 =	vld.idx.msk [tilespmem:v56+s13+$0x0], $0xffff;
	v26 =	vmul.f32 v63, v63;
	v5 =	vadd.f32 v57, v5;
	v4 =	vadd.f32 v10, v4  }
0x193: {  	v6 =	vsub.f32 v61, v62;
	v52 =	vmul.f32 v42, v42;
	v10 =	vld.idx.msk [tilespmem:v46+s13+$0x0], $0xffff;
	v61 =	vor.u32 $0x18, v1  }
0x194: {  	v57 =	vld.idx.msk [tilespmem:v49+s10+$0x0], $0xffff;
	v49 =	vor.u32 $0x1E, v1;
	v58 =	vmul.f32 v48, v48;
	v3 =	vadd.f32 v8, v3  }
0x195: {  	v5 =	vadd.f32 v20, v5;
	v4 =	vadd.f32 v22, v4;
	v6 =	vmul.f32 v6, v6  }
0x196: {  	v8 =	vmul.f32 v32, v32;
	v20 =	vor.u32 $0x19, v2;
	v3 =	vadd.f32 v7, v3  }
0x197: {  	v32 =	vor.u32 $0x1B, v2;
	v5 =	vadd.f32 v25, v5;
	v4 =	vadd.f32 v28, v4  }
0x198: {  	v24 =	vmul.f32 v59, v59;
	v7 =	vsub.f32 v39, v42;
	v28 =	vsub.f32 v63, v18  }
0x199: {  	v31 =	vld.idx.msk [tilespmem:v23+s13+$0x0], $0xffff;
	v39 =	vor.u32 $0x1C, v1;
	v62 =	vsub.f32 v53, v10;
	v17 =	vmul.f32 v10, v10  }
0x19a: {  	v22 =	vld.idx.msk [tilespmem:v60+s10+$0x0], $0xffff;
	v19 =	vmul.f32 v57, v57;
	v10 =	vmul.f32 v18, v18;
	v3 =	vadd.f32 v6, v3  }
0x19b: {  	v5 =	vadd.f32 v15, v5;
	v4 =	vadd.f32 v34, v4;
	v6 =	vmul.f32 v38, v38  }
0x19c: {  	v21 =	vsub.f32 v57, v59;
	v25 =	vld.idx.msk [tilespmem:v61+s13+$0x0], $0xffff;
	v7 =	vmul.f32 v7, v7;
	v15 =	vmul.f32 v53, v53  }
0x19d: {  	v11 =	vld.idx.msk [tilespmem:v49+s13+$0x0], $0xffff;
	v34 =	vor.u32 $0x1B, v1;
	v5 =	vadd.f32 v36, v5;
	v4 =	vadd.f32 v41, v4  }
0x19e: {  	v42 =	vmul.f32 v31, v31;
	v1 =	vor.u32 $0x1F, v1;
	v30 =	vld.idx.msk [tilespmem:v20+s10+$0x0], $0xffff;
	v3 =	vadd.f32 v8, v3  }
0x19f: {  	v33 =	vmul.f32 v22, v22;
	v40 =	vld.idx.msk [tilespmem:v32+s10+$0x0], $0xffff;
	v5 =	vadd.f32 v43, v5;
	v4 =	vadd.f32 v9, v4  }
0x1a0: {  	v8 =	vmul.f32 v45, v45;
	v36 =	vld.idx.msk [tilespmem:v27+s10+$0x0], $0xffff;
	v3 =	vadd.f32 v6, v3;
	v6 =	vsub.f32 v47, v48  }
0x1a1: {  	v41 =	vor.u32 $0x1D, v2;
	v9 =	vld.idx.msk [tilespmem:v29+s13+$0x0], $0xffff;
	v5 =	vadd.f32 v50, v5;
	v4 =	vadd.f32 v52, v4  }
0x1a2: {  	v35 =	vmul.f32 v25, v25;
	v60 =	vmul.f32 v11, v11;
	v3 =	vadd.f32 v8, v3  }
0x1a3: {  	v6 =	vmul.f32 v6, v6;
	v5 =	vadd.f32 v55, v5;
	v4 =	vadd.f32 v58, v4  }
0x1a4: {  	v47 =	vld.idx.msk [tilespmem:v37+s10+$0x0], $0xffff;
	v8 =	vmul.f32 v62, v62;
	v3 =	vadd.f32 v7, v3;
	v7 =	vsub.f32 v22, v25  }
0x1a5: {  	v38 =	vmul.f32 v30, v30;
	v5 =	vadd.f32 v15, v5;
	v4 =	vadd.f32 v17, v4  }
0x1a6: {  	v51 =	vmul.f32 v40, v40;
	v46 =	vsub.f32 v36, v9;
	v3 =	vadd.f32 v6, v3  }
0x1a7: {  	v45 =	vmul.f32 v36, v36;
	v5 =	vadd.f32 v19, v5;
	v4 =	vadd.f32 v24, v4  }
0x1a8: {  	v43 =	vld.idx.msk [tilespmem:v34+s13+$0x0], $0xffff;
	v9 =	vmul.f32 v9, v9;
	v6 =	vmul.f32 v21, v21;
	v3 =	vadd.f32 v8, v3  }
0x1a9: {  	v1 =	vld.idx.msk [tilespmem:v1+s13+$0x0], $0xffff;
	v54 =	vmul.f32 v47, v47;
	v5 =	vadd.f32 v26, v5;
	v4 =	vadd.f32 v10, v4  }
0x1aa: {  	v50 =	vld.idx.msk [tilespmem:v41+s10+$0x0], $0xffff;
	v7 =	vmul.f32 v7, v7;
	v8 =	vmul.f32 v28, v28;
	v3 =	vadd.f32 v6, v3  }
0x1ab: {  	v17 =	vor.u32 $0x1E, v2;
	v5 =	vadd.f32 v33, v5;
	v4 =	vadd.f32 v35, v4  }
0x1ac: {  	v48 =	vld.idx.msk [tilespmem:v39+s13+$0x0], $0xffff;
	v2 =	vor.u32 $0x1F, v2;
	v6 =	vsub.f32 v30, v31;
	v3 =	vadd.f32 v8, v3  }
0x1ad: {  	v52 =	vmul.f32 v43, v43;
	v5 =	vadd.f32 v38, v5;
	v4 =	vadd.f32 v42, v4  }
0x1ae: {  	v15 =	vld.idx.msk [tilespmem:v44+s13+$0x0], $0xffff;
	v62 =	vmul.f32 v1, v1;
	v6 =	vmul.f32 v6, v6;
	v3 =	vadd.f32 v7, v3  }
0x1af: {  	v55 =	vmul.f32 v50, v50;
	v5 =	vadd.f32 v45, v5;
	v4 =	vadd.f32 v9, v4  }
0x1b0: {  	v53 =	vld.idx.msk [tilespmem:v17+s10+$0x0], $0xffff;
	v8 =	vmul.f32 v46, v46;
	v7 =	vsub.f32 v40, v43;
	v3 =	vadd.f32 v6, v3  }
0x1b1: {  	v6 =	vmul.f32 v48, v48;
	v5 =	vadd.f32 v51, v5;
	v4 =	vadd.f32 v52, v4  }
0x1b2: {  	v10 =	vsub.f32 v47, v48;
	v2 =	vld.idx.msk [tilespmem:v2+s10+$0x0], $0xffff;
	v7 =	vmul.f32 v7, v7;
	v3 =	vadd.f32 v8, v3  }
0x1b3: {  	v57 =	vmul.f32 v15, v15;
	v5 =	vadd.f32 v54, v5;
	v4 =	vadd.f32 v6, v4  }
0x1b4: {  	v59 =	vsub.f32 v50, v15;
	v56 =	vmul.f32 v10, v10;
	v3 =	vadd.f32 v7, v3  }
0x1b5: {  	v58 =	vmul.f32 v53, v53;
	v5 =	vadd.f32 v55, v5;
	v4 =	vadd.f32 v57, v4  }
0x1b6: {  	v8 =	vsub.f32 v53, v11;
	v6 =	vmul.f32 v59, v59;
	v3 =	vadd.f32 v56, v3  }
0x1b7: {  	v61 =	vmul.f32 v2, v2;
	v5 =	vadd.f32 v58, v5;
	v4 =	vadd.f32 v60, v4  }
0x1b8: {  	v1 =	vsub.f32 v2, v1;
	v3 =	vadd.f32 v6, v3  }
0x1b9: {  	v63 =	vmul.f32 v8, v8;
	v5 =	vadd.f32 v61, v5;
	v4 =	vadd.f32 v62, v4  }
0x1ba: {  	v1 =	vmul.f32 v1, v1  }
0x1bb: {  	p0 =	seq.s32 s26, $0x780;
	v2 =	vadd.f32 v63, v3;
	v3 =	vmin.f32 v5, $9.999899860e-01;
	v4 =	vmin.f32 v4, $9.999899860e-01  }
.Ltmp4:
0x1bc: {  	v3 =	vsub.f32 $1.000000000e+00, v3;
	v4 =	vsub.f32 $1.000000000e+00, v4;
	(pc) =	sbr.rel @p0 .LBB2_4-.Ltmp4, $4  }
0x1bd: {  	v1 =	vadd.f32 v1, v2  }
0x1be: {  	v2 =	vmul.f32 v4, v3  }
0x1bf: {  	[tilespmem:s28+$0x10400] =	vst v1  }
0x1c0: {  	[tilespmem:s28+$0x10600] =	vst v2  }
0x1c1: {  	v1 =	vld [tilespmem:s28+$0x20];
	_ =	sdelay $0x1  }
0x1c2: {  	v2 =	vld [tilespmem:s28+$0x220];
	_ =	sdelay $0x2  }
0x1c3: {  	v1 =	vand.u32 $0xFFFFFFF8, v1  }
0x1c4: {  	v1 =	vshll.u32 v1, $0x4  }
0x1c5: {  	v2 =	vand.u32 $0xFFFFFFF8, v2;
	v1 =	vadd.s32 s3, v1  }
0x1c6: {  	v2 =	vshll.u32 v2, $0x4;
	(v2sf) =	vpush v1, $0x0  }
0x1c7: {  	v2 =	vadd.s32 s3, v2  }
0x1c8: {  	(v2sf) =	vpush v2, $0x0;
	_ =	sdelay $0x1  }
0x1c9: {  	(v2sf) =	vpush v1, $0x1;
	_ =	sdelay $0x1  }
0x1ca: {  	(v2sf) =	vpush v2, $0x1;
	_ =	sdelay $0x1  }
0x1cb: {  	(v2sf) =	vpush v1, $0x2;
	_ =	sdelay $0x1  }
0x1cc: {  	(v2sf) =	vpush v2, $0x2;
	_ =	sdelay $0x1  }
0x1cd: {  	(v2sf) =	vpush v1, $0x3;
	_ =	sdelay $0x1  }
0x1ce: {  	(v2sf) =	vpush v2, $0x3  }
0x1cf: {  	s29 =	spop (v2sf)  }
0x1d0: {  	(v2sf) =	vpush v1, $0x4;
	[tilespmem:s10], [sflag:$0x1] =	stream.linear.gather [hbm4b:s29+s2], $0x400, $0x38;
	[tilespmem:$0x10800] =	vst v63  }
0x1d1: {  	s30 =	spop (v2sf)  }
0x1d2: {  	(v2sf) =	vpush v2, $0x4;
	[tilespmem:s13], [sflag:$0x1] =	stream.linear.gather [hbm4b:s30+s2], $0x400, $0x38;
	[tilespmem:$0x10800] =	vst v63  }
0x1d3: {  	s29 =	spop (v2sf);
	s30 =	simm.s32 $0x800  }
0x1d4: {  	(v2sf) =	vpush v1, $0x5;
	[tilespmem:s30], [sflag:$0x1] =	stream.linear.gather [hbm4b:s29+s2], $0x400, $0x38;
	[tilespmem:$0x10800] =	vst v63  }
0x1d5: {  	s29 =	spop (v2sf);
	s30 =	simm.s32 $0x4800  }
0x1d6: {  	(v2sf) =	vpush v2, $0x5;
	[tilespmem:s30], [sflag:$0x1] =	stream.linear.gather [hbm4b:s29+s2], $0x400, $0x38;
	[tilespmem:$0x10800] =	vst v63  }
0x1d7: {  	s29 =	spop (v2sf);
	s30 =	simm.s32 $0xC00  }
0x1d8: {  	(v2sf) =	vpush v1, $0x6;
	[tilespmem:s30], [sflag:$0x1] =	stream.linear.gather [hbm4b:s29+s2], $0x400, $0x38;
	[tilespmem:$0x10800] =	vst v63  }
0x1d9: {  	s29 =	spop (v2sf);
	s30 =	simm.s32 $0x4C00  }
0x1da: {  	(v2sf) =	vpush v2, $0x6;
	[tilespmem:s30], [sflag:$0x1] =	stream.linear.gather [hbm4b:s29+s2], $0x400, $0x38;
	[tilespmem:$0x10800] =	vst v63  }
0x1db: {  	s29 =	spop (v2sf);
	s30 =	simm.s32 $0x1000  }
0x1dc: {  	(v2sf) =	vpush v1, $0x7;
	[tilespmem:s30], [sflag:$0x1] =	stream.linear.gather [hbm4b:s29+s2], $0x400, $0x38;
	[tilespmem:$0x10800] =	vst v63  }
0x1dd: {  	s29 =	spop (v2sf);
	s30 =	simm.s32 $0x5000  }
0x1de: {  	(v2sf) =	vpush v2, $0x7;
	[tilespmem:s30], [sflag:$0x1] =	stream.linear.gather [hbm4b:s29+s2], $0x400, $0x38;
	[tilespmem:$0x10800] =	vst v63  }
0x1df: {  	s29 =	spop (v2sf);
	s30 =	simm.s32 $0x1400  }
0x1e0: {  	(v2sf) =	vpush v1, $0x8;
	[tilespmem:s30], [sflag:$0x1] =	stream.linear.gather [hbm4b:s29+s2], $0x400, $0x38;
	[tilespmem:$0x10800] =	vst v63  }
0x1e1: {  	s29 =	spop (v2sf);
	s30 =	simm.s32 $0x5400  }
0x1e2: {  	(v2sf) =	vpush v2, $0x8;
	[tilespmem:s30], [sflag:$0x1] =	stream.linear.gather [hbm4b:s29+s2], $0x400, $0x38;
	[tilespmem:$0x10800] =	vst v63  }
0x1e3: {  	s29 =	spop (v2sf);
	s30 =	simm.s32 $0x1800  }
0x1e4: {  	(v2sf) =	vpush v1, $0x9;
	[tilespmem:s30], [sflag:$0x1] =	stream.linear.gather [hbm4b:s29+s2], $0x400, $0x38;
	[tilespmem:$0x10800] =	vst v63  }
0x1e5: {  	s29 =	spop (v2sf);
	s30 =	simm.s32 $0x5800  }
0x1e6: {  	(v2sf) =	vpush v2, $0x9;
	[tilespmem:s30], [sflag:$0x1] =	stream.linear.gather [hbm4b:s29+s2], $0x400, $0x38;
	[tilespmem:$0x10800] =	vst v63  }
0x1e7: {  	s29 =	spop (v2sf);
	s30 =	simm.s32 $0x1C00  }
0x1e8: {  	(v2sf) =	vpush v1, $0xA;
	[tilespmem:s30], [sflag:$0x1] =	stream.linear.gather [hbm4b:s29+s2], $0x400, $0x38;
	[tilespmem:$0x10800] =	vst v63  }
0x1e9: {  	s29 =	spop (v2sf);
	s30 =	simm.s32 $0x5C00  }
0x1ea: {  	(v2sf) =	vpush v2, $0xA;
	[tilespmem:s30], [sflag:$0x1] =	stream.linear.gather [hbm4b:s29+s2], $0x400, $0x38;
	[tilespmem:$0x10800] =	vst v63  }
0x1eb: {  	s29 =	spop (v2sf);
	s30 =	simm.s32 $0x2000  }
0x1ec: {  	(v2sf) =	vpush v1, $0xB;
	[tilespmem:s30], [sflag:$0x1] =	stream.linear.gather [hbm4b:s29+s2], $0x400, $0x38;
	[tilespmem:$0x10800] =	vst v63  }
0x1ed: {  	s29 =	spop (v2sf);
	s30 =	simm.s32 $0x6000  }
0x1ee: {  	(v2sf) =	vpush v2, $0xB;
	[tilespmem:s30], [sflag:$0x1] =	stream.linear.gather [hbm4b:s29+s2], $0x400, $0x38;
	[tilespmem:$0x10800] =	vst v63  }
0x1ef: {  	s29 =	spop (v2sf);
	s30 =	simm.s32 $0x2400  }
0x1f0: {  	(v2sf) =	vpush v1, $0xC;
	[tilespmem:s30], [sflag:$0x1] =	stream.linear.gather [hbm4b:s29+s2], $0x400, $0x38;
	[tilespmem:$0x10800] =	vst v63  }
0x1f1: {  	s29 =	spop (v2sf);
	s30 =	simm.s32 $0x6400  }
0x1f2: {  	(v2sf) =	vpush v2, $0xC;
	[tilespmem:s30], [sflag:$0x1] =	stream.linear.gather [hbm4b:s29+s2], $0x400, $0x38;
	[tilespmem:$0x10800] =	vst v63  }
0x1f3: {  	s29 =	spop (v2sf);
	s30 =	simm.s32 $0x2800  }
0x1f4: {  	(v2sf) =	vpush v1, $0xD;
	[tilespmem:s30], [sflag:$0x1] =	stream.linear.gather [hbm4b:s29+s2], $0x400, $0x38;
	[tilespmem:$0x10800] =	vst v63  }
0x1f5: {  	s29 =	spop (v2sf);
	s30 =	simm.s32 $0x6800  }
0x1f6: {  	(v2sf) =	vpush v2, $0xD;
	[tilespmem:s30], [sflag:$0x1] =	stream.linear.gather [hbm4b:s29+s2], $0x400, $0x38;
	[tilespmem:$0x10800] =	vst v63  }
0x1f7: {  	s29 =	spop (v2sf);
	s30 =	simm.s32 $0x2C00  }
0x1f8: {  	(v2sf) =	vpush v1, $0xE;
	[tilespmem:s30], [sflag:$0x1] =	stream.linear.gather [hbm4b:s29+s2], $0x400, $0x38;
	[tilespmem:$0x10800] =	vst v63  }
0x1f9: {  	s29 =	spop (v2sf);
	s30 =	simm.s32 $0x6C00  }
0x1fa: {  	(v2sf) =	vpush v2, $0xE;
	[tilespmem:s30], [sflag:$0x1] =	stream.linear.gather [hbm4b:s29+s2], $0x400, $0x38;
	[tilespmem:$0x10800] =	vst v63  }
0x1fb: {  	s29 =	spop (v2sf);
	s30 =	simm.s32 $0x3000  }
0x1fc: {  	[tilespmem:s30], [sflag:$0x1] =	stream.linear.gather [hbm4b:s29+s2], $0x400, $0x38;
	[tilespmem:$0x10800] =	vst v63  }
0x1fd: {  	(v2sf) =	vpush v1, $0xF;
	s29 =	spop (v2sf);
	s30 =	simm.s32 $0x7000  }
0x1fe: {  	[tilespmem:s30], [sflag:$0x1] =	stream.linear.gather [hbm4b:s29+s2], $0x400, $0x38;
	[tilespmem:$0x10800] =	vst v63  }
0x1ff: {  	(v2sf) =	vpush v2, $0xF;
	s29 =	spop (v2sf);
	s30 =	simm.s32 $0x3400  }
0x200: {  	[tilespmem:s30], [sflag:$0x1] =	stream.linear.gather [hbm4b:s29+s2], $0x400, $0x38;
	[tilespmem:$0x10800] =	vst v63  }
0x201: {  	s29 =	spop (v2sf);
	s30 =	simm.s32 $0x7400  }
0x202: {  	[tilespmem:s30], [sflag:$0x1] =	stream.linear.gather [hbm4b:s29+s2], $0x400, $0x38;
	[tilespmem:$0x10800] =	vst v63  }
0x203: {  	s29 =	spop (v2sf);
	s30 =	simm.s32 $0x3800  }
0x204: {  	[tilespmem:s30], [sflag:$0x1] =	stream.linear.gather [hbm4b:s29+s2], $0x400, $0x38;
	[tilespmem:$0x10800] =	vst v63  }
0x205: {  	s29 =	spop (v2sf);
	s30 =	simm.s32 $0x7800  }
0x206: {  	[tilespmem:s30], [sflag:$0x1] =	stream.linear.gather [hbm4b:s29+s2], $0x400, $0x38;
	[tilespmem:$0x10800] =	vst v63  }
0x207: {  	s29 =	spop (v2sf);
	s30 =	simm.s32 $0x3C00  }
0x208: {  	[tilespmem:s30], [sflag:$0x1] =	stream.linear.gather [hbm4b:s29+s2], $0x400, $0x38;
	[tilespmem:$0x10800] =	vst v63  }
0x209: {  	s29 =	spop (v2sf);
	s30 =	simm.s32 $0x7C00  }
0x20a: {  	[tilespmem:s30], [sflag:$0x1] =	stream.linear.gather [hbm4b:s29+s2], $0x400, $0x38;
	[tilespmem:$0x10800] =	vst v63  }
.Ltmp5:
0x20b: {  	_ = 	snop;
	(pc) =	sbr.rel .LBB2_4-.Ltmp5, $4  }
0x20c: {  	s29 =	spop (v2sf);
	s30 =	simm.s32 $0x4000  }
0x20d: {  	[tilespmem:s30], [sflag:$0x1] =	stream.linear.gather [hbm4b:s29+s2], $0x400, $0x38;
	[tilespmem:$0x10800] =	vst v63  }
0x20e: {  	s29 =	spop (v2sf);
	s30 =	simm.s32 $0x8000  }
0x20f: {  	[tilespmem:s30], [sflag:$0x1] =	stream.linear.gather [hbm4b:s29+s2], $0x400, $0x38;
	[tilespmem:$0x10800] =	vst v63  }
.LBB2_6:
0x210: {  	_ =	sfence.sel $0x180000  }
0x211: {  	[bflag:$0x0] =	sbarrier.arrive $0xFFFF  }
0x212: {  	_ =	strace $0x90000047  }
0x213: {  	s0 =	stileid.u32;
	[bflag:$0x2] =	sbarrier.arrive $0xFFFF  }
0x214: {  	p0 =	sne.s32 s0, $0x0;
	s0 =	rddreg [dreg:$0x2]  }
0x215: {  	s0 =	sadd.s32 @!p0 $0x100000, s0  }
0x216: {  	[sflag:s0] =	ssyncadd.tile.s32 @!p0 $0x1;
	_ =	shalt  }
.Lfunc_end2:
_tile_overlayer_lowered:
.L_overlay_start_2:
0x217: {  	(tag) =	ssettag $0x2  }
0x218: {  	s0 =	rddreg [dreg:$0x0];
	s2 =	stileid.u32  }
0x219: {  	s1 =	rddreg [dreg:$0x1];
	p0 =	sne.s32 s2, $0x0  }
0x21a: {  	s3 =	rddreg [dreg:$0x2];
	[bflag:$0x3] =	sbarrier.arrive $0xFFFF;
	s2 =	simm.s32 @!p0 $0x1C03  }
0x21b: {  	[timem:s3], [sflag:s2] =	dma.local @!p0 [hbm:s0], s1  }
0x21c: {  	s0 =	simm.s32 @!p0 $0x3  }
0x21d: {  	_ =	swait.ge @!p0 [sflag:s0], s1  }
0x21e: {  	s1 =	ssub.s32 @!p0 $0x0, s1;
	[sflag:s0] =	ssyncset.done @!p0 $0x0  }
0x21f: {  	[sflag:s0] =	ssyncadd.s32 @!p0 s1  }
0x220: {  	[bflag:$0x3] =	sbarrier.arrive $0xFFFF  }
0x221: {  	_ =	shalt  }

</sc_bundles>
